<compile_context>
chip_gen: v7x
topology: tpu7x:2x2x1
jax: 0.10.2.dev20260603
libtpu: 0.0.44.dev20260713+nightly
codegen_flags: <defaults>
</compile_context>

<pallas_src>
import functools
import math

import jax
import jax.numpy as jnp
from jax import lax
from jax.experimental import pallas as pl
from jax.experimental.pallas import tpu as pltpu
from jax.experimental.pallas import tpu_sc as plsc

BLK = 128
LANE = 128


def _routing_metadata(actor_idx, n, e, nblk):
    idx = actor_idx.astype(jnp.int32)
    oh = (idx[:, None] == jnp.arange(e, dtype=jnp.int32)[None, :]).astype(jnp.int32)
    rank = jnp.take_along_axis(jnp.cumsum(oh, axis=0) - oh, idx[:, None], axis=1)[:, 0]
    counts = jnp.sum(oh, axis=0)
    padded = ((counts + BLK - 1) // BLK) * BLK
    ends = jnp.cumsum(padded)
    starts = ends - padded
    dest = starts[idx] + rank
    src = jnp.zeros((nblk * BLK,), jnp.int32).at[dest].set(
        jnp.arange(n, dtype=jnp.int32))
    block_rows = jnp.arange(nblk, dtype=jnp.int32) * BLK
    block_expert = jnp.minimum(
        jnp.searchsorted(ends, block_rows, side="right"), e - 1).astype(jnp.int32)
    return src, dest, block_expert


def _sc_gather_in(state3, src, npad, nseg):
    info = plsc.get_sparse_core_info()
    nw = info.num_cores * info.num_subcores
    per_w = npad // nw
    nbuf = 3
    nch = 5
    ch = per_w // nch

    mesh = plsc.VectorSubcoreMesh(core_axis_name="c", subcore_axis_name="s")

    @functools.partial(
        pl.kernel,
        mesh=mesh,
        out_type=jax.ShapeDtypeStruct((nseg, npad, LANE), jnp.float32),
        scratch_types=[
            pltpu.VMEM((per_w,), jnp.int32),
            [pltpu.VMEM((ch, nseg, LANE), jnp.float32) for _ in range(nbuf)],
            [pltpu.SemaphoreType.DMA for _ in range(nbuf)],
        ],
    )
    def gather_kernel(state_hbm, src_hbm, xpad_hbm, idx_v, bufs, sems):
        wid = lax.axis_index("s") * info.num_cores + lax.axis_index("c")
        base = wid * per_w
        pltpu.sync_copy(src_hbm.at[pl.ds(base, per_w)], idx_v)
        gathers, writes = {}, {}
        for c in range(nbuf):
            gathers[c] = pltpu.async_copy(
                state_hbm.at[idx_v.at[pl.ds(c * ch, ch)]], bufs[c], sems[c])
        for c in range(nch):
            gathers[c].wait()
            writes[c] = [
                pltpu.async_copy(
                    bufs[c % nbuf].at[:, j, :],
                    xpad_hbm.at[j, pl.ds(base + c * ch, ch), :],
                    sems[c % nbuf])
                for j in range(nseg)
            ]
            nxt = c + nbuf
            if nxt < nch:
                for w in writes[c]:
                    w.wait()
                gathers[nxt] = pltpu.async_copy(
                    state_hbm.at[idx_v.at[pl.ds(nxt * ch, ch)]],
                    bufs[c % nbuf], sems[c % nbuf])
        for c in range(nch):
            if c + nbuf >= nch:
                for w in writes[c]:
                    w.wait()

    return gather_kernel(state3, src)


def _tc_grouped_head(xpadj, W_mu, b_mu, W_ls, b_ls, block_expert, npad, d, a):
    nblk = npad // BLK
    nseg = d // LANE

    def body(expert_ref, x_ref, wmu_ref, bmu_ref, wls_ref, bls_ref, y_ref):
        del expert_ref
        xj = x_ref[...]
        x = jnp.concatenate([xj[j] for j in range(nseg)], axis=1)
        mu = jnp.dot(x, wmu_ref[0], preferred_element_type=jnp.float32)
        ls = jnp.dot(x, wls_ref[0], preferred_element_type=jnp.float32)
        y_ref[...] = jnp.concatenate(
            [mu + bmu_ref[0], ls + bls_ref[0]], axis=1)

    grid_spec = pltpu.PrefetchScalarGridSpec(
        num_scalar_prefetch=1,
        grid=(nblk,),
        in_specs=[
            pl.BlockSpec((nseg, BLK, LANE), lambda b, er: (0, b, 0)),
            pl.BlockSpec((1, d, a), lambda b, er: (er[b], 0, 0)),
            pl.BlockSpec((1, 1, a), lambda b, er: (er[b], 0, 0)),
            pl.BlockSpec((1, d, a), lambda b, er: (er[b], 0, 0)),
            pl.BlockSpec((1, 1, a), lambda b, er: (er[b], 0, 0)),
        ],
        out_specs=pl.BlockSpec((BLK, 2 * a), lambda b, er: (b, 0)),
    )
    return pl.pallas_call(
        body,
        grid_spec=grid_spec,
        out_shape=jax.ShapeDtypeStruct((npad, 2 * a), jnp.float32),
        compiler_params=pltpu.CompilerParams(
            dimension_semantics=("arbitrary",)),
    )(block_expert, xpadj, W_mu, b_mu.reshape(-1, 1, a),
      W_ls, b_ls.reshape(-1, 1, a))


def _sc_gather_out(y_pad, dest, n, w):
    info = plsc.get_sparse_core_info()
    nw = info.num_cores * info.num_subcores
    per_w = n // nw

    mesh = plsc.VectorSubcoreMesh(core_axis_name="c", subcore_axis_name="s")

    @functools.partial(
        pl.kernel,
        mesh=mesh,
        out_type=jax.ShapeDtypeStruct((n, w), jnp.float32),
        scratch_types=[
            pltpu.VMEM((per_w,), jnp.int32),
            pltpu.VMEM((per_w, w), jnp.float32),
            pltpu.SemaphoreType.DMA,
        ],
    )
    def gather_back(ypad_hbm, dest_hbm, out_hbm, idx_v, rows_v, sem):
        wid = lax.axis_index("s") * info.num_cores + lax.axis_index("c")
        base = wid * per_w
        pltpu.sync_copy(dest_hbm.at[pl.ds(base, per_w)], idx_v)
        pltpu.async_copy(ypad_hbm.at[idx_v], rows_v, sem).wait()
        pltpu.sync_copy(rows_v, out_hbm.at[pl.ds(base, per_w)])

    return gather_back(y_pad, dest)


def _tc_sample(y, eps, n, a):
    rows = 512
    log2pi = math.log(2.0 * math.pi)

    def body(y_ref, eps_ref, act_ref, lp_ref):
        yv = y_ref[...]
        mu = yv[:, :a]
        ls = jnp.clip(yv[:, a:], -5.0, 2.0)
        epsv = eps_ref[...]
        act_ref[...] = mu + jnp.exp(ls) * epsv
        lp_ref[...] = (-jnp.sum(ls, axis=1, keepdims=True)
                       - 0.5 * jnp.sum(epsv * epsv, axis=1, keepdims=True)
                       - (0.5 * a * log2pi))

    return pl.pallas_call(
        body,
        grid=(n // rows,),
        in_specs=[
            pl.BlockSpec((rows, 2 * a), lambda b: (b, 0)),
            pl.BlockSpec((rows, a), lambda b: (b, 0)),
        ],
        out_specs=[
            pl.BlockSpec((rows, a), lambda b: (b, 0)),
            pl.BlockSpec((rows, 1), lambda b: (b, 0)),
        ],
        out_shape=[
            jax.ShapeDtypeStruct((n, a), jnp.float32),
            jax.ShapeDtypeStruct((n, 1), jnp.float32),
        ],
    )(y, eps)


def kernel(state, W_mu, b_mu, W_ls, b_ls, mix_weights):
    n, d = state.shape
    e, _, a = W_mu.shape
    npad = n + e * BLK
    nblk = npad // BLK
    nseg = d // LANE

    actor_idx = jax.random.categorical(
        jax.random.fold_in(jax.random.key(1), 7), jnp.log(mix_weights),
        shape=(n,))
    eps = jax.random.normal(
        jax.random.fold_in(jax.random.key(1), 11), (n, a), dtype=state.dtype)

    src, dest, block_expert = _routing_metadata(actor_idx, n, e, nblk)

    state3 = state.reshape(n, nseg, LANE)
    xpadj = _sc_gather_in(state3, src, npad, nseg)
    y_pad = _tc_grouped_head(xpadj, W_mu, b_mu, W_ls, b_ls, block_expert,
                             npad, d, a)
    y = _sc_gather_out(y_pad, dest, n, 2 * a)
    action, lp = _tc_sample(y, eps, n, a)
    return action, lp.reshape(n)

# --- scband reference (transcript-rebuilt; emitter-appended) ---
"""Pipeline reference for scband-weighted-actor-13469017441101 (READ-ONLY COPY).

The authoritative reference and input builder live on the scoring server;
editing this copy changes nothing except your own understanding.
"""

import jax, jax.numpy as jnp
import numpy as np

E = 8
D = 1024
A = 64
N = 4096


def setup_inputs(seed: int = 0) -> dict:
    key = jax.random.key(seed)
    ks = jax.random.split(key, 5)
    state = jax.random.normal(ks[0], (N, D), dtype=jnp.float32)
    # Per-actor Gaussian policy head parameters (E actors, each a linear mean/log_std head)
    W_mu = jax.random.normal(ks[1], (E, D, A), dtype=jnp.float32) * (1.0 / np.sqrt(D))
    b_mu = jnp.zeros((E, A), dtype=jnp.float32)
    W_ls = jax.random.normal(ks[2], (E, D, A), dtype=jnp.float32) * (1.0 / np.sqrt(D))
    b_ls = jnp.zeros((E, A), dtype=jnp.float32)
    mix_weights = jnp.ones((E,), dtype=jnp.float32) / E  # normalized self.weights
    return {"state": state, "W_mu": W_mu, "b_mu": b_mu, "W_ls": W_ls, "b_ls": b_ls, "mix_weights": mix_weights}


def reference(state, W_mu, b_mu, W_ls, b_ls, mix_weights):
    n = state.shape[0]
    e = mix_weights.shape[0]
    a = W_mu.shape[-1]
    # torch.multinomial(self.weights, num_samples, replacement=True)
    k_route = jax.random.fold_in(jax.random.key(1), 7)
    actor_indices = jax.random.categorical(k_route, jnp.log(mix_weights), shape=(n,))
    # reparameterized noise for dist.rsample()
    eps = jax.random.normal(jax.random.fold_in(jax.random.key(1), 11), (n, a), dtype=state.dtype)
    # each actor computes its Gaussian dist over its routed tokens; computed densely
    # and selected per-token with a one-hot mask (mathematically identical to the
    # mask -> concat -> argsort-reorder in the torch code)
    mu = jnp.einsum('nd,eda->nea', state, W_mu) + b_mu[None, :, :]
    log_std = jnp.clip(jnp.einsum('nd,eda->nea', state, W_ls) + b_ls[None, :, :], -5.0, 2.0)
    std = jnp.exp(log_std)
    sel = jax.nn.one_hot(actor_indices, e, dtype=state.dtype)  # [N, E]
    mu_sel = jnp.einsum('nea,ne->na', mu, sel)
    std_sel = jnp.einsum('nea,ne->na', std, sel)
    action = mu_sel + std_sel * eps  # rsample
    # Normal log_prob summed over action dim
    log_prob = jnp.sum(-0.5 * jnp.square((action - mu_sel) / std_sel) - jnp.log(std_sel) - 0.5 * jnp.log(2.0 * jnp.pi), axis=-1)
    return action, log_prob

if __name__ == "__main__":
    import jax
    _d = setup_inputs()
    print(jax.jit(kernel)(*tuple(_d.values())))

</pallas_src>

<mosaic_0001>
#map = affine_map<(d0, d1) -> (0, 0, 0)>
#map1 = affine_map<(d0, d1) -> (0)>
module attributes {stable_mosaic.version = 14 : i64} {
  func.func @gather_kernel(%arg0: i32, %arg1: i32, %arg2: memref<4096x8x128xf32, #tpu.memory_space<hbm>>, %arg3: memref<5120xi32, #tpu.memory_space<hbm>>, %arg4: memref<8x5120x128xf32, #tpu.memory_space<hbm>>, %arg5: memref<160xi32, #tpu.memory_space<vmem>>, %arg6: memref<32x8x128xf32, #tpu.memory_space<vmem>>, %arg7: memref<32x8x128xf32, #tpu.memory_space<vmem>>, %arg8: memref<32x8x128xf32, #tpu.memory_space<vmem>>, %arg9: memref<!tpu.dma_semaphore, #tpu.memory_space<semaphore_mem>>, %arg10: memref<!tpu.dma_semaphore, #tpu.memory_space<semaphore_mem>>, %arg11: memref<!tpu.dma_semaphore, #tpu.memory_space<semaphore_mem>>) attributes {dimension_semantics = [#tpu.dimension_semantics<core_parallel>, #tpu.dimension_semantics<subcore_parallel>], iteration_bounds = array<i64: 2, 16>, scalar_prefetch = 0 : i64, scratch_operands = 7 : i64, tpu.core_type = #tpu.core_type<sc_vector_subcore>, window_params = [{transform_indices = #map}, {transform_indices = #map1}, {transform_indices = #map}]} {
    %mul3A = arith.constant 2 : i32
    %mul3A_0 = arith.muli %arg1, %mul3A : i32
    %add3A = arith.addi %mul3A_0, %arg0 : i32
    %mul3A_1 = arith.constant 160 : i32
    %mul3A_2 = arith.muli %add3A, %mul3A_1 : i32
    "tpu.region"() ({
      %run_scoped3A = tpu.sem_alloc : memref<!tpu.dma_semaphore, #tpu.memory_space<semaphore_mem>>
      %dma_start3A_1421 = tpu.memref_slice %arg3[%mul3A_2] : memref<5120xi32, #tpu.memory_space<hbm>> -> memref<160xi32, #tpu.memory_space<hbm>>
      %dma_start3A_1422 = tpu.memref_slice %arg3[%mul3A_2] : memref<5120xi32, #tpu.memory_space<hbm>> -> memref<160xi32, #tpu.memory_space<hbm>>
      tpu.enqueue_dma source(%dma_start3A_1422 : memref<160xi32, #tpu.memory_space<hbm>>) target(%arg5 : memref<160xi32, #tpu.memory_space<vmem>>) target_semaphore(%run_scoped3A : memref<!tpu.dma_semaphore, #tpu.memory_space<semaphore_mem>>)
      %dma_wait3A_1423 = tpu.memref_slice %arg3[%mul3A_2] : memref<5120xi32, #tpu.memory_space<hbm>> -> memref<160xi32, #tpu.memory_space<hbm>>
      %dma_wait3A_1424 = tpu.memref_slice %arg3[%mul3A_2] : memref<5120xi32, #tpu.memory_space<hbm>> -> memref<160xi32, #tpu.memory_space<hbm>>
      tpu.wait_dma2 semaphore(%run_scoped3A : memref<!tpu.dma_semaphore, #tpu.memory_space<semaphore_mem>>) src(%dma_wait3A_1424 : memref<160xi32, #tpu.memory_space<hbm>>) dst(%arg5 : memref<160xi32, #tpu.memory_space<vmem>>)
      tpu.yield
    }) : () -> ()
    %dma_start3A = arith.constant 0 : i32
    %dma_start3A_3 = tpu.memref_slice %arg5[%dma_start3A] : memref<160xi32, #tpu.memory_space<vmem>> -> memref<32xi32, #tpu.memory_space<vmem>>
    %dma_start3A_4 = arith.constant 0 : i32
    %dma_start3A_5 = arith.constant 0 : i32
    %dma_start3A_6 = arith.constant 0 : i32
    %dma_start3A_7 = tpu.memref_slice %arg2[%dma_start3A_4, %dma_start3A_5, %dma_start3A_6] : memref<4096x8x128xf32, #tpu.memory_space<hbm>> -> memref<4096x8x128xf32, #tpu.memory_space<hbm>>
    tpu.enqueue_indirect_dma source(%dma_start3A_7 : memref<4096x8x128xf32, #tpu.memory_space<hbm>>) target(%arg6 : memref<32x8x128xf32, #tpu.memory_space<vmem>>) offsets(%dma_start3A_3 : memref<32xi32, #tpu.memory_space<vmem>>) semaphore(%arg9 : memref<!tpu.dma_semaphore, #tpu.memory_space<semaphore_mem>>)
    %dma_start3A_8 = arith.constant 32 : i32
    %dma_start3A_9 = tpu.memref_slice %arg5[%dma_start3A_8] : memref<160xi32, #tpu.memory_space<vmem>> -> memref<32xi32, #tpu.memory_space<vmem>>
    %dma_start3A_10 = arith.constant 0 : i32
    %dma_start3A_11 = arith.constant 0 : i32
    %dma_start3A_12 = arith.constant 0 : i32
    %dma_start3A_13 = tpu.memref_slice %arg2[%dma_start3A_10, %dma_start3A_11, %dma_start3A_12] : memref<4096x8x128xf32, #tpu.memory_space<hbm>> -> memref<4096x8x128xf32, #tpu.memory_space<hbm>>
    tpu.enqueue_indirect_dma source(%dma_start3A_13 : memref<4096x8x128xf32, #tpu.memory_space<hbm>>) target(%arg7 : memref<32x8x128xf32, #tpu.memory_space<vmem>>) offsets(%dma_start3A_9 : memref<32xi32, #tpu.memory_space<vmem>>) semaphore(%arg10 : memref<!tpu.dma_semaphore, #tpu.memory_space<semaphore_mem>>)
    %dma_start3A_14 = arith.constant 64 : i32
    %dma_start3A_15 = tpu.memref_slice %arg5[%dma_start3A_14] : memref<160xi32, #tpu.memory_space<vmem>> -> memref<32xi32, #tpu.memory_space<vmem>>
    %dma_start3A_16 = arith.constant 0 : i32
    %dma_start3A_17 = arith.constant 0 : i32
    %dma_start3A_18 = arith.constant 0 : i32
    %dma_start3A_19 = tpu.memref_slice %arg2[%dma_start3A_16, %dma_start3A_17, %dma_start3A_18] : memref<4096x8x128xf32, #tpu.memory_space<hbm>> -> memref<4096x8x128xf32, #tpu.memory_space<hbm>>
    tpu.enqueue_indirect_dma source(%dma_start3A_19 : memref<4096x8x128xf32, #tpu.memory_space<hbm>>) target(%arg8 : memref<32x8x128xf32, #tpu.memory_space<vmem>>) offsets(%dma_start3A_15 : memref<32xi32, #tpu.memory_space<vmem>>) semaphore(%arg11 : memref<!tpu.dma_semaphore, #tpu.memory_space<semaphore_mem>>)
    %dma_wait3A = arith.constant 0 : i32
    %dma_wait3A_20 = tpu.memref_slice %arg5[%dma_wait3A] : memref<160xi32, #tpu.memory_space<vmem>> -> memref<32xi32, #tpu.memory_space<vmem>>
    %dma_wait3A_21 = arith.constant 0 : i32
    %dma_wait3A_22 = arith.constant 0 : i32
    %dma_wait3A_23 = arith.constant 0 : i32
    %dma_wait3A_24 = tpu.memref_slice %arg2[%dma_wait3A_21, %dma_wait3A_22, %dma_wait3A_23] : memref<4096x8x128xf32, #tpu.memory_space<hbm>> -> memref<4096x8x128xf32, #tpu.memory_space<hbm>>
    tpu.wait_indirect_dma semaphore(%arg9 : memref<!tpu.dma_semaphore, #tpu.memory_space<semaphore_mem>>) src(%dma_wait3A_24 : memref<4096x8x128xf32, #tpu.memory_space<hbm>>) dst(%arg6 : memref<32x8x128xf32, #tpu.memory_space<vmem>>)
    %add3A_25 = arith.constant 0 : i32
    %add3A_26 = arith.addi %mul3A_2, %add3A_25 : i32
    %dma_start3A_27 = arith.constant 0 : i32
    %dma_start3A_28 = arith.constant 0 : i32
    %dma_start3A_29 = arith.constant 0 : i32
    %dma_start3A_30 = arith.constant 0 : i32
    %dma_start3A_31 = tpu.memref_slice %arg6[%dma_start3A_29, %dma_start3A_27, %dma_start3A_30] : memref<32x8x128xf32, #tpu.memory_space<vmem>> -> memref<32x1x128xf32, #tpu.memory_space<vmem>>
    %dma_start3A_32 = tpu.memref_squeeze %dma_start3A_31 : memref<32x1x128xf32, #tpu.memory_space<vmem>> -> memref<32x128xf32, #tpu.memory_space<vmem>>
    %dma_start3A_33 = arith.constant 0 : i32
    %dma_start3A_34 = tpu.memref_slice %arg4[%dma_start3A_28, %add3A_26, %dma_start3A_33] : memref<8x5120x128xf32, #tpu.memory_space<hbm>> -> memref<1x32x128xf32, #tpu.memory_space<hbm>>
    %dma_start3A_35 = tpu.memref_squeeze %dma_start3A_34 : memref<1x32x128xf32, #tpu.memory_space<hbm>> -> memref<32x128xf32, #tpu.memory_space<hbm>>
    %dma_start3A_36 = arith.constant 0 : i32
    %dma_start3A_37 = tpu.memref_slice %arg4[%dma_start3A_28, %add3A_26, %dma_start3A_36] : memref<8x5120x128xf32, #tpu.memory_space<hbm>> -> memref<1x32x128xf32, #tpu.memory_space<hbm>>
    %dma_start3A_38 = tpu.memref_squeeze %dma_start3A_37 : memref<1x32x128xf32, #tpu.memory_space<hbm>> -> memref<32x128xf32, #tpu.memory_space<hbm>>
    %dma_start3A_39 = arith.constant 0 : i32
    %dma_start3A_40 = arith.constant 0 : i32
    %dma_start3A_41 = tpu.memref_slice %arg6[%dma_start3A_39, %dma_start3A_27, %dma_start3A_40] : memref<32x8x128xf32, #tpu.memory_space<vmem>> -> memref<32x1x128xf32, #tpu.memory_space<vmem>>
    %dma_start3A_42 = tpu.memref_squeeze %dma_start3A_41 : memref<32x1x128xf32, #tpu.memory_space<vmem>> -> memref<32x128xf32, #tpu.memory_space<vmem>>
    tpu.enqueue_dma source(%dma_start3A_42 : memref<32x128xf32, #tpu.memory_space<vmem>>) target(%dma_start3A_38 : memref<32x128xf32, #tpu.memory_space<hbm>>) target_semaphore(%arg9 : memref<!tpu.dma_semaphore, #tpu.memory_space<semaphore_mem>>)
    %add3A_43 = arith.constant 0 : i32
    %add3A_44 = arith.addi %mul3A_2, %add3A_43 : i32
    %dma_start3A_45 = arith.constant 1 : i32
    %dma_start3A_46 = arith.constant 1 : i32
    %dma_start3A_47 = arith.constant 0 : i32
    %dma_start3A_48 = arith.constant 0 : i32
    %dma_start3A_49 = tpu.memref_slice %arg6[%dma_start3A_47, %dma_start3A_45, %dma_start3A_48] : memref<32x8x128xf32, #tpu.memory_space<vmem>> -> memref<32x1x128xf32, #tpu.memory_space<vmem>>
    %dma_start3A_50 = tpu.memref_squeeze %dma_start3A_49 : memref<32x1x128xf32, #tpu.memory_space<vmem>> -> memref<32x128xf32, #tpu.memory_space<vmem>>
    %dma_start3A_51 = arith.constant 0 : i32
    %dma_start3A_52 = tpu.memref_slice %arg4[%dma_start3A_46, %add3A_44, %dma_start3A_51] : memref<8x5120x128xf32, #tpu.memory_space<hbm>> -> memref<1x32x128xf32, #tpu.memory_space<hbm>>
    %dma_start3A_53 = tpu.memref_squeeze %dma_start3A_52 : memref<1x32x128xf32, #tpu.memory_space<hbm>> -> memref<32x128xf32, #tpu.memory_space<hbm>>
    %dma_start3A_54 = arith.constant 0 : i32
    %dma_start3A_55 = tpu.memref_slice %arg4[%dma_start3A_46, %add3A_44, %dma_start3A_54] : memref<8x5120x128xf32, #tpu.memory_space<hbm>> -> memref<1x32x128xf32, #tpu.memory_space<hbm>>
    %dma_start3A_56 = tpu.memref_squeeze %dma_start3A_55 : memref<1x32x128xf32, #tpu.memory_space<hbm>> -> memref<32x128xf32, #tpu.memory_space<hbm>>
    %dma_start3A_57 = arith.constant 0 : i32
    %dma_start3A_58 = arith.constant 0 : i32
    %dma_start3A_59 = tpu.memref_slice %arg6[%dma_start3A_57, %dma_start3A_45, %dma_start3A_58] : memref<32x8x128xf32, #tpu.memory_space<vmem>> -> memref<32x1x128xf32, #tpu.memory_space<vmem>>
    %dma_start3A_60 = tpu.memref_squeeze %dma_start3A_59 : memref<32x1x128xf32, #tpu.memory_space<vmem>> -> memref<32x128xf32, #tpu.memory_space<vmem>>
    tpu.enqueue_dma source(%dma_start3A_60 : memref<32x128xf32, #tpu.memory_space<vmem>>) target(%dma_start3A_56 : memref<32x128xf32, #tpu.memory_space<hbm>>) target_semaphore(%arg9 : memref<!tpu.dma_semaphore, #tpu.memory_space<semaphore_mem>>)
    %add3A_61 = arith.constant 0 : i32
    %add3A_62 = arith.addi %mul3A_2, %add3A_61 : i32
    %dma_start3A_63 = arith.constant 2 : i32
    %dma_start3A_64 = arith.constant 2 : i32
    %dma_start3A_65 = arith.constant 0 : i32
    %dma_start3A_66 = arith.constant 0 : i32
    %dma_start3A_67 = tpu.memref_slice %arg6[%dma_start3A_65, %dma_start3A_63, %dma_start3A_66] : memref<32x8x128xf32, #tpu.memory_space<vmem>> -> memref<32x1x128xf32, #tpu.memory_space<vmem>>
    %dma_start3A_68 = tpu.memref_squeeze %dma_start3A_67 : memref<32x1x128xf32, #tpu.memory_space<vmem>> -> memref<32x128xf32, #tpu.memory_space<vmem>>
    %dma_start3A_69 = arith.constant 0 : i32
    %dma_start3A_70 = tpu.memref_slice %arg4[%dma_start3A_64, %add3A_62, %dma_start3A_69] : memref<8x5120x128xf32, #tpu.memory_space<hbm>> -> memref<1x32x128xf32, #tpu.memory_space<hbm>>
    %dma_start3A_71 = tpu.memref_squeeze %dma_start3A_70 : memref<1x32x128xf32, #tpu.memory_space<hbm>> -> memref<32x128xf32, #tpu.memory_space<hbm>>
    %dma_start3A_72 = arith.constant 0 : i32
    %dma_start3A_73 = tpu.memref_slice %arg4[%dma_start3A_64, %add3A_62, %dma_start3A_72] : memref<8x5120x128xf32, #tpu.memory_space<hbm>> -> memref<1x32x128xf32, #tpu.memory_space<hbm>>
    %dma_start3A_74 = tpu.memref_squeeze %dma_start3A_73 : memref<1x32x128xf32, #tpu.memory_space<hbm>> -> memref<32x128xf32, #tpu.memory_space<hbm>>
    %dma_start3A_75 = arith.constant 0 : i32
    %dma_start3A_76 = arith.constant 0 : i32
    %dma_start3A_77 = tpu.memref_slice %arg6[%dma_start3A_75, %dma_start3A_63, %dma_start3A_76] : memref<32x8x128xf32, #tpu.memory_space<vmem>> -> memref<32x1x128xf32, #tpu.memory_space<vmem>>
    %dma_start3A_78 = tpu.memref_squeeze %dma_start3A_77 : memref<32x1x128xf32, #tpu.memory_space<vmem>> -> memref<32x128xf32, #tpu.memory_space<vmem>>
    tpu.enqueue_dma source(%dma_start3A_78 : memref<32x128xf32, #tpu.memory_space<vmem>>) target(%dma_start3A_74 : memref<32x128xf32, #tpu.memory_space<hbm>>) target_semaphore(%arg9 : memref<!tpu.dma_semaphore, #tpu.memory_space<semaphore_mem>>)
    %add3A_79 = arith.constant 0 : i32
    %add3A_80 = arith.addi %mul3A_2, %add3A_79 : i32
    %dma_start3A_81 = arith.constant 3 : i32
    %dma_start3A_82 = arith.constant 3 : i32
    %dma_start3A_83 = arith.constant 0 : i32
    %dma_start3A_84 = arith.constant 0 : i32
    %dma_start3A_85 = tpu.memref_slice %arg6[%dma_start3A_83, %dma_start3A_81, %dma_start3A_84] : memref<32x8x128xf32, #tpu.memory_space<vmem>> -> memref<32x1x128xf32, #tpu.memory_space<vmem>>
    %dma_start3A_86 = tpu.memref_squeeze %dma_start3A_85 : memref<32x1x128xf32, #tpu.memory_space<vmem>> -> memref<32x128xf32, #tpu.memory_space<vmem>>
    %dma_start3A_87 = arith.constant 0 : i32
    %dma_start3A_88 = tpu.memref_slice %arg4[%dma_start3A_82, %add3A_80, %dma_start3A_87] : memref<8x5120x128xf32, #tpu.memory_space<hbm>> -> memref<1x32x128xf32, #tpu.memory_space<hbm>>
    %dma_start3A_89 = tpu.memref_squeeze %dma_start3A_88 : memref<1x32x128xf32, #tpu.memory_space<hbm>> -> memref<32x128xf32, #tpu.memory_space<hbm>>
    %dma_start3A_90 = arith.constant 0 : i32
    %dma_start3A_91 = tpu.memref_slice %arg4[%dma_start3A_82, %add3A_80, %dma_start3A_90] : memref<8x5120x128xf32, #tpu.memory_space<hbm>> -> memref<1x32x128xf32, #tpu.memory_space<hbm>>
    %dma_start3A_92 = tpu.memref_squeeze %dma_start3A_91 : memref<1x32x128xf32, #tpu.memory_space<hbm>> -> memref<32x128xf32, #tpu.memory_space<hbm>>
    %dma_start3A_93 = arith.constant 0 : i32
    %dma_start3A_94 = arith.constant 0 : i32
    %dma_start3A_95 = tpu.memref_slice %arg6[%dma_start3A_93, %dma_start3A_81, %dma_start3A_94] : memref<32x8x128xf32, #tpu.memory_space<vmem>> -> memref<32x1x128xf32, #tpu.memory_space<vmem>>
    %dma_start3A_96 = tpu.memref_squeeze %dma_start3A_95 : memref<32x1x128xf32, #tpu.memory_space<vmem>> -> memref<32x128xf32, #tpu.memory_space<vmem>>
    tpu.enqueue_dma source(%dma_start3A_96 : memref<32x128xf32, #tpu.memory_space<vmem>>) target(%dma_start3A_92 : memref<32x128xf32, #tpu.memory_space<hbm>>) target_semaphore(%arg9 : memref<!tpu.dma_semaphore, #tpu.memory_space<semaphore_mem>>)
    %add3A_97 = arith.constant 0 : i32
    %add3A_98 = arith.addi %mul3A_2, %add3A_97 : i32
    %dma_start3A_99 = arith.constant 4 : i32
    %dma_start3A_100 = arith.constant 4 : i32
    %dma_start3A_101 = arith.constant 0 : i32
    %dma_start3A_102 = arith.constant 0 : i32
    %dma_start3A_103 = tpu.memref_slice %arg6[%dma_start3A_101, %dma_start3A_99, %dma_start3A_102] : memref<32x8x128xf32, #tpu.memory_space<vmem>> -> memref<32x1x128xf32, #tpu.memory_space<vmem>>
    %dma_start3A_104 = tpu.memref_squeeze %dma_start3A_103 : memref<32x1x128xf32, #tpu.memory_space<vmem>> -> memref<32x128xf32, #tpu.memory_space<vmem>>
    %dma_start3A_105 = arith.constant 0 : i32
    %dma_start3A_106 = tpu.memref_slice %arg4[%dma_start3A_100, %add3A_98, %dma_start3A_105] : memref<8x5120x128xf32, #tpu.memory_space<hbm>> -> memref<1x32x128xf32, #tpu.memory_space<hbm>>
    %dma_start3A_107 = tpu.memref_squeeze %dma_start3A_106 : memref<1x32x128xf32, #tpu.memory_space<hbm>> -> memref<32x128xf32, #tpu.memory_space<hbm>>
    %dma_start3A_108 = arith.constant 0 : i32
    %dma_start3A_109 = tpu.memref_slice %arg4[%dma_start3A_100, %add3A_98, %dma_start3A_108] : memref<8x5120x128xf32, #tpu.memory_space<hbm>> -> memref<1x32x128xf32, #tpu.memory_space<hbm>>
    %dma_start3A_110 = tpu.memref_squeeze %dma_start3A_109 : memref<1x32x128xf32, #tpu.memory_space<hbm>> -> memref<32x128xf32, #tpu.memory_space<hbm>>
    %dma_start3A_111 = arith.constant 0 : i32
    %dma_start3A_112 = arith.constant 0 : i32
    %dma_start3A_113 = tpu.memref_slice %arg6[%dma_start3A_111, %dma_start3A_99, %dma_start3A_112] : memref<32x8x128xf32, #tpu.memory_space<vmem>> -> memref<32x1x128xf32, #tpu.memory_space<vmem>>
    %dma_start3A_114 = tpu.memref_squeeze %dma_start3A_113 : memref<32x1x128xf32, #tpu.memory_space<vmem>> -> memref<32x128xf32, #tpu.memory_space<vmem>>
    tpu.enqueue_dma source(%dma_start3A_114 : memref<32x128xf32, #tpu.memory_space<vmem>>) target(%dma_start3A_110 : memref<32x128xf32, #tpu.memory_space<hbm>>) target_semaphore(%arg9 : memref<!tpu.dma_semaphore, #tpu.memory_space<semaphore_mem>>)
    %add3A_115 = arith.constant 0 : i32
    %add3A_116 = arith.addi %mul3A_2, %add3A_115 : i32
    %dma_start3A_117 = arith.constant 5 : i32
    %dma_start3A_118 = arith.constant 5 : i32
    %dma_start3A_119 = arith.constant 0 : i32
    %dma_start3A_120 = arith.constant 0 : i32
    %dma_start3A_121 = tpu.memref_slice %arg6[%dma_start3A_119, %dma_start3A_117, %dma_start3A_120] : memref<32x8x128xf32, #tpu.memory_space<vmem>> -> memref<32x1x128xf32, #tpu.memory_space<vmem>>
    %dma_start3A_122 = tpu.memref_squeeze %dma_start3A_121 : memref<32x1x128xf32, #tpu.memory_space<vmem>> -> memref<32x128xf32, #tpu.memory_space<vmem>>
    %dma_start3A_123 = arith.constant 0 : i32
    %dma_start3A_124 = tpu.memref_slice %arg4[%dma_start3A_118, %add3A_116, %dma_start3A_123] : memref<8x5120x128xf32, #tpu.memory_space<hbm>> -> memref<1x32x128xf32, #tpu.memory_space<hbm>>
    %dma_start3A_125 = tpu.memref_squeeze %dma_start3A_124 : memref<1x32x128xf32, #tpu.memory_space<hbm>> -> memref<32x128xf32, #tpu.memory_space<hbm>>
    %dma_start3A_126 = arith.constant 0 : i32
    %dma_start3A_127 = tpu.memref_slice %arg4[%dma_start3A_118, %add3A_116, %dma_start3A_126] : memref<8x5120x128xf32, #tpu.memory_space<hbm>> -> memref<1x32x128xf32, #tpu.memory_space<hbm>>
    %dma_start3A_128 = tpu.memref_squeeze %dma_start3A_127 : memref<1x32x128xf32, #tpu.memory_space<hbm>> -> memref<32x128xf32, #tpu.memory_space<hbm>>
    %dma_start3A_129 = arith.constant 0 : i32
    %dma_start3A_130 = arith.constant 0 : i32
    %dma_start3A_131 = tpu.memref_slice %arg6[%dma_start3A_129, %dma_start3A_117, %dma_start3A_130] : memref<32x8x128xf32, #tpu.memory_space<vmem>> -> memref<32x1x128xf32, #tpu.memory_space<vmem>>
    %dma_start3A_132 = tpu.memref_squeeze %dma_start3A_131 : memref<32x1x128xf32, #tpu.memory_space<vmem>> -> memref<32x128xf32, #tpu.memory_space<vmem>>
    tpu.enqueue_dma source(%dma_start3A_132 : memref<32x128xf32, #tpu.memory_space<vmem>>) target(%dma_start3A_128 : memref<32x128xf32, #tpu.memory_space<hbm>>) target_semaphore(%arg9 : memref<!tpu.dma_semaphore, #tpu.memory_space<semaphore_mem>>)
    %add3A_133 = arith.constant 0 : i32
    %add3A_134 = arith.addi %mul3A_2, %add3A_133 : i32
    %dma_start3A_135 = arith.constant 6 : i32
    %dma_start3A_136 = arith.constant 6 : i32
    %dma_start3A_137 = arith.constant 0 : i32
    %dma_start3A_138 = arith.constant 0 : i32
    %dma_start3A_139 = tpu.memref_slice %arg6[%dma_start3A_137, %dma_start3A_135, %dma_start3A_138] : memref<32x8x128xf32, #tpu.memory_space<vmem>> -> memref<32x1x128xf32, #tpu.memory_space<vmem>>
    %dma_start3A_140 = tpu.memref_squeeze %dma_start3A_139 : memref<32x1x128xf32, #tpu.memory_space<vmem>> -> memref<32x128xf32, #tpu.memory_space<vmem>>
    %dma_start3A_141 = arith.constant 0 : i32
    %dma_start3A_142 = tpu.memref_slice %arg4[%dma_start3A_136, %add3A_134, %dma_start3A_141] : memref<8x5120x128xf32, #tpu.memory_space<hbm>> -> memref<1x32x128xf32, #tpu.memory_space<hbm>>
    %dma_start3A_143 = tpu.memref_squeeze %dma_start3A_142 : memref<1x32x128xf32, #tpu.memory_space<hbm>> -> memref<32x128xf32, #tpu.memory_space<hbm>>
    %dma_start3A_144 = arith.constant 0 : i32
    %dma_start3A_145 = tpu.memref_slice %arg4[%dma_start3A_136, %add3A_134, %dma_start3A_144] : memref<8x5120x128xf32, #tpu.memory_space<hbm>> -> memref<1x32x128xf32, #tpu.memory_space<hbm>>
    %dma_start3A_146 = tpu.memref_squeeze %dma_start3A_145 : memref<1x32x128xf32, #tpu.memory_space<hbm>> -> memref<32x128xf32, #tpu.memory_space<hbm>>
    %dma_start3A_147 = arith.constant 0 : i32
    %dma_start3A_148 = arith.constant 0 : i32
    %dma_start3A_149 = tpu.memref_slice %arg6[%dma_start3A_147, %dma_start3A_135, %dma_start3A_148] : memref<32x8x128xf32, #tpu.memory_space<vmem>> -> memref<32x1x128xf32, #tpu.memory_space<vmem>>
    %dma_start3A_150 = tpu.memref_squeeze %dma_start3A_149 : memref<32x1x128xf32, #tpu.memory_space<vmem>> -> memref<32x128xf32, #tpu.memory_space<vmem>>
    tpu.enqueue_dma source(%dma_start3A_150 : memref<32x128xf32, #tpu.memory_space<vmem>>) target(%dma_start3A_146 : memref<32x128xf32, #tpu.memory_space<hbm>>) target_semaphore(%arg9 : memref<!tpu.dma_semaphore, #tpu.memory_space<semaphore_mem>>)
    %add3A_151 = arith.constant 0 : i32
    %add3A_152 = arith.addi %mul3A_2, %add3A_151 : i32
    %dma_start3A_153 = arith.constant 7 : i32
    %dma_start3A_154 = arith.constant 7 : i32
    %dma_start3A_155 = arith.constant 0 : i32
    %dma_start3A_156 = arith.constant 0 : i32
    %dma_start3A_157 = tpu.memref_slice %arg6[%dma_start3A_155, %dma_start3A_153, %dma_start3A_156] : memref<32x8x128xf32, #tpu.memory_space<vmem>> -> memref<32x1x128xf32, #tpu.memory_space<vmem>>
    %dma_start3A_158 = tpu.memref_squeeze %dma_start3A_157 : memref<32x1x128xf32, #tpu.memory_space<vmem>> -> memref<32x128xf32, #tpu.memory_space<vmem>>
    %dma_start3A_159 = arith.constant 0 : i32
    %dma_start3A_160 = tpu.memref_slice %arg4[%dma_start3A_154, %add3A_152, %dma_start3A_159] : memref<8x5120x128xf32, #tpu.memory_space<hbm>> -> memref<1x32x128xf32, #tpu.memory_space<hbm>>
    %dma_start3A_161 = tpu.memref_squeeze %dma_start3A_160 : memref<1x32x128xf32, #tpu.memory_space<hbm>> -> memref<32x128xf32, #tpu.memory_space<hbm>>
    %dma_start3A_162 = arith.constant 0 : i32
    %dma_start3A_163 = tpu.memref_slice %arg4[%dma_start3A_154, %add3A_152, %dma_start3A_162] : memref<8x5120x128xf32, #tpu.memory_space<hbm>> -> memref<1x32x128xf32, #tpu.memory_space<hbm>>
    %dma_start3A_164 = tpu.memref_squeeze %dma_start3A_163 : memref<1x32x128xf32, #tpu.memory_space<hbm>> -> memref<32x128xf32, #tpu.memory_space<hbm>>
    %dma_start3A_165 = arith.constant 0 : i32
    %dma_start3A_166 = arith.constant 0 : i32
    %dma_start3A_167 = tpu.memref_slice %arg6[%dma_start3A_165, %dma_start3A_153, %dma_start3A_166] : memref<32x8x128xf32, #tpu.memory_space<vmem>> -> memref<32x1x128xf32, #tpu.memory_space<vmem>>
    %dma_start3A_168 = tpu.memref_squeeze %dma_start3A_167 : memref<32x1x128xf32, #tpu.memory_space<vmem>> -> memref<32x128xf32, #tpu.memory_space<vmem>>
    tpu.enqueue_dma source(%dma_start3A_168 : memref<32x128xf32, #tpu.memory_space<vmem>>) target(%dma_start3A_164 : memref<32x128xf32, #tpu.memory_space<hbm>>) target_semaphore(%arg9 : memref<!tpu.dma_semaphore, #tpu.memory_space<semaphore_mem>>)
    %dma_wait3A_169 = arith.constant 0 : i32
    %dma_wait3A_170 = arith.constant 0 : i32
    %dma_wait3A_171 = arith.constant 0 : i32
    %dma_wait3A_172 = arith.constant 0 : i32
    %dma_wait3A_173 = tpu.memref_slice %arg6[%dma_wait3A_171, %dma_wait3A_169, %dma_wait3A_172] : memref<32x8x128xf32, #tpu.memory_space<vmem>> -> memref<32x1x128xf32, #tpu.memory_space<vmem>>
    %dma_wait3A_174 = tpu.memref_squeeze %dma_wait3A_173 : memref<32x1x128xf32, #tpu.memory_space<vmem>> -> memref<32x128xf32, #tpu.memory_space<vmem>>
    %dma_wait3A_175 = arith.constant 0 : i32
    %dma_wait3A_176 = tpu.memref_slice %arg4[%dma_wait3A_170, %add3A_26, %dma_wait3A_175] : memref<8x5120x128xf32, #tpu.memory_space<hbm>> -> memref<1x32x128xf32, #tpu.memory_space<hbm>>
    %dma_wait3A_177 = tpu.memref_squeeze %dma_wait3A_176 : memref<1x32x128xf32, #tpu.memory_space<hbm>> -> memref<32x128xf32, #tpu.memory_space<hbm>>
    %dma_wait3A_178 = arith.constant 0 : i32
    %dma_wait3A_179 = tpu.memref_slice %arg4[%dma_wait3A_170, %add3A_26, %dma_wait3A_178] : memref<8x5120x128xf32, #tpu.memory_space<hbm>> -> memref<1x32x128xf32, #tpu.memory_space<hbm>>
    %dma_wait3A_180 = tpu.memref_squeeze %dma_wait3A_179 : memref<1x32x128xf32, #tpu.memory_space<hbm>> -> memref<32x128xf32, #tpu.memory_space<hbm>>
    %dma_wait3A_181 = arith.constant 0 : i32
    %dma_wait3A_182 = arith.constant 0 : i32
    %dma_wait3A_183 = tpu.memref_slice %arg6[%dma_wait3A_181, %dma_wait3A_169, %dma_wait3A_182] : memref<32x8x128xf32, #tpu.memory_space<vmem>> -> memref<32x1x128xf32, #tpu.memory_space<vmem>>
    %dma_wait3A_184 = tpu.memref_squeeze %dma_wait3A_183 : memref<32x1x128xf32, #tpu.memory_space<vmem>> -> memref<32x128xf32, #tpu.memory_space<vmem>>
    tpu.wait_dma2 semaphore(%arg9 : memref<!tpu.dma_semaphore, #tpu.memory_space<semaphore_mem>>) src(%dma_wait3A_184 : memref<32x128xf32, #tpu.memory_space<vmem>>) dst(%dma_wait3A_180 : memref<32x128xf32, #tpu.memory_space<hbm>>)
    %dma_wait3A_185 = arith.constant 1 : i32
    %dma_wait3A_186 = arith.constant 1 : i32
    %dma_wait3A_187 = arith.constant 0 : i32
    %dma_wait3A_188 = arith.constant 0 : i32
    %dma_wait3A_189 = tpu.memref_slice %arg6[%dma_wait3A_187, %dma_wait3A_185, %dma_wait3A_188] : memref<32x8x128xf32, #tpu.memory_space<vmem>> -> memref<32x1x128xf32, #tpu.memory_space<vmem>>
    %dma_wait3A_190 = tpu.memref_squeeze %dma_wait3A_189 : memref<32x1x128xf32, #tpu.memory_space<vmem>> -> memref<32x128xf32, #tpu.memory_space<vmem>>
    %dma_wait3A_191 = arith.constant 0 : i32
    %dma_wait3A_192 = tpu.memref_slice %arg4[%dma_wait3A_186, %add3A_44, %dma_wait3A_191] : memref<8x5120x128xf32, #tpu.memory_space<hbm>> -> memref<1x32x128xf32, #tpu.memory_space<hbm>>
    %dma_wait3A_193 = tpu.memref_squeeze %dma_wait3A_192 : memref<1x32x128xf32, #tpu.memory_space<hbm>> -> memref<32x128xf32, #tpu.memory_space<hbm>>
    %dma_wait3A_194 = arith.constant 0 : i32
    %dma_wait3A_195 = tpu.memref_slice %arg4[%dma_wait3A_186, %add3A_44, %dma_wait3A_194] : memref<8x5120x128xf32, #tpu.memory_space<hbm>> -> memref<1x32x128xf32, #tpu.memory_space<hbm>>
    %dma_wait3A_196 = tpu.memref_squeeze %dma_wait3A_195 : memref<1x32x128xf32, #tpu.memory_space<hbm>> -> memref<32x128xf32, #tpu.memory_space<hbm>>
    %dma_wait3A_197 = arith.constant 0 : i32
    %dma_wait3A_198 = arith.constant 0 : i32
    %dma_wait3A_199 = tpu.memref_slice %arg6[%dma_wait3A_197, %dma_wait3A_185, %dma_wait3A_198] : memref<32x8x128xf32, #tpu.memory_space<vmem>> -> memref<32x1x128xf32, #tpu.memory_space<vmem>>
    %dma_wait3A_200 = tpu.memref_squeeze %dma_wait3A_199 : memref<32x1x128xf32, #tpu.memory_space<vmem>> -> memref<32x128xf32, #tpu.memory_space<vmem>>
    tpu.wait_dma2 semaphore(%arg9 : memref<!tpu.dma_semaphore, #tpu.memory_space<semaphore_mem>>) src(%dma_wait3A_200 : memref<32x128xf32, #tpu.memory_space<vmem>>) dst(%dma_wait3A_196 : memref<32x128xf32, #tpu.memory_space<hbm>>)
    %dma_wait3A_201 = arith.constant 2 : i32
    %dma_wait3A_202 = arith.constant 2 : i32
    %dma_wait3A_203 = arith.constant 0 : i32
    %dma_wait3A_204 = arith.constant 0 : i32
    %dma_wait3A_205 = tpu.memref_slice %arg6[%dma_wait3A_203, %dma_wait3A_201, %dma_wait3A_204] : memref<32x8x128xf32, #tpu.memory_space<vmem>> -> memref<32x1x128xf32, #tpu.memory_space<vmem>>
    %dma_wait3A_206 = tpu.memref_squeeze %dma_wait3A_205 : memref<32x1x128xf32, #tpu.memory_space<vmem>> -> memref<32x128xf32, #tpu.memory_space<vmem>>
    %dma_wait3A_207 = arith.constant 0 : i32
    %dma_wait3A_208 = tpu.memref_slice %arg4[%dma_wait3A_202, %add3A_62, %dma_wait3A_207] : memref<8x5120x128xf32, #tpu.memory_space<hbm>> -> memref<1x32x128xf32, #tpu.memory_space<hbm>>
    %dma_wait3A_209 = tpu.memref_squeeze %dma_wait3A_208 : memref<1x32x128xf32, #tpu.memory_space<hbm>> -> memref<32x128xf32, #tpu.memory_space<hbm>>
    %dma_wait3A_210 = arith.constant 0 : i32
    %dma_wait3A_211 = tpu.memref_slice %arg4[%dma_wait3A_202, %add3A_62, %dma_wait3A_210] : memref<8x5120x128xf32, #tpu.memory_space<hbm>> -> memref<1x32x128xf32, #tpu.memory_space<hbm>>
    %dma_wait3A_212 = tpu.memref_squeeze %dma_wait3A_211 : memref<1x32x128xf32, #tpu.memory_space<hbm>> -> memref<32x128xf32, #tpu.memory_space<hbm>>
    %dma_wait3A_213 = arith.constant 0 : i32
    %dma_wait3A_214 = arith.constant 0 : i32
    %dma_wait3A_215 = tpu.memref_slice %arg6[%dma_wait3A_213, %dma_wait3A_201, %dma_wait3A_214] : memref<32x8x128xf32, #tpu.memory_space<vmem>> -> memref<32x1x128xf32, #tpu.memory_space<vmem>>
    %dma_wait3A_216 = tpu.memref_squeeze %dma_wait3A_215 : memref<32x1x128xf32, #tpu.memory_space<vmem>> -> memref<32x128xf32, #tpu.memory_space<vmem>>
    tpu.wait_dma2 semaphore(%arg9 : memref<!tpu.dma_semaphore, #tpu.memory_space<semaphore_mem>>) src(%dma_wait3A_216 : memref<32x128xf32, #tpu.memory_space<vmem>>) dst(%dma_wait3A_212 : memref<32x128xf32, #tpu.memory_space<hbm>>)
    %dma_wait3A_217 = arith.constant 3 : i32
    %dma_wait3A_218 = arith.constant 3 : i32
    %dma_wait3A_219 = arith.constant 0 : i32
    %dma_wait3A_220 = arith.constant 0 : i32
    %dma_wait3A_221 = tpu.memref_slice %arg6[%dma_wait3A_219, %dma_wait3A_217, %dma_wait3A_220] : memref<32x8x128xf32, #tpu.memory_space<vmem>> -> memref<32x1x128xf32, #tpu.memory_space<vmem>>
    %dma_wait3A_222 = tpu.memref_squeeze %dma_wait3A_221 : memref<32x1x128xf32, #tpu.memory_space<vmem>> -> memref<32x128xf32, #tpu.memory_space<vmem>>
    %dma_wait3A_223 = arith.constant 0 : i32
    %dma_wait3A_224 = tpu.memref_slice %arg4[%dma_wait3A_218, %add3A_80, %dma_wait3A_223] : memref<8x5120x128xf32, #tpu.memory_space<hbm>> -> memref<1x32x128xf32, #tpu.memory_space<hbm>>
    %dma_wait3A_225 = tpu.memref_squeeze %dma_wait3A_224 : memref<1x32x128xf32, #tpu.memory_space<hbm>> -> memref<32x128xf32, #tpu.memory_space<hbm>>
    %dma_wait3A_226 = arith.constant 0 : i32
    %dma_wait3A_227 = tpu.memref_slice %arg4[%dma_wait3A_218, %add3A_80, %dma_wait3A_226] : memref<8x5120x128xf32, #tpu.memory_space<hbm>> -> memref<1x32x128xf32, #tpu.memory_space<hbm>>
    %dma_wait3A_228 = tpu.memref_squeeze %dma_wait3A_227 : memref<1x32x128xf32, #tpu.memory_space<hbm>> -> memref<32x128xf32, #tpu.memory_space<hbm>>
    %dma_wait3A_229 = arith.constant 0 : i32
    %dma_wait3A_230 = arith.constant 0 : i32
    %dma_wait3A_231 = tpu.memref_slice %arg6[%dma_wait3A_229, %dma_wait3A_217, %dma_wait3A_230] : memref<32x8x128xf32, #tpu.memory_space<vmem>> -> memref<32x1x128xf32, #tpu.memory_space<vmem>>
    %dma_wait3A_232 = tpu.memref_squeeze %dma_wait3A_231 : memref<32x1x128xf32, #tpu.memory_space<vmem>> -> memref<32x128xf32, #tpu.memory_space<vmem>>
    tpu.wait_dma2 semaphore(%arg9 : memref<!tpu.dma_semaphore, #tpu.memory_space<semaphore_mem>>) src(%dma_wait3A_232 : memref<32x128xf32, #tpu.memory_space<vmem>>) dst(%dma_wait3A_228 : memref<32x128xf32, #tpu.memory_space<hbm>>)
    %dma_wait3A_233 = arith.constant 4 : i32
    %dma_wait3A_234 = arith.constant 4 : i32
    %dma_wait3A_235 = arith.constant 0 : i32
    %dma_wait3A_236 = arith.constant 0 : i32
    %dma_wait3A_237 = tpu.memref_slice %arg6[%dma_wait3A_235, %dma_wait3A_233, %dma_wait3A_236] : memref<32x8x128xf32, #tpu.memory_space<vmem>> -> memref<32x1x128xf32, #tpu.memory_space<vmem>>
    %dma_wait3A_238 = tpu.memref_squeeze %dma_wait3A_237 : memref<32x1x128xf32, #tpu.memory_space<vmem>> -> memref<32x128xf32, #tpu.memory_space<vmem>>
    %dma_wait3A_239 = arith.constant 0 : i32
    %dma_wait3A_240 = tpu.memref_slice %arg4[%dma_wait3A_234, %add3A_98, %dma_wait3A_239] : memref<8x5120x128xf32, #tpu.memory_space<hbm>> -> memref<1x32x128xf32, #tpu.memory_space<hbm>>
    %dma_wait3A_241 = tpu.memref_squeeze %dma_wait3A_240 : memref<1x32x128xf32, #tpu.memory_space<hbm>> -> memref<32x128xf32, #tpu.memory_space<hbm>>
    %dma_wait3A_242 = arith.constant 0 : i32
    %dma_wait3A_243 = tpu.memref_slice %arg4[%dma_wait3A_234, %add3A_98, %dma_wait3A_242] : memref<8x5120x128xf32, #tpu.memory_space<hbm>> -> memref<1x32x128xf32, #tpu.memory_space<hbm>>
    %dma_wait3A_244 = tpu.memref_squeeze %dma_wait3A_243 : memref<1x32x128xf32, #tpu.memory_space<hbm>> -> memref<32x128xf32, #tpu.memory_space<hbm>>
    %dma_wait3A_245 = arith.constant 0 : i32
    %dma_wait3A_246 = arith.constant 0 : i32
    %dma_wait3A_247 = tpu.memref_slice %arg6[%dma_wait3A_245, %dma_wait3A_233, %dma_wait3A_246] : memref<32x8x128xf32, #tpu.memory_space<vmem>> -> memref<32x1x128xf32, #tpu.memory_space<vmem>>
    %dma_wait3A_248 = tpu.memref_squeeze %dma_wait3A_247 : memref<32x1x128xf32, #tpu.memory_space<vmem>> -> memref<32x128xf32, #tpu.memory_space<vmem>>
    tpu.wait_dma2 semaphore(%arg9 : memref<!tpu.dma_semaphore, #tpu.memory_space<semaphore_mem>>) src(%dma_wait3A_248 : memref<32x128xf32, #tpu.memory_space<vmem>>) dst(%dma_wait3A_244 : memref<32x128xf32, #tpu.memory_space<hbm>>)
    %dma_wait3A_249 = arith.constant 5 : i32
    %dma_wait3A_250 = arith.constant 5 : i32
    %dma_wait3A_251 = arith.constant 0 : i32
    %dma_wait3A_252 = arith.constant 0 : i32
    %dma_wait3A_253 = tpu.memref_slice %arg6[%dma_wait3A_251, %dma_wait3A_249, %dma_wait3A_252] : memref<32x8x128xf32, #tpu.memory_space<vmem>> -> memref<32x1x128xf32, #tpu.memory_space<vmem>>
    %dma_wait3A_254 = tpu.memref_squeeze %dma_wait3A_253 : memref<32x1x128xf32, #tpu.memory_space<vmem>> -> memref<32x128xf32, #tpu.memory_space<vmem>>
    %dma_wait3A_255 = arith.constant 0 : i32
    %dma_wait3A_256 = tpu.memref_slice %arg4[%dma_wait3A_250, %add3A_116, %dma_wait3A_255] : memref<8x5120x128xf32, #tpu.memory_space<hbm>> -> memref<1x32x128xf32, #tpu.memory_space<hbm>>
    %dma_wait3A_257 = tpu.memref_squeeze %dma_wait3A_256 : memref<1x32x128xf32, #tpu.memory_space<hbm>> -> memref<32x128xf32, #tpu.memory_space<hbm>>
    %dma_wait3A_258 = arith.constant 0 : i32
    %dma_wait3A_259 = tpu.memref_slice %arg4[%dma_wait3A_250, %add3A_116, %dma_wait3A_258] : memref<8x5120x128xf32, #tpu.memory_space<hbm>> -> memref<1x32x128xf32, #tpu.memory_space<hbm>>
    %dma_wait3A_260 = tpu.memref_squeeze %dma_wait3A_259 : memref<1x32x128xf32, #tpu.memory_space<hbm>> -> memref<32x128xf32, #tpu.memory_space<hbm>>
    %dma_wait3A_261 = arith.constant 0 : i32
    %dma_wait3A_262 = arith.constant 0 : i32
    %dma_wait3A_263 = tpu.memref_slice %arg6[%dma_wait3A_261, %dma_wait3A_249, %dma_wait3A_262] : memref<32x8x128xf32, #tpu.memory_space<vmem>> -> memref<32x1x128xf32, #tpu.memory_space<vmem>>
    %dma_wait3A_264 = tpu.memref_squeeze %dma_wait3A_263 : memref<32x1x128xf32, #tpu.memory_space<vmem>> -> memref<32x128xf32, #tpu.memory_space<vmem>>
    tpu.wait_dma2 semaphore(%arg9 : memref<!tpu.dma_semaphore, #tpu.memory_space<semaphore_mem>>) src(%dma_wait3A_264 : memref<32x128xf32, #tpu.memory_space<vmem>>) dst(%dma_wait3A_260 : memref<32x128xf32, #tpu.memory_space<hbm>>)
    %dma_wait3A_265 = arith.constant 6 : i32
    %dma_wait3A_266 = arith.constant 6 : i32
    %dma_wait3A_267 = arith.constant 0 : i32
    %dma_wait3A_268 = arith.constant 0 : i32
    %dma_wait3A_269 = tpu.memref_slice %arg6[%dma_wait3A_267, %dma_wait3A_265, %dma_wait3A_268] : memref<32x8x128xf32, #tpu.memory_space<vmem>> -> memref<32x1x128xf32, #tpu.memory_space<vmem>>
    %dma_wait3A_270 = tpu.memref_squeeze %dma_wait3A_269 : memref<32x1x128xf32, #tpu.memory_space<vmem>> -> memref<32x128xf32, #tpu.memory_space<vmem>>
    %dma_wait3A_271 = arith.constant 0 : i32
    %dma_wait3A_272 = tpu.memref_slice %arg4[%dma_wait3A_266, %add3A_134, %dma_wait3A_271] : memref<8x5120x128xf32, #tpu.memory_space<hbm>> -> memref<1x32x128xf32, #tpu.memory_space<hbm>>
    %dma_wait3A_273 = tpu.memref_squeeze %dma_wait3A_272 : memref<1x32x128xf32, #tpu.memory_space<hbm>> -> memref<32x128xf32, #tpu.memory_space<hbm>>
    %dma_wait3A_274 = arith.constant 0 : i32
    %dma_wait3A_275 = tpu.memref_slice %arg4[%dma_wait3A_266, %add3A_134, %dma_wait3A_274] : memref<8x5120x128xf32, #tpu.memory_space<hbm>> -> memref<1x32x128xf32, #tpu.memory_space<hbm>>
    %dma_wait3A_276 = tpu.memref_squeeze %dma_wait3A_275 : memref<1x32x128xf32, #tpu.memory_space<hbm>> -> memref<32x128xf32, #tpu.memory_space<hbm>>
    %dma_wait3A_277 = arith.constant 0 : i32
    %dma_wait3A_278 = arith.constant 0 : i32
    %dma_wait3A_279 = tpu.memref_slice %arg6[%dma_wait3A_277, %dma_wait3A_265, %dma_wait3A_278] : memref<32x8x128xf32, #tpu.memory_space<vmem>> -> memref<32x1x128xf32, #tpu.memory_space<vmem>>
    %dma_wait3A_280 = tpu.memref_squeeze %dma_wait3A_279 : memref<32x1x128xf32, #tpu.memory_space<vmem>> -> memref<32x128xf32, #tpu.memory_space<vmem>>
    tpu.wait_dma2 semaphore(%arg9 : memref<!tpu.dma_semaphore, #tpu.memory_space<semaphore_mem>>) src(%dma_wait3A_280 : memref<32x128xf32, #tpu.memory_space<vmem>>) dst(%dma_wait3A_276 : memref<32x128xf32, #tpu.memory_space<hbm>>)
    %dma_wait3A_281 = arith.constant 7 : i32
    %dma_wait3A_282 = arith.constant 7 : i32
    %dma_wait3A_283 = arith.constant 0 : i32
    %dma_wait3A_284 = arith.constant 0 : i32
    %dma_wait3A_285 = tpu.memref_slice %arg6[%dma_wait3A_283, %dma_wait3A_281, %dma_wait3A_284] : memref<32x8x128xf32, #tpu.memory_space<vmem>> -> memref<32x1x128xf32, #tpu.memory_space<vmem>>
    %dma_wait3A_286 = tpu.memref_squeeze %dma_wait3A_285 : memref<32x1x128xf32, #tpu.memory_space<vmem>> -> memref<32x128xf32, #tpu.memory_space<vmem>>
    %dma_wait3A_287 = arith.constant 0 : i32
    %dma_wait3A_288 = tpu.memref_slice %arg4[%dma_wait3A_282, %add3A_152, %dma_wait3A_287] : memref<8x5120x128xf32, #tpu.memory_space<hbm>> -> memref<1x32x128xf32, #tpu.memory_space<hbm>>
    %dma_wait3A_289 = tpu.memref_squeeze %dma_wait3A_288 : memref<1x32x128xf32, #tpu.memory_space<hbm>> -> memref<32x128xf32, #tpu.memory_space<hbm>>
    %dma_wait3A_290 = arith.constant 0 : i32
    %dma_wait3A_291 = tpu.memref_slice %arg4[%dma_wait3A_282, %add3A_152, %dma_wait3A_290] : memref<8x5120x128xf32, #tpu.memory_space<hbm>> -> memref<1x32x128xf32, #tpu.memory_space<hbm>>
    %dma_wait3A_292 = tpu.memref_squeeze %dma_wait3A_291 : memref<1x32x128xf32, #tpu.memory_space<hbm>> -> memref<32x128xf32, #tpu.memory_space<hbm>>
    %dma_wait3A_293 = arith.constant 0 : i32
    %dma_wait3A_294 = arith.constant 0 : i32
    %dma_wait3A_295 = tpu.memref_slice %arg6[%dma_wait3A_293, %dma_wait3A_281, %dma_wait3A_294] : memref<32x8x128xf32, #tpu.memory_space<vmem>> -> memref<32x1x128xf32, #tpu.memory_space<vmem>>
    %dma_wait3A_296 = tpu.memref_squeeze %dma_wait3A_295 : memref<32x1x128xf32, #tpu.memory_space<vmem>> -> memref<32x128xf32, #tpu.memory_space<vmem>>
    tpu.wait_dma2 semaphore(%arg9 : memref<!tpu.dma_semaphore, #tpu.memory_space<semaphore_mem>>) src(%dma_wait3A_296 : memref<32x128xf32, #tpu.memory_space<vmem>>) dst(%dma_wait3A_292 : memref<32x128xf32, #tpu.memory_space<hbm>>)
    %dma_start3A_297 = arith.constant 96 : i32
    %dma_start3A_298 = tpu.memref_slice %arg5[%dma_start3A_297] : memref<160xi32, #tpu.memory_space<vmem>> -> memref<32xi32, #tpu.memory_space<vmem>>
    %dma_start3A_299 = arith.constant 0 : i32
    %dma_start3A_300 = arith.constant 0 : i32
    %dma_start3A_301 = arith.constant 0 : i32
    %dma_start3A_302 = tpu.memref_slice %arg2[%dma_start3A_299, %dma_start3A_300, %dma_start3A_301] : memref<4096x8x128xf32, #tpu.memory_space<hbm>> -> memref<4096x8x128xf32, #tpu.memory_space<hbm>>
    tpu.enqueue_indirect_dma source(%dma_start3A_302 : memref<4096x8x128xf32, #tpu.memory_space<hbm>>) target(%arg6 : memref<32x8x128xf32, #tpu.memory_space<vmem>>) offsets(%dma_start3A_298 : memref<32xi32, #tpu.memory_space<vmem>>) semaphore(%arg9 : memref<!tpu.dma_semaphore, #tpu.memory_space<semaphore_mem>>)
    %dma_wait3A_303 = arith.constant 32 : i32
    %dma_wait3A_304 = tpu.memref_slice %arg5[%dma_wait3A_303] : memref<160xi32, #tpu.memory_space<vmem>> -> memref<32xi32, #tpu.memory_space<vmem>>
    %dma_wait3A_305 = arith.constant 0 : i32
    %dma_wait3A_306 = arith.constant 0 : i32
    %dma_wait3A_307 = arith.constant 0 : i32
    %dma_wait3A_308 = tpu.memref_slice %arg2[%dma_wait3A_305, %dma_wait3A_306, %dma_wait3A_307] : memref<4096x8x128xf32, #tpu.memory_space<hbm>> -> memref<4096x8x128xf32, #tpu.memory_space<hbm>>
    tpu.wait_indirect_dma semaphore(%arg10 : memref<!tpu.dma_semaphore, #tpu.memory_space<semaphore_mem>>) src(%dma_wait3A_308 : memref<4096x8x128xf32, #tpu.memory_space<hbm>>) dst(%arg7 : memref<32x8x128xf32, #tpu.memory_space<vmem>>)
    %add3A_309 = arith.constant 32 : i32
    %add3A_310 = arith.addi %mul3A_2, %add3A_309 : i32
    %dma_start3A_311 = arith.constant 0 : i32
    %dma_start3A_312 = arith.constant 0 : i32
    %dma_start3A_313 = arith.constant 0 : i32
    %dma_start3A_314 = arith.constant 0 : i32
    %dma_start3A_315 = tpu.memref_slice %arg7[%dma_start3A_313, %dma_start3A_311, %dma_start3A_314] : memref<32x8x128xf32, #tpu.memory_space<vmem>> -> memref<32x1x128xf32, #tpu.memory_space<vmem>>
    %dma_start3A_316 = tpu.memref_squeeze %dma_start3A_315 : memref<32x1x128xf32, #tpu.memory_space<vmem>> -> memref<32x128xf32, #tpu.memory_space<vmem>>
    %dma_start3A_317 = arith.constant 0 : i32
    %dma_start3A_318 = tpu.memref_slice %arg4[%dma_start3A_312, %add3A_310, %dma_start3A_317] : memref<8x5120x128xf32, #tpu.memory_space<hbm>> -> memref<1x32x128xf32, #tpu.memory_space<hbm>>
    %dma_start3A_319 = tpu.memref_squeeze %dma_start3A_318 : memref<1x32x128xf32, #tpu.memory_space<hbm>> -> memref<32x128xf32, #tpu.memory_space<hbm>>
    %dma_start3A_320 = arith.constant 0 : i32
    %dma_start3A_321 = tpu.memref_slice %arg4[%dma_start3A_312, %add3A_310, %dma_start3A_320] : memref<8x5120x128xf32, #tpu.memory_space<hbm>> -> memref<1x32x128xf32, #tpu.memory_space<hbm>>
    %dma_start3A_322 = tpu.memref_squeeze %dma_start3A_321 : memref<1x32x128xf32, #tpu.memory_space<hbm>> -> memref<32x128xf32, #tpu.memory_space<hbm>>
    %dma_start3A_323 = arith.constant 0 : i32
    %dma_start3A_324 = arith.constant 0 : i32
    %dma_start3A_325 = tpu.memref_slice %arg7[%dma_start3A_323, %dma_start3A_311, %dma_start3A_324] : memref<32x8x128xf32, #tpu.memory_space<vmem>> -> memref<32x1x128xf32, #tpu.memory_space<vmem>>
    %dma_start3A_326 = tpu.memref_squeeze %dma_start3A_325 : memref<32x1x128xf32, #tpu.memory_space<vmem>> -> memref<32x128xf32, #tpu.memory_space<vmem>>
    tpu.enqueue_dma source(%dma_start3A_326 : memref<32x128xf32, #tpu.memory_space<vmem>>) target(%dma_start3A_322 : memref<32x128xf32, #tpu.memory_space<hbm>>) target_semaphore(%arg10 : memref<!tpu.dma_semaphore, #tpu.memory_space<semaphore_mem>>)
    %add3A_327 = arith.constant 32 : i32
    %add3A_328 = arith.addi %mul3A_2, %add3A_327 : i32
    %dma_start3A_329 = arith.constant 1 : i32
    %dma_start3A_330 = arith.constant 1 : i32
    %dma_start3A_331 = arith.constant 0 : i32
    %dma_start3A_332 = arith.constant 0 : i32
    %dma_start3A_333 = tpu.memref_slice %arg7[%dma_start3A_331, %dma_start3A_329, %dma_start3A_332] : memref<32x8x128xf32, #tpu.memory_space<vmem>> -> memref<32x1x128xf32, #tpu.memory_space<vmem>>
    %dma_start3A_334 = tpu.memref_squeeze %dma_start3A_333 : memref<32x1x128xf32, #tpu.memory_space<vmem>> -> memref<32x128xf32, #tpu.memory_space<vmem>>
    %dma_start3A_335 = arith.constant 0 : i32
    %dma_start3A_336 = tpu.memref_slice %arg4[%dma_start3A_330, %add3A_328, %dma_start3A_335] : memref<8x5120x128xf32, #tpu.memory_space<hbm>> -> memref<1x32x128xf32, #tpu.memory_space<hbm>>
    %dma_start3A_337 = tpu.memref_squeeze %dma_start3A_336 : memref<1x32x128xf32, #tpu.memory_space<hbm>> -> memref<32x128xf32, #tpu.memory_space<hbm>>
    %dma_start3A_338 = arith.constant 0 : i32
    %dma_start3A_339 = tpu.memref_slice %arg4[%dma_start3A_330, %add3A_328, %dma_start3A_338] : memref<8x5120x128xf32, #tpu.memory_space<hbm>> -> memref<1x32x128xf32, #tpu.memory_space<hbm>>
    %dma_start3A_340 = tpu.memref_squeeze %dma_start3A_339 : memref<1x32x128xf32, #tpu.memory_space<hbm>> -> memref<32x128xf32, #tpu.memory_space<hbm>>
    %dma_start3A_341 = arith.constant 0 : i32
    %dma_start3A_342 = arith.constant 0 : i32
    %dma_start3A_343 = tpu.memref_slice %arg7[%dma_start3A_341, %dma_start3A_329, %dma_start3A_342] : memref<32x8x128xf32, #tpu.memory_space<vmem>> -> memref<32x1x128xf32, #tpu.memory_space<vmem>>
    %dma_start3A_344 = tpu.memref_squeeze %dma_start3A_343 : memref<32x1x128xf32, #tpu.memory_space<vmem>> -> memref<32x128xf32, #tpu.memory_space<vmem>>
    tpu.enqueue_dma source(%dma_start3A_344 : memref<32x128xf32, #tpu.memory_space<vmem>>) target(%dma_start3A_340 : memref<32x128xf32, #tpu.memory_space<hbm>>) target_semaphore(%arg10 : memref<!tpu.dma_semaphore, #tpu.memory_space<semaphore_mem>>)
    %add3A_345 = arith.constant 32 : i32
    %add3A_346 = arith.addi %mul3A_2, %add3A_345 : i32
    %dma_start3A_347 = arith.constant 2 : i32
    %dma_start3A_348 = arith.constant 2 : i32
    %dma_start3A_349 = arith.constant 0 : i32
    %dma_start3A_350 = arith.constant 0 : i32
    %dma_start3A_351 = tpu.memref_slice %arg7[%dma_start3A_349, %dma_start3A_347, %dma_start3A_350] : memref<32x8x128xf32, #tpu.memory_space<vmem>> -> memref<32x1x128xf32, #tpu.memory_space<vmem>>
    %dma_start3A_352 = tpu.memref_squeeze %dma_start3A_351 : memref<32x1x128xf32, #tpu.memory_space<vmem>> -> memref<32x128xf32, #tpu.memory_space<vmem>>
    %dma_start3A_353 = arith.constant 0 : i32
    %dma_start3A_354 = tpu.memref_slice %arg4[%dma_start3A_348, %add3A_346, %dma_start3A_353] : memref<8x5120x128xf32, #tpu.memory_space<hbm>> -> memref<1x32x128xf32, #tpu.memory_space<hbm>>
    %dma_start3A_355 = tpu.memref_squeeze %dma_start3A_354 : memref<1x32x128xf32, #tpu.memory_space<hbm>> -> memref<32x128xf32, #tpu.memory_space<hbm>>
    %dma_start3A_356 = arith.constant 0 : i32
    %dma_start3A_357 = tpu.memref_slice %arg4[%dma_start3A_348, %add3A_346, %dma_start3A_356] : memref<8x5120x128xf32, #tpu.memory_space<hbm>> -> memref<1x32x128xf32, #tpu.memory_space<hbm>>
    %dma_start3A_358 = tpu.memref_squeeze %dma_start3A_357 : memref<1x32x128xf32, #tpu.memory_space<hbm>> -> memref<32x128xf32, #tpu.memory_space<hbm>>
    %dma_start3A_359 = arith.constant 0 : i32
    %dma_start3A_360 = arith.constant 0 : i32
    %dma_start3A_361 = tpu.memref_slice %arg7[%dma_start3A_359, %dma_start3A_347, %dma_start3A_360] : memref<32x8x128xf32, #tpu.memory_space<vmem>> -> memref<32x1x128xf32, #tpu.memory_space<vmem>>
    %dma_start3A_362 = tpu.memref_squeeze %dma_start3A_361 : memref<32x1x128xf32, #tpu.memory_space<vmem>> -> memref<32x128xf32, #tpu.memory_space<vmem>>
    tpu.enqueue_dma source(%dma_start3A_362 : memref<32x128xf32, #tpu.memory_space<vmem>>) target(%dma_start3A_358 : memref<32x128xf32, #tpu.memory_space<hbm>>) target_semaphore(%arg10 : memref<!tpu.dma_semaphore, #tpu.memory_space<semaphore_mem>>)
    %add3A_363 = arith.constant 32 : i32
    %add3A_364 = arith.addi %mul3A_2, %add3A_363 : i32
    %dma_start3A_365 = arith.constant 3 : i32
    %dma_start3A_366 = arith.constant 3 : i32
    %dma_start3A_367 = arith.constant 0 : i32
    %dma_start3A_368 = arith.constant 0 : i32
    %dma_start3A_369 = tpu.memref_slice %arg7[%dma_start3A_367, %dma_start3A_365, %dma_start3A_368] : memref<32x8x128xf32, #tpu.memory_space<vmem>> -> memref<32x1x128xf32, #tpu.memory_space<vmem>>
    %dma_start3A_370 = tpu.memref_squeeze %dma_start3A_369 : memref<32x1x128xf32, #tpu.memory_space<vmem>> -> memref<32x128xf32, #tpu.memory_space<vmem>>
    %dma_start3A_371 = arith.constant 0 : i32
    %dma_start3A_372 = tpu.memref_slice %arg4[%dma_start3A_366, %add3A_364, %dma_start3A_371] : memref<8x5120x128xf32, #tpu.memory_space<hbm>> -> memref<1x32x128xf32, #tpu.memory_space<hbm>>
    %dma_start3A_373 = tpu.memref_squeeze %dma_start3A_372 : memref<1x32x128xf32, #tpu.memory_space<hbm>> -> memref<32x128xf32, #tpu.memory_space<hbm>>
    %dma_start3A_374 = arith.constant 0 : i32
    %dma_start3A_375 = tpu.memref_slice %arg4[%dma_start3A_366, %add3A_364, %dma_start3A_374] : memref<8x5120x128xf32, #tpu.memory_space<hbm>> -> memref<1x32x128xf32, #tpu.memory_space<hbm>>
    %dma_start3A_376 = tpu.memref_squeeze %dma_start3A_375 : memref<1x32x128xf32, #tpu.memory_space<hbm>> -> memref<32x128xf32, #tpu.memory_space<hbm>>
    %dma_start3A_377 = arith.constant 0 : i32
    %dma_start3A_378 = arith.constant 0 : i32
    %dma_start3A_379 = tpu.memref_slice %arg7[%dma_start3A_377, %dma_start3A_365, %dma_start3A_378] : memref<32x8x128xf32, #tpu.memory_space<vmem>> -> memref<32x1x128xf32, #tpu.memory_space<vmem>>
    %dma_start3A_380 = tpu.memref_squeeze %dma_start3A_379 : memref<32x1x128xf32, #tpu.memory_space<vmem>> -> memref<32x128xf32, #tpu.memory_space<vmem>>
    tpu.enqueue_dma source(%dma_start3A_380 : memref<32x128xf32, #tpu.memory_space<vmem>>) target(%dma_start3A_376 : memref<32x128xf32, #tpu.memory_space<hbm>>) target_semaphore(%arg10 : memref<!tpu.dma_semaphore, #tpu.memory_space<semaphore_mem>>)
    %add3A_381 = arith.constant 32 : i32
    %add3A_382 = arith.addi %mul3A_2, %add3A_381 : i32
    %dma_start3A_383 = arith.constant 4 : i32
    %dma_start3A_384 = arith.constant 4 : i32
    %dma_start3A_385 = arith.constant 0 : i32
    %dma_start3A_386 = arith.constant 0 : i32
    %dma_start3A_387 = tpu.memref_slice %arg7[%dma_start3A_385, %dma_start3A_383, %dma_start3A_386] : memref<32x8x128xf32, #tpu.memory_space<vmem>> -> memref<32x1x128xf32, #tpu.memory_space<vmem>>
    %dma_start3A_388 = tpu.memref_squeeze %dma_start3A_387 : memref<32x1x128xf32, #tpu.memory_space<vmem>> -> memref<32x128xf32, #tpu.memory_space<vmem>>
    %dma_start3A_389 = arith.constant 0 : i32
    %dma_start3A_390 = tpu.memref_slice %arg4[%dma_start3A_384, %add3A_382, %dma_start3A_389] : memref<8x5120x128xf32, #tpu.memory_space<hbm>> -> memref<1x32x128xf32, #tpu.memory_space<hbm>>
    %dma_start3A_391 = tpu.memref_squeeze %dma_start3A_390 : memref<1x32x128xf32, #tpu.memory_space<hbm>> -> memref<32x128xf32, #tpu.memory_space<hbm>>
    %dma_start3A_392 = arith.constant 0 : i32
    %dma_start3A_393 = tpu.memref_slice %arg4[%dma_start3A_384, %add3A_382, %dma_start3A_392] : memref<8x5120x128xf32, #tpu.memory_space<hbm>> -> memref<1x32x128xf32, #tpu.memory_space<hbm>>
    %dma_start3A_394 = tpu.memref_squeeze %dma_start3A_393 : memref<1x32x128xf32, #tpu.memory_space<hbm>> -> memref<32x128xf32, #tpu.memory_space<hbm>>
    %dma_start3A_395 = arith.constant 0 : i32
    %dma_start3A_396 = arith.constant 0 : i32
    %dma_start3A_397 = tpu.memref_slice %arg7[%dma_start3A_395, %dma_start3A_383, %dma_start3A_396] : memref<32x8x128xf32, #tpu.memory_space<vmem>> -> memref<32x1x128xf32, #tpu.memory_space<vmem>>
    %dma_start3A_398 = tpu.memref_squeeze %dma_start3A_397 : memref<32x1x128xf32, #tpu.memory_space<vmem>> -> memref<32x128xf32, #tpu.memory_space<vmem>>
    tpu.enqueue_dma source(%dma_start3A_398 : memref<32x128xf32, #tpu.memory_space<vmem>>) target(%dma_start3A_394 : memref<32x128xf32, #tpu.memory_space<hbm>>) target_semaphore(%arg10 : memref<!tpu.dma_semaphore, #tpu.memory_space<semaphore_mem>>)
    %add3A_399 = arith.constant 32 : i32
    %add3A_400 = arith.addi %mul3A_2, %add3A_399 : i32
    %dma_start3A_401 = arith.constant 5 : i32
    %dma_start3A_402 = arith.constant 5 : i32
    %dma_start3A_403 = arith.constant 0 : i32
    %dma_start3A_404 = arith.constant 0 : i32
    %dma_start3A_405 = tpu.memref_slice %arg7[%dma_start3A_403, %dma_start3A_401, %dma_start3A_404] : memref<32x8x128xf32, #tpu.memory_space<vmem>> -> memref<32x1x128xf32, #tpu.memory_space<vmem>>
    %dma_start3A_406 = tpu.memref_squeeze %dma_start3A_405 : memref<32x1x128xf32, #tpu.memory_space<vmem>> -> memref<32x128xf32, #tpu.memory_space<vmem>>
    %dma_start3A_407 = arith.constant 0 : i32
    %dma_start3A_408 = tpu.memref_slice %arg4[%dma_start3A_402, %add3A_400, %dma_start3A_407] : memref<8x5120x128xf32, #tpu.memory_space<hbm>> -> memref<1x32x128xf32, #tpu.memory_space<hbm>>
    %dma_start3A_409 = tpu.memref_squeeze %dma_start3A_408 : memref<1x32x128xf32, #tpu.memory_space<hbm>> -> memref<32x128xf32, #tpu.memory_space<hbm>>
    %dma_start3A_410 = arith.constant 0 : i32
    %dma_start3A_411 = tpu.memref_slice %arg4[%dma_start3A_402, %add3A_400, %dma_start3A_410] : memref<8x5120x128xf32, #tpu.memory_space<hbm>> -> memref<1x32x128xf32, #tpu.memory_space<hbm>>
    %dma_start3A_412 = tpu.memref_squeeze %dma_start3A_411 : memref<1x32x128xf32, #tpu.memory_space<hbm>> -> memref<32x128xf32, #tpu.memory_space<hbm>>
    %dma_start3A_413 = arith.constant 0 : i32
    %dma_start3A_414 = arith.constant 0 : i32
    %dma_start3A_415 = tpu.memref_slice %arg7[%dma_start3A_413, %dma_start3A_401, %dma_start3A_414] : memref<32x8x128xf32, #tpu.memory_space<vmem>> -> memref<32x1x128xf32, #tpu.memory_space<vmem>>
    %dma_start3A_416 = tpu.memref_squeeze %dma_start3A_415 : memref<32x1x128xf32, #tpu.memory_space<vmem>> -> memref<32x128xf32, #tpu.memory_space<vmem>>
    tpu.enqueue_dma source(%dma_start3A_416 : memref<32x128xf32, #tpu.memory_space<vmem>>) target(%dma_start3A_412 : memref<32x128xf32, #tpu.memory_space<hbm>>) target_semaphore(%arg10 : memref<!tpu.dma_semaphore, #tpu.memory_space<semaphore_mem>>)
    %add3A_417 = arith.constant 32 : i32
    %add3A_418 = arith.addi %mul3A_2, %add3A_417 : i32
    %dma_start3A_419 = arith.constant 6 : i32
    %dma_start3A_420 = arith.constant 6 : i32
    %dma_start3A_421 = arith.constant 0 : i32
    %dma_start3A_422 = arith.constant 0 : i32
    %dma_start3A_423 = tpu.memref_slice %arg7[%dma_start3A_421, %dma_start3A_419, %dma_start3A_422] : memref<32x8x128xf32, #tpu.memory_space<vmem>> -> memref<32x1x128xf32, #tpu.memory_space<vmem>>
    %dma_start3A_424 = tpu.memref_squeeze %dma_start3A_423 : memref<32x1x128xf32, #tpu.memory_space<vmem>> -> memref<32x128xf32, #tpu.memory_space<vmem>>
    %dma_start3A_425 = arith.constant 0 : i32
    %dma_start3A_426 = tpu.memref_slice %arg4[%dma_start3A_420, %add3A_418, %dma_start3A_425] : memref<8x5120x128xf32, #tpu.memory_space<hbm>> -> memref<1x32x128xf32, #tpu.memory_space<hbm>>
    %dma_start3A_427 = tpu.memref_squeeze %dma_start3A_426 : memref<1x32x128xf32, #tpu.memory_space<hbm>> -> memref<32x128xf32, #tpu.memory_space<hbm>>
    %dma_start3A_428 = arith.constant 0 : i32
    %dma_start3A_429 = tpu.memref_slice %arg4[%dma_start3A_420, %add3A_418, %dma_start3A_428] : memref<8x5120x128xf32, #tpu.memory_space<hbm>> -> memref<1x32x128xf32, #tpu.memory_space<hbm>>
    %dma_start3A_430 = tpu.memref_squeeze %dma_start3A_429 : memref<1x32x128xf32, #tpu.memory_space<hbm>> -> memref<32x128xf32, #tpu.memory_space<hbm>>
    %dma_start3A_431 = arith.constant 0 : i32
    %dma_start3A_432 = arith.constant 0 : i32
    %dma_start3A_433 = tpu.memref_slice %arg7[%dma_start3A_431, %dma_start3A_419, %dma_start3A_432] : memref<32x8x128xf32, #tpu.memory_space<vmem>> -> memref<32x1x128xf32, #tpu.memory_space<vmem>>
    %dma_start3A_434 = tpu.memref_squeeze %dma_start3A_433 : memref<32x1x128xf32, #tpu.memory_space<vmem>> -> memref<32x128xf32, #tpu.memory_space<vmem>>
    tpu.enqueue_dma source(%dma_start3A_434 : memref<32x128xf32, #tpu.memory_space<vmem>>) target(%dma_start3A_430 : memref<32x128xf32, #tpu.memory_space<hbm>>) target_semaphore(%arg10 : memref<!tpu.dma_semaphore, #tpu.memory_space<semaphore_mem>>)
    %add3A_435 = arith.constant 32 : i32
    %add3A_436 = arith.addi %mul3A_2, %add3A_435 : i32
    %dma_start3A_437 = arith.constant 7 : i32
    %dma_start3A_438 = arith.constant 7 : i32
    %dma_start3A_439 = arith.constant 0 : i32
    %dma_start3A_440 = arith.constant 0 : i32
    %dma_start3A_441 = tpu.memref_slice %arg7[%dma_start3A_439, %dma_start3A_437, %dma_start3A_440] : memref<32x8x128xf32, #tpu.memory_space<vmem>> -> memref<32x1x128xf32, #tpu.memory_space<vmem>>
    %dma_start3A_442 = tpu.memref_squeeze %dma_start3A_441 : memref<32x1x128xf32, #tpu.memory_space<vmem>> -> memref<32x128xf32, #tpu.memory_space<vmem>>
    %dma_start3A_443 = arith.constant 0 : i32
    %dma_start3A_444 = tpu.memref_slice %arg4[%dma_start3A_438, %add3A_436, %dma_start3A_443] : memref<8x5120x128xf32, #tpu.memory_space<hbm>> -> memref<1x32x128xf32, #tpu.memory_space<hbm>>
    %dma_start3A_445 = tpu.memref_squeeze %dma_start3A_444 : memref<1x32x128xf32, #tpu.memory_space<hbm>> -> memref<32x128xf32, #tpu.memory_space<hbm>>
    %dma_start3A_446 = arith.constant 0 : i32
    %dma_start3A_447 = tpu.memref_slice %arg4[%dma_start3A_438, %add3A_436, %dma_start3A_446] : memref<8x5120x128xf32, #tpu.memory_space<hbm>> -> memref<1x32x128xf32, #tpu.memory_space<hbm>>
    %dma_start3A_448 = tpu.memref_squeeze %dma_start3A_447 : memref<1x32x128xf32, #tpu.memory_space<hbm>> -> memref<32x128xf32, #tpu.memory_space<hbm>>
    %dma_start3A_449 = arith.constant 0 : i32
    %dma_start3A_450 = arith.constant 0 : i32
    %dma_start3A_451 = tpu.memref_slice %arg7[%dma_start3A_449, %dma_start3A_437, %dma_start3A_450] : memref<32x8x128xf32, #tpu.memory_space<vmem>> -> memref<32x1x128xf32, #tpu.memory_space<vmem>>
    %dma_start3A_452 = tpu.memref_squeeze %dma_start3A_451 : memref<32x1x128xf32, #tpu.memory_space<vmem>> -> memref<32x128xf32, #tpu.memory_space<vmem>>
    tpu.enqueue_dma source(%dma_start3A_452 : memref<32x128xf32, #tpu.memory_space<vmem>>) target(%dma_start3A_448 : memref<32x128xf32, #tpu.memory_space<hbm>>) target_semaphore(%arg10 : memref<!tpu.dma_semaphore, #tpu.memory_space<semaphore_mem>>)
    %dma_wait3A_453 = arith.constant 0 : i32
    %dma_wait3A_454 = arith.constant 0 : i32
    %dma_wait3A_455 = arith.constant 0 : i32
    %dma_wait3A_456 = arith.constant 0 : i32
    %dma_wait3A_457 = tpu.memref_slice %arg7[%dma_wait3A_455, %dma_wait3A_453, %dma_wait3A_456] : memref<32x8x128xf32, #tpu.memory_space<vmem>> -> memref<32x1x128xf32, #tpu.memory_space<vmem>>
    %dma_wait3A_458 = tpu.memref_squeeze %dma_wait3A_457 : memref<32x1x128xf32, #tpu.memory_space<vmem>> -> memref<32x128xf32, #tpu.memory_space<vmem>>
    %dma_wait3A_459 = arith.constant 0 : i32
    %dma_wait3A_460 = tpu.memref_slice %arg4[%dma_wait3A_454, %add3A_310, %dma_wait3A_459] : memref<8x5120x128xf32, #tpu.memory_space<hbm>> -> memref<1x32x128xf32, #tpu.memory_space<hbm>>
    %dma_wait3A_461 = tpu.memref_squeeze %dma_wait3A_460 : memref<1x32x128xf32, #tpu.memory_space<hbm>> -> memref<32x128xf32, #tpu.memory_space<hbm>>
    %dma_wait3A_462 = arith.constant 0 : i32
    %dma_wait3A_463 = tpu.memref_slice %arg4[%dma_wait3A_454, %add3A_310, %dma_wait3A_462] : memref<8x5120x128xf32, #tpu.memory_space<hbm>> -> memref<1x32x128xf32, #tpu.memory_space<hbm>>
    %dma_wait3A_464 = tpu.memref_squeeze %dma_wait3A_463 : memref<1x32x128xf32, #tpu.memory_space<hbm>> -> memref<32x128xf32, #tpu.memory_space<hbm>>
    %dma_wait3A_465 = arith.constant 0 : i32
    %dma_wait3A_466 = arith.constant 0 : i32
    %dma_wait3A_467 = tpu.memref_slice %arg7[%dma_wait3A_465, %dma_wait3A_453, %dma_wait3A_466] : memref<32x8x128xf32, #tpu.memory_space<vmem>> -> memref<32x1x128xf32, #tpu.memory_space<vmem>>
    %dma_wait3A_468 = tpu.memref_squeeze %dma_wait3A_467 : memref<32x1x128xf32, #tpu.memory_space<vmem>> -> memref<32x128xf32, #tpu.memory_space<vmem>>
    tpu.wait_dma2 semaphore(%arg10 : memref<!tpu.dma_semaphore, #tpu.memory_space<semaphore_mem>>) src(%dma_wait3A_468 : memref<32x128xf32, #tpu.memory_space<vmem>>) dst(%dma_wait3A_464 : memref<32x128xf32, #tpu.memory_space<hbm>>)
    %dma_wait3A_469 = arith.constant 1 : i32
    %dma_wait3A_470 = arith.constant 1 : i32
    %dma_wait3A_471 = arith.constant 0 : i32
    %dma_wait3A_472 = arith.constant 0 : i32
    %dma_wait3A_473 = tpu.memref_slice %arg7[%dma_wait3A_471, %dma_wait3A_469, %dma_wait3A_472] : memref<32x8x128xf32, #tpu.memory_space<vmem>> -> memref<32x1x128xf32, #tpu.memory_space<vmem>>
    %dma_wait3A_474 = tpu.memref_squeeze %dma_wait3A_473 : memref<32x1x128xf32, #tpu.memory_space<vmem>> -> memref<32x128xf32, #tpu.memory_space<vmem>>
    %dma_wait3A_475 = arith.constant 0 : i32
    %dma_wait3A_476 = tpu.memref_slice %arg4[%dma_wait3A_470, %add3A_328, %dma_wait3A_475] : memref<8x5120x128xf32, #tpu.memory_space<hbm>> -> memref<1x32x128xf32, #tpu.memory_space<hbm>>
    %dma_wait3A_477 = tpu.memref_squeeze %dma_wait3A_476 : memref<1x32x128xf32, #tpu.memory_space<hbm>> -> memref<32x128xf32, #tpu.memory_space<hbm>>
    %dma_wait3A_478 = arith.constant 0 : i32
    %dma_wait3A_479 = tpu.memref_slice %arg4[%dma_wait3A_470, %add3A_328, %dma_wait3A_478] : memref<8x5120x128xf32, #tpu.memory_space<hbm>> -> memref<1x32x128xf32, #tpu.memory_space<hbm>>
    %dma_wait3A_480 = tpu.memref_squeeze %dma_wait3A_479 : memref<1x32x128xf32, #tpu.memory_space<hbm>> -> memref<32x128xf32, #tpu.memory_space<hbm>>
    %dma_wait3A_481 = arith.constant 0 : i32
    %dma_wait3A_482 = arith.constant 0 : i32
    %dma_wait3A_483 = tpu.memref_slice %arg7[%dma_wait3A_481, %dma_wait3A_469, %dma_wait3A_482] : memref<32x8x128xf32, #tpu.memory_space<vmem>> -> memref<32x1x128xf32, #tpu.memory_space<vmem>>
    %dma_wait3A_484 = tpu.memref_squeeze %dma_wait3A_483 : memref<32x1x128xf32, #tpu.memory_space<vmem>> -> memref<32x128xf32, #tpu.memory_space<vmem>>
    tpu.wait_dma2 semaphore(%arg10 : memref<!tpu.dma_semaphore, #tpu.memory_space<semaphore_mem>>) src(%dma_wait3A_484 : memref<32x128xf32, #tpu.memory_space<vmem>>) dst(%dma_wait3A_480 : memref<32x128xf32, #tpu.memory_space<hbm>>)
    %dma_wait3A_485 = arith.constant 2 : i32
    %dma_wait3A_486 = arith.constant 2 : i32
    %dma_wait3A_487 = arith.constant 0 : i32
    %dma_wait3A_488 = arith.constant 0 : i32
    %dma_wait3A_489 = tpu.memref_slice %arg7[%dma_wait3A_487, %dma_wait3A_485, %dma_wait3A_488] : memref<32x8x128xf32, #tpu.memory_space<vmem>> -> memref<32x1x128xf32, #tpu.memory_space<vmem>>
    %dma_wait3A_490 = tpu.memref_squeeze %dma_wait3A_489 : memref<32x1x128xf32, #tpu.memory_space<vmem>> -> memref<32x128xf32, #tpu.memory_space<vmem>>
    %dma_wait3A_491 = arith.constant 0 : i32
    %dma_wait3A_492 = tpu.memref_slice %arg4[%dma_wait3A_486, %add3A_346, %dma_wait3A_491] : memref<8x5120x128xf32, #tpu.memory_space<hbm>> -> memref<1x32x128xf32, #tpu.memory_space<hbm>>
    %dma_wait3A_493 = tpu.memref_squeeze %dma_wait3A_492 : memref<1x32x128xf32, #tpu.memory_space<hbm>> -> memref<32x128xf32, #tpu.memory_space<hbm>>
    %dma_wait3A_494 = arith.constant 0 : i32
    %dma_wait3A_495 = tpu.memref_slice %arg4[%dma_wait3A_486, %add3A_346, %dma_wait3A_494] : memref<8x5120x128xf32, #tpu.memory_space<hbm>> -> memref<1x32x128xf32, #tpu.memory_space<hbm>>
    %dma_wait3A_496 = tpu.memref_squeeze %dma_wait3A_495 : memref<1x32x128xf32, #tpu.memory_space<hbm>> -> memref<32x128xf32, #tpu.memory_space<hbm>>
    %dma_wait3A_497 = arith.constant 0 : i32
    %dma_wait3A_498 = arith.constant 0 : i32
    %dma_wait3A_499 = tpu.memref_slice %arg7[%dma_wait3A_497, %dma_wait3A_485, %dma_wait3A_498] : memref<32x8x128xf32, #tpu.memory_space<vmem>> -> memref<32x1x128xf32, #tpu.memory_space<vmem>>
    %dma_wait3A_500 = tpu.memref_squeeze %dma_wait3A_499 : memref<32x1x128xf32, #tpu.memory_space<vmem>> -> memref<32x128xf32, #tpu.memory_space<vmem>>
    tpu.wait_dma2 semaphore(%arg10 : memref<!tpu.dma_semaphore, #tpu.memory_space<semaphore_mem>>) src(%dma_wait3A_500 : memref<32x128xf32, #tpu.memory_space<vmem>>) dst(%dma_wait3A_496 : memref<32x128xf32, #tpu.memory_space<hbm>>)
    %dma_wait3A_501 = arith.constant 3 : i32
    %dma_wait3A_502 = arith.constant 3 : i32
    %dma_wait3A_503 = arith.constant 0 : i32
    %dma_wait3A_504 = arith.constant 0 : i32
    %dma_wait3A_505 = tpu.memref_slice %arg7[%dma_wait3A_503, %dma_wait3A_501, %dma_wait3A_504] : memref<32x8x128xf32, #tpu.memory_space<vmem>> -> memref<32x1x128xf32, #tpu.memory_space<vmem>>
    %dma_wait3A_506 = tpu.memref_squeeze %dma_wait3A_505 : memref<32x1x128xf32, #tpu.memory_space<vmem>> -> memref<32x128xf32, #tpu.memory_space<vmem>>
    %dma_wait3A_507 = arith.constant 0 : i32
    %dma_wait3A_508 = tpu.memref_slice %arg4[%dma_wait3A_502, %add3A_364, %dma_wait3A_507] : memref<8x5120x128xf32, #tpu.memory_space<hbm>> -> memref<1x32x128xf32, #tpu.memory_space<hbm>>
    %dma_wait3A_509 = tpu.memref_squeeze %dma_wait3A_508 : memref<1x32x128xf32, #tpu.memory_space<hbm>> -> memref<32x128xf32, #tpu.memory_space<hbm>>
    %dma_wait3A_510 = arith.constant 0 : i32
    %dma_wait3A_511 = tpu.memref_slice %arg4[%dma_wait3A_502, %add3A_364, %dma_wait3A_510] : memref<8x5120x128xf32, #tpu.memory_space<hbm>> -> memref<1x32x128xf32, #tpu.memory_space<hbm>>
    %dma_wait3A_512 = tpu.memref_squeeze %dma_wait3A_511 : memref<1x32x128xf32, #tpu.memory_space<hbm>> -> memref<32x128xf32, #tpu.memory_space<hbm>>
    %dma_wait3A_513 = arith.constant 0 : i32
    %dma_wait3A_514 = arith.constant 0 : i32
    %dma_wait3A_515 = tpu.memref_slice %arg7[%dma_wait3A_513, %dma_wait3A_501, %dma_wait3A_514] : memref<32x8x128xf32, #tpu.memory_space<vmem>> -> memref<32x1x128xf32, #tpu.memory_space<vmem>>
    %dma_wait3A_516 = tpu.memref_squeeze %dma_wait3A_515 : memref<32x1x128xf32, #tpu.memory_space<vmem>> -> memref<32x128xf32, #tpu.memory_space<vmem>>
    tpu.wait_dma2 semaphore(%arg10 : memref<!tpu.dma_semaphore, #tpu.memory_space<semaphore_mem>>) src(%dma_wait3A_516 : memref<32x128xf32, #tpu.memory_space<vmem>>) dst(%dma_wait3A_512 : memref<32x128xf32, #tpu.memory_space<hbm>>)
    %dma_wait3A_517 = arith.constant 4 : i32
    %dma_wait3A_518 = arith.constant 4 : i32
    %dma_wait3A_519 = arith.constant 0 : i32
    %dma_wait3A_520 = arith.constant 0 : i32
    %dma_wait3A_521 = tpu.memref_slice %arg7[%dma_wait3A_519, %dma_wait3A_517, %dma_wait3A_520] : memref<32x8x128xf32, #tpu.memory_space<vmem>> -> memref<32x1x128xf32, #tpu.memory_space<vmem>>
    %dma_wait3A_522 = tpu.memref_squeeze %dma_wait3A_521 : memref<32x1x128xf32, #tpu.memory_space<vmem>> -> memref<32x128xf32, #tpu.memory_space<vmem>>
    %dma_wait3A_523 = arith.constant 0 : i32
    %dma_wait3A_524 = tpu.memref_slice %arg4[%dma_wait3A_518, %add3A_382, %dma_wait3A_523] : memref<8x5120x128xf32, #tpu.memory_space<hbm>> -> memref<1x32x128xf32, #tpu.memory_space<hbm>>
    %dma_wait3A_525 = tpu.memref_squeeze %dma_wait3A_524 : memref<1x32x128xf32, #tpu.memory_space<hbm>> -> memref<32x128xf32, #tpu.memory_space<hbm>>
    %dma_wait3A_526 = arith.constant 0 : i32
    %dma_wait3A_527 = tpu.memref_slice %arg4[%dma_wait3A_518, %add3A_382, %dma_wait3A_526] : memref<8x5120x128xf32, #tpu.memory_space<hbm>> -> memref<1x32x128xf32, #tpu.memory_space<hbm>>
    %dma_wait3A_528 = tpu.memref_squeeze %dma_wait3A_527 : memref<1x32x128xf32, #tpu.memory_space<hbm>> -> memref<32x128xf32, #tpu.memory_space<hbm>>
    %dma_wait3A_529 = arith.constant 0 : i32
    %dma_wait3A_530 = arith.constant 0 : i32
    %dma_wait3A_531 = tpu.memref_slice %arg7[%dma_wait3A_529, %dma_wait3A_517, %dma_wait3A_530] : memref<32x8x128xf32, #tpu.memory_space<vmem>> -> memref<32x1x128xf32, #tpu.memory_space<vmem>>
    %dma_wait3A_532 = tpu.memref_squeeze %dma_wait3A_531 : memref<32x1x128xf32, #tpu.memory_space<vmem>> -> memref<32x128xf32, #tpu.memory_space<vmem>>
    tpu.wait_dma2 semaphore(%arg10 : memref<!tpu.dma_semaphore, #tpu.memory_space<semaphore_mem>>) src(%dma_wait3A_532 : memref<32x128xf32, #tpu.memory_space<vmem>>) dst(%dma_wait3A_528 : memref<32x128xf32, #tpu.memory_space<hbm>>)
    %dma_wait3A_533 = arith.constant 5 : i32
    %dma_wait3A_534 = arith.constant 5 : i32
    %dma_wait3A_535 = arith.constant 0 : i32
    %dma_wait3A_536 = arith.constant 0 : i32
    %dma_wait3A_537 = tpu.memref_slice %arg7[%dma_wait3A_535, %dma_wait3A_533, %dma_wait3A_536] : memref<32x8x128xf32, #tpu.memory_space<vmem>> -> memref<32x1x128xf32, #tpu.memory_space<vmem>>
    %dma_wait3A_538 = tpu.memref_squeeze %dma_wait3A_537 : memref<32x1x128xf32, #tpu.memory_space<vmem>> -> memref<32x128xf32, #tpu.memory_space<vmem>>
    %dma_wait3A_539 = arith.constant 0 : i32
    %dma_wait3A_540 = tpu.memref_slice %arg4[%dma_wait3A_534, %add3A_400, %dma_wait3A_539] : memref<8x5120x128xf32, #tpu.memory_space<hbm>> -> memref<1x32x128xf32, #tpu.memory_space<hbm>>
    %dma_wait3A_541 = tpu.memref_squeeze %dma_wait3A_540 : memref<1x32x128xf32, #tpu.memory_space<hbm>> -> memref<32x128xf32, #tpu.memory_space<hbm>>
    %dma_wait3A_542 = arith.constant 0 : i32
    %dma_wait3A_543 = tpu.memref_slice %arg4[%dma_wait3A_534, %add3A_400, %dma_wait3A_542] : memref<8x5120x128xf32, #tpu.memory_space<hbm>> -> memref<1x32x128xf32, #tpu.memory_space<hbm>>
    %dma_wait3A_544 = tpu.memref_squeeze %dma_wait3A_543 : memref<1x32x128xf32, #tpu.memory_space<hbm>> -> memref<32x128xf32, #tpu.memory_space<hbm>>
    %dma_wait3A_545 = arith.constant 0 : i32
    %dma_wait3A_546 = arith.constant 0 : i32
    %dma_wait3A_547 = tpu.memref_slice %arg7[%dma_wait3A_545, %dma_wait3A_533, %dma_wait3A_546] : memref<32x8x128xf32, #tpu.memory_space<vmem>> -> memref<32x1x128xf32, #tpu.memory_space<vmem>>
    %dma_wait3A_548 = tpu.memref_squeeze %dma_wait3A_547 : memref<32x1x128xf32, #tpu.memory_space<vmem>> -> memref<32x128xf32, #tpu.memory_space<vmem>>
    tpu.wait_dma2 semaphore(%arg10 : memref<!tpu.dma_semaphore, #tpu.memory_space<semaphore_mem>>) src(%dma_wait3A_548 : memref<32x128xf32, #tpu.memory_space<vmem>>) dst(%dma_wait3A_544 : memref<32x128xf32, #tpu.memory_space<hbm>>)
    %dma_wait3A_549 = arith.constant 6 : i32
    %dma_wait3A_550 = arith.constant 6 : i32
    %dma_wait3A_551 = arith.constant 0 : i32
    %dma_wait3A_552 = arith.constant 0 : i32
    %dma_wait3A_553 = tpu.memref_slice %arg7[%dma_wait3A_551, %dma_wait3A_549, %dma_wait3A_552] : memref<32x8x128xf32, #tpu.memory_space<vmem>> -> memref<32x1x128xf32, #tpu.memory_space<vmem>>
    %dma_wait3A_554 = tpu.memref_squeeze %dma_wait3A_553 : memref<32x1x128xf32, #tpu.memory_space<vmem>> -> memref<32x128xf32, #tpu.memory_space<vmem>>
    %dma_wait3A_555 = arith.constant 0 : i32
    %dma_wait3A_556 = tpu.memref_slice %arg4[%dma_wait3A_550, %add3A_418, %dma_wait3A_555] : memref<8x5120x128xf32, #tpu.memory_space<hbm>> -> memref<1x32x128xf32, #tpu.memory_space<hbm>>
    %dma_wait3A_557 = tpu.memref_squeeze %dma_wait3A_556 : memref<1x32x128xf32, #tpu.memory_space<hbm>> -> memref<32x128xf32, #tpu.memory_space<hbm>>
    %dma_wait3A_558 = arith.constant 0 : i32
    %dma_wait3A_559 = tpu.memref_slice %arg4[%dma_wait3A_550, %add3A_418, %dma_wait3A_558] : memref<8x5120x128xf32, #tpu.memory_space<hbm>> -> memref<1x32x128xf32, #tpu.memory_space<hbm>>
    %dma_wait3A_560 = tpu.memref_squeeze %dma_wait3A_559 : memref<1x32x128xf32, #tpu.memory_space<hbm>> -> memref<32x128xf32, #tpu.memory_space<hbm>>
    %dma_wait3A_561 = arith.constant 0 : i32
    %dma_wait3A_562 = arith.constant 0 : i32
    %dma_wait3A_563 = tpu.memref_slice %arg7[%dma_wait3A_561, %dma_wait3A_549, %dma_wait3A_562] : memref<32x8x128xf32, #tpu.memory_space<vmem>> -> memref<32x1x128xf32, #tpu.memory_space<vmem>>
    %dma_wait3A_564 = tpu.memref_squeeze %dma_wait3A_563 : memref<32x1x128xf32, #tpu.memory_space<vmem>> -> memref<32x128xf32, #tpu.memory_space<vmem>>
    tpu.wait_dma2 semaphore(%arg10 : memref<!tpu.dma_semaphore, #tpu.memory_space<semaphore_mem>>) src(%dma_wait3A_564 : memref<32x128xf32, #tpu.memory_space<vmem>>) dst(%dma_wait3A_560 : memref<32x128xf32, #tpu.memory_space<hbm>>)
    %dma_wait3A_565 = arith.constant 7 : i32
    %dma_wait3A_566 = arith.constant 7 : i32
    %dma_wait3A_567 = arith.constant 0 : i32
    %dma_wait3A_568 = arith.constant 0 : i32
    %dma_wait3A_569 = tpu.memref_slice %arg7[%dma_wait3A_567, %dma_wait3A_565, %dma_wait3A_568] : memref<32x8x128xf32, #tpu.memory_space<vmem>> -> memref<32x1x128xf32, #tpu.memory_space<vmem>>
    %dma_wait3A_570 = tpu.memref_squeeze %dma_wait3A_569 : memref<32x1x128xf32, #tpu.memory_space<vmem>> -> memref<32x128xf32, #tpu.memory_space<vmem>>
    %dma_wait3A_571 = arith.constant 0 : i32
    %dma_wait3A_572 = tpu.memref_slice %arg4[%dma_wait3A_566, %add3A_436, %dma_wait3A_571] : memref<8x5120x128xf32, #tpu.memory_space<hbm>> -> memref<1x32x128xf32, #tpu.memory_space<hbm>>
    %dma_wait3A_573 = tpu.memref_squeeze %dma_wait3A_572 : memref<1x32x128xf32, #tpu.memory_space<hbm>> -> memref<32x128xf32, #tpu.memory_space<hbm>>
    %dma_wait3A_574 = arith.constant 0 : i32
    %dma_wait3A_575 = tpu.memref_slice %arg4[%dma_wait3A_566, %add3A_436, %dma_wait3A_574] : memref<8x5120x128xf32, #tpu.memory_space<hbm>> -> memref<1x32x128xf32, #tpu.memory_space<hbm>>
    %dma_wait3A_576 = tpu.memref_squeeze %dma_wait3A_575 : memref<1x32x128xf32, #tpu.memory_space<hbm>> -> memref<32x128xf32, #tpu.memory_space<hbm>>
    %dma_wait3A_577 = arith.constant 0 : i32
    %dma_wait3A_578 = arith.constant 0 : i32
    %dma_wait3A_579 = tpu.memref_slice %arg7[%dma_wait3A_577, %dma_wait3A_565, %dma_wait3A_578] : memref<32x8x128xf32, #tpu.memory_space<vmem>> -> memref<32x1x128xf32, #tpu.memory_space<vmem>>
    %dma_wait3A_580 = tpu.memref_squeeze %dma_wait3A_579 : memref<32x1x128xf32, #tpu.memory_space<vmem>> -> memref<32x128xf32, #tpu.memory_space<vmem>>
    tpu.wait_dma2 semaphore(%arg10 : memref<!tpu.dma_semaphore, #tpu.memory_space<semaphore_mem>>) src(%dma_wait3A_580 : memref<32x128xf32, #tpu.memory_space<vmem>>) dst(%dma_wait3A_576 : memref<32x128xf32, #tpu.memory_space<hbm>>)
    %dma_start3A_581 = arith.constant 128 : i32
    %dma_start3A_582 = tpu.memref_slice %arg5[%dma_start3A_581] : memref<160xi32, #tpu.memory_space<vmem>> -> memref<32xi32, #tpu.memory_space<vmem>>
    %dma_start3A_583 = arith.constant 0 : i32
    %dma_start3A_584 = arith.constant 0 : i32
    %dma_start3A_585 = arith.constant 0 : i32
    %dma_start3A_586 = tpu.memref_slice %arg2[%dma_start3A_583, %dma_start3A_584, %dma_start3A_585] : memref<4096x8x128xf32, #tpu.memory_space<hbm>> -> memref<4096x8x128xf32, #tpu.memory_space<hbm>>
    tpu.enqueue_indirect_dma source(%dma_start3A_586 : memref<4096x8x128xf32, #tpu.memory_space<hbm>>) target(%arg7 : memref<32x8x128xf32, #tpu.memory_space<vmem>>) offsets(%dma_start3A_582 : memref<32xi32, #tpu.memory_space<vmem>>) semaphore(%arg10 : memref<!tpu.dma_semaphore, #tpu.memory_space<semaphore_mem>>)
    %dma_wait3A_587 = arith.constant 64 : i32
    %dma_wait3A_588 = tpu.memref_slice %arg5[%dma_wait3A_587] : memref<160xi32, #tpu.memory_space<vmem>> -> memref<32xi32, #tpu.memory_space<vmem>>
    %dma_wait3A_589 = arith.constant 0 : i32
    %dma_wait3A_590 = arith.constant 0 : i32
    %dma_wait3A_591 = arith.constant 0 : i32
    %dma_wait3A_592 = tpu.memref_slice %arg2[%dma_wait3A_589, %dma_wait3A_590, %dma_wait3A_591] : memref<4096x8x128xf32, #tpu.memory_space<hbm>> -> memref<4096x8x128xf32, #tpu.memory_space<hbm>>
    tpu.wait_indirect_dma semaphore(%arg11 : memref<!tpu.dma_semaphore, #tpu.memory_space<semaphore_mem>>) src(%dma_wait3A_592 : memref<4096x8x128xf32, #tpu.memory_space<hbm>>) dst(%arg8 : memref<32x8x128xf32, #tpu.memory_space<vmem>>)
    %add3A_593 = arith.constant 64 : i32
    %add3A_594 = arith.addi %mul3A_2, %add3A_593 : i32
    %dma_start3A_595 = arith.constant 0 : i32
    %dma_start3A_596 = arith.constant 0 : i32
    %dma_start3A_597 = arith.constant 0 : i32
    %dma_start3A_598 = arith.constant 0 : i32
    %dma_start3A_599 = tpu.memref_slice %arg8[%dma_start3A_597, %dma_start3A_595, %dma_start3A_598] : memref<32x8x128xf32, #tpu.memory_space<vmem>> -> memref<32x1x128xf32, #tpu.memory_space<vmem>>
    %dma_start3A_600 = tpu.memref_squeeze %dma_start3A_599 : memref<32x1x128xf32, #tpu.memory_space<vmem>> -> memref<32x128xf32, #tpu.memory_space<vmem>>
    %dma_start3A_601 = arith.constant 0 : i32
    %dma_start3A_602 = tpu.memref_slice %arg4[%dma_start3A_596, %add3A_594, %dma_start3A_601] : memref<8x5120x128xf32, #tpu.memory_space<hbm>> -> memref<1x32x128xf32, #tpu.memory_space<hbm>>
    %dma_start3A_603 = tpu.memref_squeeze %dma_start3A_602 : memref<1x32x128xf32, #tpu.memory_space<hbm>> -> memref<32x128xf32, #tpu.memory_space<hbm>>
    %dma_start3A_604 = arith.constant 0 : i32
    %dma_start3A_605 = tpu.memref_slice %arg4[%dma_start3A_596, %add3A_594, %dma_start3A_604] : memref<8x5120x128xf32, #tpu.memory_space<hbm>> -> memref<1x32x128xf32, #tpu.memory_space<hbm>>
    %dma_start3A_606 = tpu.memref_squeeze %dma_start3A_605 : memref<1x32x128xf32, #tpu.memory_space<hbm>> -> memref<32x128xf32, #tpu.memory_space<hbm>>
    %dma_start3A_607 = arith.constant 0 : i32
    %dma_start3A_608 = arith.constant 0 : i32
    %dma_start3A_609 = tpu.memref_slice %arg8[%dma_start3A_607, %dma_start3A_595, %dma_start3A_608] : memref<32x8x128xf32, #tpu.memory_space<vmem>> -> memref<32x1x128xf32, #tpu.memory_space<vmem>>
    %dma_start3A_610 = tpu.memref_squeeze %dma_start3A_609 : memref<32x1x128xf32, #tpu.memory_space<vmem>> -> memref<32x128xf32, #tpu.memory_space<vmem>>
    tpu.enqueue_dma source(%dma_start3A_610 : memref<32x128xf32, #tpu.memory_space<vmem>>) target(%dma_start3A_606 : memref<32x128xf32, #tpu.memory_space<hbm>>) target_semaphore(%arg11 : memref<!tpu.dma_semaphore, #tpu.memory_space<semaphore_mem>>)
    %add3A_611 = arith.constant 64 : i32
    %add3A_612 = arith.addi %mul3A_2, %add3A_611 : i32
    %dma_start3A_613 = arith.constant 1 : i32
    %dma_start3A_614 = arith.constant 1 : i32
    %dma_start3A_615 = arith.constant 0 : i32
    %dma_start3A_616 = arith.constant 0 : i32
    %dma_start3A_617 = tpu.memref_slice %arg8[%dma_start3A_615, %dma_start3A_613, %dma_start3A_616] : memref<32x8x128xf32, #tpu.memory_space<vmem>> -> memref<32x1x128xf32, #tpu.memory_space<vmem>>
    %dma_start3A_618 = tpu.memref_squeeze %dma_start3A_617 : memref<32x1x128xf32, #tpu.memory_space<vmem>> -> memref<32x128xf32, #tpu.memory_space<vmem>>
    %dma_start3A_619 = arith.constant 0 : i32
    %dma_start3A_620 = tpu.memref_slice %arg4[%dma_start3A_614, %add3A_612, %dma_start3A_619] : memref<8x5120x128xf32, #tpu.memory_space<hbm>> -> memref<1x32x128xf32, #tpu.memory_space<hbm>>
    %dma_start3A_621 = tpu.memref_squeeze %dma_start3A_620 : memref<1x32x128xf32, #tpu.memory_space<hbm>> -> memref<32x128xf32, #tpu.memory_space<hbm>>
    %dma_start3A_622 = arith.constant 0 : i32
    %dma_start3A_623 = tpu.memref_slice %arg4[%dma_start3A_614, %add3A_612, %dma_start3A_622] : memref<8x5120x128xf32, #tpu.memory_space<hbm>> -> memref<1x32x128xf32, #tpu.memory_space<hbm>>
    %dma_start3A_624 = tpu.memref_squeeze %dma_start3A_623 : memref<1x32x128xf32, #tpu.memory_space<hbm>> -> memref<32x128xf32, #tpu.memory_space<hbm>>
    %dma_start3A_625 = arith.constant 0 : i32
    %dma_start3A_626 = arith.constant 0 : i32
    %dma_start3A_627 = tpu.memref_slice %arg8[%dma_start3A_625, %dma_start3A_613, %dma_start3A_626] : memref<32x8x128xf32, #tpu.memory_space<vmem>> -> memref<32x1x128xf32, #tpu.memory_space<vmem>>
    %dma_start3A_628 = tpu.memref_squeeze %dma_start3A_627 : memref<32x1x128xf32, #tpu.memory_space<vmem>> -> memref<32x128xf32, #tpu.memory_space<vmem>>
    tpu.enqueue_dma source(%dma_start3A_628 : memref<32x128xf32, #tpu.memory_space<vmem>>) target(%dma_start3A_624 : memref<32x128xf32, #tpu.memory_space<hbm>>) target_semaphore(%arg11 : memref<!tpu.dma_semaphore, #tpu.memory_space<semaphore_mem>>)
    %add3A_629 = arith.constant 64 : i32
    %add3A_630 = arith.addi %mul3A_2, %add3A_629 : i32
    %dma_start3A_631 = arith.constant 2 : i32
    %dma_start3A_632 = arith.constant 2 : i32
    %dma_start3A_633 = arith.constant 0 : i32
    %dma_start3A_634 = arith.constant 0 : i32
    %dma_start3A_635 = tpu.memref_slice %arg8[%dma_start3A_633, %dma_start3A_631, %dma_start3A_634] : memref<32x8x128xf32, #tpu.memory_space<vmem>> -> memref<32x1x128xf32, #tpu.memory_space<vmem>>
    %dma_start3A_636 = tpu.memref_squeeze %dma_start3A_635 : memref<32x1x128xf32, #tpu.memory_space<vmem>> -> memref<32x128xf32, #tpu.memory_space<vmem>>
    %dma_start3A_637 = arith.constant 0 : i32
    %dma_start3A_638 = tpu.memref_slice %arg4[%dma_start3A_632, %add3A_630, %dma_start3A_637] : memref<8x5120x128xf32, #tpu.memory_space<hbm>> -> memref<1x32x128xf32, #tpu.memory_space<hbm>>
    %dma_start3A_639 = tpu.memref_squeeze %dma_start3A_638 : memref<1x32x128xf32, #tpu.memory_space<hbm>> -> memref<32x128xf32, #tpu.memory_space<hbm>>
    %dma_start3A_640 = arith.constant 0 : i32
    %dma_start3A_641 = tpu.memref_slice %arg4[%dma_start3A_632, %add3A_630, %dma_start3A_640] : memref<8x5120x128xf32, #tpu.memory_space<hbm>> -> memref<1x32x128xf32, #tpu.memory_space<hbm>>
    %dma_start3A_642 = tpu.memref_squeeze %dma_start3A_641 : memref<1x32x128xf32, #tpu.memory_space<hbm>> -> memref<32x128xf32, #tpu.memory_space<hbm>>
    %dma_start3A_643 = arith.constant 0 : i32
    %dma_start3A_644 = arith.constant 0 : i32
    %dma_start3A_645 = tpu.memref_slice %arg8[%dma_start3A_643, %dma_start3A_631, %dma_start3A_644] : memref<32x8x128xf32, #tpu.memory_space<vmem>> -> memref<32x1x128xf32, #tpu.memory_space<vmem>>
    %dma_start3A_646 = tpu.memref_squeeze %dma_start3A_645 : memref<32x1x128xf32, #tpu.memory_space<vmem>> -> memref<32x128xf32, #tpu.memory_space<vmem>>
    tpu.enqueue_dma source(%dma_start3A_646 : memref<32x128xf32, #tpu.memory_space<vmem>>) target(%dma_start3A_642 : memref<32x128xf32, #tpu.memory_space<hbm>>) target_semaphore(%arg11 : memref<!tpu.dma_semaphore, #tpu.memory_space<semaphore_mem>>)
    %add3A_647 = arith.constant 64 : i32
    %add3A_648 = arith.addi %mul3A_2, %add3A_647 : i32
    %dma_start3A_649 = arith.constant 3 : i32
    %dma_start3A_650 = arith.constant 3 : i32
    %dma_start3A_651 = arith.constant 0 : i32
    %dma_start3A_652 = arith.constant 0 : i32
    %dma_start3A_653 = tpu.memref_slice %arg8[%dma_start3A_651, %dma_start3A_649, %dma_start3A_652] : memref<32x8x128xf32, #tpu.memory_space<vmem>> -> memref<32x1x128xf32, #tpu.memory_space<vmem>>
    %dma_start3A_654 = tpu.memref_squeeze %dma_start3A_653 : memref<32x1x128xf32, #tpu.memory_space<vmem>> -> memref<32x128xf32, #tpu.memory_space<vmem>>
    %dma_start3A_655 = arith.constant 0 : i32
    %dma_start3A_656 = tpu.memref_slice %arg4[%dma_start3A_650, %add3A_648, %dma_start3A_655] : memref<8x5120x128xf32, #tpu.memory_space<hbm>> -> memref<1x32x128xf32, #tpu.memory_space<hbm>>
    %dma_start3A_657 = tpu.memref_squeeze %dma_start3A_656 : memref<1x32x128xf32, #tpu.memory_space<hbm>> -> memref<32x128xf32, #tpu.memory_space<hbm>>
    %dma_start3A_658 = arith.constant 0 : i32
    %dma_start3A_659 = tpu.memref_slice %arg4[%dma_start3A_650, %add3A_648, %dma_start3A_658] : memref<8x5120x128xf32, #tpu.memory_space<hbm>> -> memref<1x32x128xf32, #tpu.memory_space<hbm>>
    %dma_start3A_660 = tpu.memref_squeeze %dma_start3A_659 : memref<1x32x128xf32, #tpu.memory_space<hbm>> -> memref<32x128xf32, #tpu.memory_space<hbm>>
    %dma_start3A_661 = arith.constant 0 : i32
    %dma_start3A_662 = arith.constant 0 : i32
    %dma_start3A_663 = tpu.memref_slice %arg8[%dma_start3A_661, %dma_start3A_649, %dma_start3A_662] : memref<32x8x128xf32, #tpu.memory_space<vmem>> -> memref<32x1x128xf32, #tpu.memory_space<vmem>>
    %dma_start3A_664 = tpu.memref_squeeze %dma_start3A_663 : memref<32x1x128xf32, #tpu.memory_space<vmem>> -> memref<32x128xf32, #tpu.memory_space<vmem>>
    tpu.enqueue_dma source(%dma_start3A_664 : memref<32x128xf32, #tpu.memory_space<vmem>>) target(%dma_start3A_660 : memref<32x128xf32, #tpu.memory_space<hbm>>) target_semaphore(%arg11 : memref<!tpu.dma_semaphore, #tpu.memory_space<semaphore_mem>>)
    %add3A_665 = arith.constant 64 : i32
    %add3A_666 = arith.addi %mul3A_2, %add3A_665 : i32
    %dma_start3A_667 = arith.constant 4 : i32
    %dma_start3A_668 = arith.constant 4 : i32
    %dma_start3A_669 = arith.constant 0 : i32
    %dma_start3A_670 = arith.constant 0 : i32
    %dma_start3A_671 = tpu.memref_slice %arg8[%dma_start3A_669, %dma_start3A_667, %dma_start3A_670] : memref<32x8x128xf32, #tpu.memory_space<vmem>> -> memref<32x1x128xf32, #tpu.memory_space<vmem>>
    %dma_start3A_672 = tpu.memref_squeeze %dma_start3A_671 : memref<32x1x128xf32, #tpu.memory_space<vmem>> -> memref<32x128xf32, #tpu.memory_space<vmem>>
    %dma_start3A_673 = arith.constant 0 : i32
    %dma_start3A_674 = tpu.memref_slice %arg4[%dma_start3A_668, %add3A_666, %dma_start3A_673] : memref<8x5120x128xf32, #tpu.memory_space<hbm>> -> memref<1x32x128xf32, #tpu.memory_space<hbm>>
    %dma_start3A_675 = tpu.memref_squeeze %dma_start3A_674 : memref<1x32x128xf32, #tpu.memory_space<hbm>> -> memref<32x128xf32, #tpu.memory_space<hbm>>
    %dma_start3A_676 = arith.constant 0 : i32
    %dma_start3A_677 = tpu.memref_slice %arg4[%dma_start3A_668, %add3A_666, %dma_start3A_676] : memref<8x5120x128xf32, #tpu.memory_space<hbm>> -> memref<1x32x128xf32, #tpu.memory_space<hbm>>
    %dma_start3A_678 = tpu.memref_squeeze %dma_start3A_677 : memref<1x32x128xf32, #tpu.memory_space<hbm>> -> memref<32x128xf32, #tpu.memory_space<hbm>>
    %dma_start3A_679 = arith.constant 0 : i32
    %dma_start3A_680 = arith.constant 0 : i32
    %dma_start3A_681 = tpu.memref_slice %arg8[%dma_start3A_679, %dma_start3A_667, %dma_start3A_680] : memref<32x8x128xf32, #tpu.memory_space<vmem>> -> memref<32x1x128xf32, #tpu.memory_space<vmem>>
    %dma_start3A_682 = tpu.memref_squeeze %dma_start3A_681 : memref<32x1x128xf32, #tpu.memory_space<vmem>> -> memref<32x128xf32, #tpu.memory_space<vmem>>
    tpu.enqueue_dma source(%dma_start3A_682 : memref<32x128xf32, #tpu.memory_space<vmem>>) target(%dma_start3A_678 : memref<32x128xf32, #tpu.memory_space<hbm>>) target_semaphore(%arg11 : memref<!tpu.dma_semaphore, #tpu.memory_space<semaphore_mem>>)
    %add3A_683 = arith.constant 64 : i32
    %add3A_684 = arith.addi %mul3A_2, %add3A_683 : i32
    %dma_start3A_685 = arith.constant 5 : i32
    %dma_start3A_686 = arith.constant 5 : i32
    %dma_start3A_687 = arith.constant 0 : i32
    %dma_start3A_688 = arith.constant 0 : i32
    %dma_start3A_689 = tpu.memref_slice %arg8[%dma_start3A_687, %dma_start3A_685, %dma_start3A_688] : memref<32x8x128xf32, #tpu.memory_space<vmem>> -> memref<32x1x128xf32, #tpu.memory_space<vmem>>
    %dma_start3A_690 = tpu.memref_squeeze %dma_start3A_689 : memref<32x1x128xf32, #tpu.memory_space<vmem>> -> memref<32x128xf32, #tpu.memory_space<vmem>>
    %dma_start3A_691 = arith.constant 0 : i32
    %dma_start3A_692 = tpu.memref_slice %arg4[%dma_start3A_686, %add3A_684, %dma_start3A_691] : memref<8x5120x128xf32, #tpu.memory_space<hbm>> -> memref<1x32x128xf32, #tpu.memory_space<hbm>>
    %dma_start3A_693 = tpu.memref_squeeze %dma_start3A_692 : memref<1x32x128xf32, #tpu.memory_space<hbm>> -> memref<32x128xf32, #tpu.memory_space<hbm>>
    %dma_start3A_694 = arith.constant 0 : i32
    %dma_start3A_695 = tpu.memref_slice %arg4[%dma_start3A_686, %add3A_684, %dma_start3A_694] : memref<8x5120x128xf32, #tpu.memory_space<hbm>> -> memref<1x32x128xf32, #tpu.memory_space<hbm>>
    %dma_start3A_696 = tpu.memref_squeeze %dma_start3A_695 : memref<1x32x128xf32, #tpu.memory_space<hbm>> -> memref<32x128xf32, #tpu.memory_space<hbm>>
    %dma_start3A_697 = arith.constant 0 : i32
    %dma_start3A_698 = arith.constant 0 : i32
    %dma_start3A_699 = tpu.memref_slice %arg8[%dma_start3A_697, %dma_start3A_685, %dma_start3A_698] : memref<32x8x128xf32, #tpu.memory_space<vmem>> -> memref<32x1x128xf32, #tpu.memory_space<vmem>>
    %dma_start3A_700 = tpu.memref_squeeze %dma_start3A_699 : memref<32x1x128xf32, #tpu.memory_space<vmem>> -> memref<32x128xf32, #tpu.memory_space<vmem>>
    tpu.enqueue_dma source(%dma_start3A_700 : memref<32x128xf32, #tpu.memory_space<vmem>>) target(%dma_start3A_696 : memref<32x128xf32, #tpu.memory_space<hbm>>) target_semaphore(%arg11 : memref<!tpu.dma_semaphore, #tpu.memory_space<semaphore_mem>>)
    %add3A_701 = arith.constant 64 : i32
    %add3A_702 = arith.addi %mul3A_2, %add3A_701 : i32
    %dma_start3A_703 = arith.constant 6 : i32
    %dma_start3A_704 = arith.constant 6 : i32
    %dma_start3A_705 = arith.constant 0 : i32
    %dma_start3A_706 = arith.constant 0 : i32
    %dma_start3A_707 = tpu.memref_slice %arg8[%dma_start3A_705, %dma_start3A_703, %dma_start3A_706] : memref<32x8x128xf32, #tpu.memory_space<vmem>> -> memref<32x1x128xf32, #tpu.memory_space<vmem>>
    %dma_start3A_708 = tpu.memref_squeeze %dma_start3A_707 : memref<32x1x128xf32, #tpu.memory_space<vmem>> -> memref<32x128xf32, #tpu.memory_space<vmem>>
    %dma_start3A_709 = arith.constant 0 : i32
    %dma_start3A_710 = tpu.memref_slice %arg4[%dma_start3A_704, %add3A_702, %dma_start3A_709] : memref<8x5120x128xf32, #tpu.memory_space<hbm>> -> memref<1x32x128xf32, #tpu.memory_space<hbm>>
    %dma_start3A_711 = tpu.memref_squeeze %dma_start3A_710 : memref<1x32x128xf32, #tpu.memory_space<hbm>> -> memref<32x128xf32, #tpu.memory_space<hbm>>
    %dma_start3A_712 = arith.constant 0 : i32
    %dma_start3A_713 = tpu.memref_slice %arg4[%dma_start3A_704, %add3A_702, %dma_start3A_712] : memref<8x5120x128xf32, #tpu.memory_space<hbm>> -> memref<1x32x128xf32, #tpu.memory_space<hbm>>
    %dma_start3A_714 = tpu.memref_squeeze %dma_start3A_713 : memref<1x32x128xf32, #tpu.memory_space<hbm>> -> memref<32x128xf32, #tpu.memory_space<hbm>>
    %dma_start3A_715 = arith.constant 0 : i32
    %dma_start3A_716 = arith.constant 0 : i32
    %dma_start3A_717 = tpu.memref_slice %arg8[%dma_start3A_715, %dma_start3A_703, %dma_start3A_716] : memref<32x8x128xf32, #tpu.memory_space<vmem>> -> memref<32x1x128xf32, #tpu.memory_space<vmem>>
    %dma_start3A_718 = tpu.memref_squeeze %dma_start3A_717 : memref<32x1x128xf32, #tpu.memory_space<vmem>> -> memref<32x128xf32, #tpu.memory_space<vmem>>
    tpu.enqueue_dma source(%dma_start3A_718 : memref<32x128xf32, #tpu.memory_space<vmem>>) target(%dma_start3A_714 : memref<32x128xf32, #tpu.memory_space<hbm>>) target_semaphore(%arg11 : memref<!tpu.dma_semaphore, #tpu.memory_space<semaphore_mem>>)
    %add3A_719 = arith.constant 64 : i32
    %add3A_720 = arith.addi %mul3A_2, %add3A_719 : i32
    %dma_start3A_721 = arith.constant 7 : i32
    %dma_start3A_722 = arith.constant 7 : i32
    %dma_start3A_723 = arith.constant 0 : i32
    %dma_start3A_724 = arith.constant 0 : i32
    %dma_start3A_725 = tpu.memref_slice %arg8[%dma_start3A_723, %dma_start3A_721, %dma_start3A_724] : memref<32x8x128xf32, #tpu.memory_space<vmem>> -> memref<32x1x128xf32, #tpu.memory_space<vmem>>
    %dma_start3A_726 = tpu.memref_squeeze %dma_start3A_725 : memref<32x1x128xf32, #tpu.memory_space<vmem>> -> memref<32x128xf32, #tpu.memory_space<vmem>>
    %dma_start3A_727 = arith.constant 0 : i32
    %dma_start3A_728 = tpu.memref_slice %arg4[%dma_start3A_722, %add3A_720, %dma_start3A_727] : memref<8x5120x128xf32, #tpu.memory_space<hbm>> -> memref<1x32x128xf32, #tpu.memory_space<hbm>>
    %dma_start3A_729 = tpu.memref_squeeze %dma_start3A_728 : memref<1x32x128xf32, #tpu.memory_space<hbm>> -> memref<32x128xf32, #tpu.memory_space<hbm>>
    %dma_start3A_730 = arith.constant 0 : i32
    %dma_start3A_731 = tpu.memref_slice %arg4[%dma_start3A_722, %add3A_720, %dma_start3A_730] : memref<8x5120x128xf32, #tpu.memory_space<hbm>> -> memref<1x32x128xf32, #tpu.memory_space<hbm>>
    %dma_start3A_732 = tpu.memref_squeeze %dma_start3A_731 : memref<1x32x128xf32, #tpu.memory_space<hbm>> -> memref<32x128xf32, #tpu.memory_space<hbm>>
    %dma_start3A_733 = arith.constant 0 : i32
    %dma_start3A_734 = arith.constant 0 : i32
    %dma_start3A_735 = tpu.memref_slice %arg8[%dma_start3A_733, %dma_start3A_721, %dma_start3A_734] : memref<32x8x128xf32, #tpu.memory_space<vmem>> -> memref<32x1x128xf32, #tpu.memory_space<vmem>>
    %dma_start3A_736 = tpu.memref_squeeze %dma_start3A_735 : memref<32x1x128xf32, #tpu.memory_space<vmem>> -> memref<32x128xf32, #tpu.memory_space<vmem>>
    tpu.enqueue_dma source(%dma_start3A_736 : memref<32x128xf32, #tpu.memory_space<vmem>>) target(%dma_start3A_732 : memref<32x128xf32, #tpu.memory_space<hbm>>) target_semaphore(%arg11 : memref<!tpu.dma_semaphore, #tpu.memory_space<semaphore_mem>>)
    %dma_wait3A_737 = arith.constant 96 : i32
    %dma_wait3A_738 = tpu.memref_slice %arg5[%dma_wait3A_737] : memref<160xi32, #tpu.memory_space<vmem>> -> memref<32xi32, #tpu.memory_space<vmem>>
    %dma_wait3A_739 = arith.constant 0 : i32
    %dma_wait3A_740 = arith.constant 0 : i32
    %dma_wait3A_741 = arith.constant 0 : i32
    %dma_wait3A_742 = tpu.memref_slice %arg2[%dma_wait3A_739, %dma_wait3A_740, %dma_wait3A_741] : memref<4096x8x128xf32, #tpu.memory_space<hbm>> -> memref<4096x8x128xf32, #tpu.memory_space<hbm>>
    tpu.wait_indirect_dma semaphore(%arg9 : memref<!tpu.dma_semaphore, #tpu.memory_space<semaphore_mem>>) src(%dma_wait3A_742 : memref<4096x8x128xf32, #tpu.memory_space<hbm>>) dst(%arg6 : memref<32x8x128xf32, #tpu.memory_space<vmem>>)
    %add3A_743 = arith.constant 96 : i32
    %add3A_744 = arith.addi %mul3A_2, %add3A_743 : i32
    %dma_start3A_745 = arith.constant 0 : i32
    %dma_start3A_746 = arith.constant 0 : i32
    %dma_start3A_747 = arith.constant 0 : i32
    %dma_start3A_748 = arith.constant 0 : i32
    %dma_start3A_749 = tpu.memref_slice %arg6[%dma_start3A_747, %dma_start3A_745, %dma_start3A_748] : memref<32x8x128xf32, #tpu.memory_space<vmem>> -> memref<32x1x128xf32, #tpu.memory_space<vmem>>
    %dma_start3A_750 = tpu.memref_squeeze %dma_start3A_749 : memref<32x1x128xf32, #tpu.memory_space<vmem>> -> memref<32x128xf32, #tpu.memory_space<vmem>>
    %dma_start3A_751 = arith.constant 0 : i32
    %dma_start3A_752 = tpu.memref_slice %arg4[%dma_start3A_746, %add3A_744, %dma_start3A_751] : memref<8x5120x128xf32, #tpu.memory_space<hbm>> -> memref<1x32x128xf32, #tpu.memory_space<hbm>>
    %dma_start3A_753 = tpu.memref_squeeze %dma_start3A_752 : memref<1x32x128xf32, #tpu.memory_space<hbm>> -> memref<32x128xf32, #tpu.memory_space<hbm>>
    %dma_start3A_754 = arith.constant 0 : i32
    %dma_start3A_755 = tpu.memref_slice %arg4[%dma_start3A_746, %add3A_744, %dma_start3A_754] : memref<8x5120x128xf32, #tpu.memory_space<hbm>> -> memref<1x32x128xf32, #tpu.memory_space<hbm>>
    %dma_start3A_756 = tpu.memref_squeeze %dma_start3A_755 : memref<1x32x128xf32, #tpu.memory_space<hbm>> -> memref<32x128xf32, #tpu.memory_space<hbm>>
    %dma_start3A_757 = arith.constant 0 : i32
    %dma_start3A_758 = arith.constant 0 : i32
    %dma_start3A_759 = tpu.memref_slice %arg6[%dma_start3A_757, %dma_start3A_745, %dma_start3A_758] : memref<32x8x128xf32, #tpu.memory_space<vmem>> -> memref<32x1x128xf32, #tpu.memory_space<vmem>>
    %dma_start3A_760 = tpu.memref_squeeze %dma_start3A_759 : memref<32x1x128xf32, #tpu.memory_space<vmem>> -> memref<32x128xf32, #tpu.memory_space<vmem>>
    tpu.enqueue_dma source(%dma_start3A_760 : memref<32x128xf32, #tpu.memory_space<vmem>>) target(%dma_start3A_756 : memref<32x128xf32, #tpu.memory_space<hbm>>) target_semaphore(%arg9 : memref<!tpu.dma_semaphore, #tpu.memory_space<semaphore_mem>>)
    %add3A_761 = arith.constant 96 : i32
    %add3A_762 = arith.addi %mul3A_2, %add3A_761 : i32
    %dma_start3A_763 = arith.constant 1 : i32
    %dma_start3A_764 = arith.constant 1 : i32
    %dma_start3A_765 = arith.constant 0 : i32
    %dma_start3A_766 = arith.constant 0 : i32
    %dma_start3A_767 = tpu.memref_slice %arg6[%dma_start3A_765, %dma_start3A_763, %dma_start3A_766] : memref<32x8x128xf32, #tpu.memory_space<vmem>> -> memref<32x1x128xf32, #tpu.memory_space<vmem>>
    %dma_start3A_768 = tpu.memref_squeeze %dma_start3A_767 : memref<32x1x128xf32, #tpu.memory_space<vmem>> -> memref<32x128xf32, #tpu.memory_space<vmem>>
    %dma_start3A_769 = arith.constant 0 : i32
    %dma_start3A_770 = tpu.memref_slice %arg4[%dma_start3A_764, %add3A_762, %dma_start3A_769] : memref<8x5120x128xf32, #tpu.memory_space<hbm>> -> memref<1x32x128xf32, #tpu.memory_space<hbm>>
    %dma_start3A_771 = tpu.memref_squeeze %dma_start3A_770 : memref<1x32x128xf32, #tpu.memory_space<hbm>> -> memref<32x128xf32, #tpu.memory_space<hbm>>
    %dma_start3A_772 = arith.constant 0 : i32
    %dma_start3A_773 = tpu.memref_slice %arg4[%dma_start3A_764, %add3A_762, %dma_start3A_772] : memref<8x5120x128xf32, #tpu.memory_space<hbm>> -> memref<1x32x128xf32, #tpu.memory_space<hbm>>
    %dma_start3A_774 = tpu.memref_squeeze %dma_start3A_773 : memref<1x32x128xf32, #tpu.memory_space<hbm>> -> memref<32x128xf32, #tpu.memory_space<hbm>>
    %dma_start3A_775 = arith.constant 0 : i32
    %dma_start3A_776 = arith.constant 0 : i32
    %dma_start3A_777 = tpu.memref_slice %arg6[%dma_start3A_775, %dma_start3A_763, %dma_start3A_776] : memref<32x8x128xf32, #tpu.memory_space<vmem>> -> memref<32x1x128xf32, #tpu.memory_space<vmem>>
    %dma_start3A_778 = tpu.memref_squeeze %dma_start3A_777 : memref<32x1x128xf32, #tpu.memory_space<vmem>> -> memref<32x128xf32, #tpu.memory_space<vmem>>
    tpu.enqueue_dma source(%dma_start3A_778 : memref<32x128xf32, #tpu.memory_space<vmem>>) target(%dma_start3A_774 : memref<32x128xf32, #tpu.memory_space<hbm>>) target_semaphore(%arg9 : memref<!tpu.dma_semaphore, #tpu.memory_space<semaphore_mem>>)
    %add3A_779 = arith.constant 96 : i32
    %add3A_780 = arith.addi %mul3A_2, %add3A_779 : i32
    %dma_start3A_781 = arith.constant 2 : i32
    %dma_start3A_782 = arith.constant 2 : i32
    %dma_start3A_783 = arith.constant 0 : i32
    %dma_start3A_784 = arith.constant 0 : i32
    %dma_start3A_785 = tpu.memref_slice %arg6[%dma_start3A_783, %dma_start3A_781, %dma_start3A_784] : memref<32x8x128xf32, #tpu.memory_space<vmem>> -> memref<32x1x128xf32, #tpu.memory_space<vmem>>
    %dma_start3A_786 = tpu.memref_squeeze %dma_start3A_785 : memref<32x1x128xf32, #tpu.memory_space<vmem>> -> memref<32x128xf32, #tpu.memory_space<vmem>>
    %dma_start3A_787 = arith.constant 0 : i32
    %dma_start3A_788 = tpu.memref_slice %arg4[%dma_start3A_782, %add3A_780, %dma_start3A_787] : memref<8x5120x128xf32, #tpu.memory_space<hbm>> -> memref<1x32x128xf32, #tpu.memory_space<hbm>>
    %dma_start3A_789 = tpu.memref_squeeze %dma_start3A_788 : memref<1x32x128xf32, #tpu.memory_space<hbm>> -> memref<32x128xf32, #tpu.memory_space<hbm>>
    %dma_start3A_790 = arith.constant 0 : i32
    %dma_start3A_791 = tpu.memref_slice %arg4[%dma_start3A_782, %add3A_780, %dma_start3A_790] : memref<8x5120x128xf32, #tpu.memory_space<hbm>> -> memref<1x32x128xf32, #tpu.memory_space<hbm>>
    %dma_start3A_792 = tpu.memref_squeeze %dma_start3A_791 : memref<1x32x128xf32, #tpu.memory_space<hbm>> -> memref<32x128xf32, #tpu.memory_space<hbm>>
    %dma_start3A_793 = arith.constant 0 : i32
    %dma_start3A_794 = arith.constant 0 : i32
    %dma_start3A_795 = tpu.memref_slice %arg6[%dma_start3A_793, %dma_start3A_781, %dma_start3A_794] : memref<32x8x128xf32, #tpu.memory_space<vmem>> -> memref<32x1x128xf32, #tpu.memory_space<vmem>>
    %dma_start3A_796 = tpu.memref_squeeze %dma_start3A_795 : memref<32x1x128xf32, #tpu.memory_space<vmem>> -> memref<32x128xf32, #tpu.memory_space<vmem>>
    tpu.enqueue_dma source(%dma_start3A_796 : memref<32x128xf32, #tpu.memory_space<vmem>>) target(%dma_start3A_792 : memref<32x128xf32, #tpu.memory_space<hbm>>) target_semaphore(%arg9 : memref<!tpu.dma_semaphore, #tpu.memory_space<semaphore_mem>>)
    %add3A_797 = arith.constant 96 : i32
    %add3A_798 = arith.addi %mul3A_2, %add3A_797 : i32
    %dma_start3A_799 = arith.constant 3 : i32
    %dma_start3A_800 = arith.constant 3 : i32
    %dma_start3A_801 = arith.constant 0 : i32
    %dma_start3A_802 = arith.constant 0 : i32
    %dma_start3A_803 = tpu.memref_slice %arg6[%dma_start3A_801, %dma_start3A_799, %dma_start3A_802] : memref<32x8x128xf32, #tpu.memory_space<vmem>> -> memref<32x1x128xf32, #tpu.memory_space<vmem>>
    %dma_start3A_804 = tpu.memref_squeeze %dma_start3A_803 : memref<32x1x128xf32, #tpu.memory_space<vmem>> -> memref<32x128xf32, #tpu.memory_space<vmem>>
    %dma_start3A_805 = arith.constant 0 : i32
    %dma_start3A_806 = tpu.memref_slice %arg4[%dma_start3A_800, %add3A_798, %dma_start3A_805] : memref<8x5120x128xf32, #tpu.memory_space<hbm>> -> memref<1x32x128xf32, #tpu.memory_space<hbm>>
    %dma_start3A_807 = tpu.memref_squeeze %dma_start3A_806 : memref<1x32x128xf32, #tpu.memory_space<hbm>> -> memref<32x128xf32, #tpu.memory_space<hbm>>
    %dma_start3A_808 = arith.constant 0 : i32
    %dma_start3A_809 = tpu.memref_slice %arg4[%dma_start3A_800, %add3A_798, %dma_start3A_808] : memref<8x5120x128xf32, #tpu.memory_space<hbm>> -> memref<1x32x128xf32, #tpu.memory_space<hbm>>
    %dma_start3A_810 = tpu.memref_squeeze %dma_start3A_809 : memref<1x32x128xf32, #tpu.memory_space<hbm>> -> memref<32x128xf32, #tpu.memory_space<hbm>>
    %dma_start3A_811 = arith.constant 0 : i32
    %dma_start3A_812 = arith.constant 0 : i32
    %dma_start3A_813 = tpu.memref_slice %arg6[%dma_start3A_811, %dma_start3A_799, %dma_start3A_812] : memref<32x8x128xf32, #tpu.memory_space<vmem>> -> memref<32x1x128xf32, #tpu.memory_space<vmem>>
    %dma_start3A_814 = tpu.memref_squeeze %dma_start3A_813 : memref<32x1x128xf32, #tpu.memory_space<vmem>> -> memref<32x128xf32, #tpu.memory_space<vmem>>
    tpu.enqueue_dma source(%dma_start3A_814 : memref<32x128xf32, #tpu.memory_space<vmem>>) target(%dma_start3A_810 : memref<32x128xf32, #tpu.memory_space<hbm>>) target_semaphore(%arg9 : memref<!tpu.dma_semaphore, #tpu.memory_space<semaphore_mem>>)
    %add3A_815 = arith.constant 96 : i32
    %add3A_816 = arith.addi %mul3A_2, %add3A_815 : i32
    %dma_start3A_817 = arith.constant 4 : i32
    %dma_start3A_818 = arith.constant 4 : i32
    %dma_start3A_819 = arith.constant 0 : i32
    %dma_start3A_820 = arith.constant 0 : i32
    %dma_start3A_821 = tpu.memref_slice %arg6[%dma_start3A_819, %dma_start3A_817, %dma_start3A_820] : memref<32x8x128xf32, #tpu.memory_space<vmem>> -> memref<32x1x128xf32, #tpu.memory_space<vmem>>
    %dma_start3A_822 = tpu.memref_squeeze %dma_start3A_821 : memref<32x1x128xf32, #tpu.memory_space<vmem>> -> memref<32x128xf32, #tpu.memory_space<vmem>>
    %dma_start3A_823 = arith.constant 0 : i32
    %dma_start3A_824 = tpu.memref_slice %arg4[%dma_start3A_818, %add3A_816, %dma_start3A_823] : memref<8x5120x128xf32, #tpu.memory_space<hbm>> -> memref<1x32x128xf32, #tpu.memory_space<hbm>>
    %dma_start3A_825 = tpu.memref_squeeze %dma_start3A_824 : memref<1x32x128xf32, #tpu.memory_space<hbm>> -> memref<32x128xf32, #tpu.memory_space<hbm>>
    %dma_start3A_826 = arith.constant 0 : i32
    %dma_start3A_827 = tpu.memref_slice %arg4[%dma_start3A_818, %add3A_816, %dma_start3A_826] : memref<8x5120x128xf32, #tpu.memory_space<hbm>> -> memref<1x32x128xf32, #tpu.memory_space<hbm>>
    %dma_start3A_828 = tpu.memref_squeeze %dma_start3A_827 : memref<1x32x128xf32, #tpu.memory_space<hbm>> -> memref<32x128xf32, #tpu.memory_space<hbm>>
    %dma_start3A_829 = arith.constant 0 : i32
    %dma_start3A_830 = arith.constant 0 : i32
    %dma_start3A_831 = tpu.memref_slice %arg6[%dma_start3A_829, %dma_start3A_817, %dma_start3A_830] : memref<32x8x128xf32, #tpu.memory_space<vmem>> -> memref<32x1x128xf32, #tpu.memory_space<vmem>>
    %dma_start3A_832 = tpu.memref_squeeze %dma_start3A_831 : memref<32x1x128xf32, #tpu.memory_space<vmem>> -> memref<32x128xf32, #tpu.memory_space<vmem>>
    tpu.enqueue_dma source(%dma_start3A_832 : memref<32x128xf32, #tpu.memory_space<vmem>>) target(%dma_start3A_828 : memref<32x128xf32, #tpu.memory_space<hbm>>) target_semaphore(%arg9 : memref<!tpu.dma_semaphore, #tpu.memory_space<semaphore_mem>>)
    %add3A_833 = arith.constant 96 : i32
    %add3A_834 = arith.addi %mul3A_2, %add3A_833 : i32
    %dma_start3A_835 = arith.constant 5 : i32
    %dma_start3A_836 = arith.constant 5 : i32
    %dma_start3A_837 = arith.constant 0 : i32
    %dma_start3A_838 = arith.constant 0 : i32
    %dma_start3A_839 = tpu.memref_slice %arg6[%dma_start3A_837, %dma_start3A_835, %dma_start3A_838] : memref<32x8x128xf32, #tpu.memory_space<vmem>> -> memref<32x1x128xf32, #tpu.memory_space<vmem>>
    %dma_start3A_840 = tpu.memref_squeeze %dma_start3A_839 : memref<32x1x128xf32, #tpu.memory_space<vmem>> -> memref<32x128xf32, #tpu.memory_space<vmem>>
    %dma_start3A_841 = arith.constant 0 : i32
    %dma_start3A_842 = tpu.memref_slice %arg4[%dma_start3A_836, %add3A_834, %dma_start3A_841] : memref<8x5120x128xf32, #tpu.memory_space<hbm>> -> memref<1x32x128xf32, #tpu.memory_space<hbm>>
    %dma_start3A_843 = tpu.memref_squeeze %dma_start3A_842 : memref<1x32x128xf32, #tpu.memory_space<hbm>> -> memref<32x128xf32, #tpu.memory_space<hbm>>
    %dma_start3A_844 = arith.constant 0 : i32
    %dma_start3A_845 = tpu.memref_slice %arg4[%dma_start3A_836, %add3A_834, %dma_start3A_844] : memref<8x5120x128xf32, #tpu.memory_space<hbm>> -> memref<1x32x128xf32, #tpu.memory_space<hbm>>
    %dma_start3A_846 = tpu.memref_squeeze %dma_start3A_845 : memref<1x32x128xf32, #tpu.memory_space<hbm>> -> memref<32x128xf32, #tpu.memory_space<hbm>>
    %dma_start3A_847 = arith.constant 0 : i32
    %dma_start3A_848 = arith.constant 0 : i32
    %dma_start3A_849 = tpu.memref_slice %arg6[%dma_start3A_847, %dma_start3A_835, %dma_start3A_848] : memref<32x8x128xf32, #tpu.memory_space<vmem>> -> memref<32x1x128xf32, #tpu.memory_space<vmem>>
    %dma_start3A_850 = tpu.memref_squeeze %dma_start3A_849 : memref<32x1x128xf32, #tpu.memory_space<vmem>> -> memref<32x128xf32, #tpu.memory_space<vmem>>
    tpu.enqueue_dma source(%dma_start3A_850 : memref<32x128xf32, #tpu.memory_space<vmem>>) target(%dma_start3A_846 : memref<32x128xf32, #tpu.memory_space<hbm>>) target_semaphore(%arg9 : memref<!tpu.dma_semaphore, #tpu.memory_space<semaphore_mem>>)
    %add3A_851 = arith.constant 96 : i32
    %add3A_852 = arith.addi %mul3A_2, %add3A_851 : i32
    %dma_start3A_853 = arith.constant 6 : i32
    %dma_start3A_854 = arith.constant 6 : i32
    %dma_start3A_855 = arith.constant 0 : i32
    %dma_start3A_856 = arith.constant 0 : i32
    %dma_start3A_857 = tpu.memref_slice %arg6[%dma_start3A_855, %dma_start3A_853, %dma_start3A_856] : memref<32x8x128xf32, #tpu.memory_space<vmem>> -> memref<32x1x128xf32, #tpu.memory_space<vmem>>
    %dma_start3A_858 = tpu.memref_squeeze %dma_start3A_857 : memref<32x1x128xf32, #tpu.memory_space<vmem>> -> memref<32x128xf32, #tpu.memory_space<vmem>>
    %dma_start3A_859 = arith.constant 0 : i32
    %dma_start3A_860 = tpu.memref_slice %arg4[%dma_start3A_854, %add3A_852, %dma_start3A_859] : memref<8x5120x128xf32, #tpu.memory_space<hbm>> -> memref<1x32x128xf32, #tpu.memory_space<hbm>>
    %dma_start3A_861 = tpu.memref_squeeze %dma_start3A_860 : memref<1x32x128xf32, #tpu.memory_space<hbm>> -> memref<32x128xf32, #tpu.memory_space<hbm>>
    %dma_start3A_862 = arith.constant 0 : i32
    %dma_start3A_863 = tpu.memref_slice %arg4[%dma_start3A_854, %add3A_852, %dma_start3A_862] : memref<8x5120x128xf32, #tpu.memory_space<hbm>> -> memref<1x32x128xf32, #tpu.memory_space<hbm>>
    %dma_start3A_864 = tpu.memref_squeeze %dma_start3A_863 : memref<1x32x128xf32, #tpu.memory_space<hbm>> -> memref<32x128xf32, #tpu.memory_space<hbm>>
    %dma_start3A_865 = arith.constant 0 : i32
    %dma_start3A_866 = arith.constant 0 : i32
    %dma_start3A_867 = tpu.memref_slice %arg6[%dma_start3A_865, %dma_start3A_853, %dma_start3A_866] : memref<32x8x128xf32, #tpu.memory_space<vmem>> -> memref<32x1x128xf32, #tpu.memory_space<vmem>>
    %dma_start3A_868 = tpu.memref_squeeze %dma_start3A_867 : memref<32x1x128xf32, #tpu.memory_space<vmem>> -> memref<32x128xf32, #tpu.memory_space<vmem>>
    tpu.enqueue_dma source(%dma_start3A_868 : memref<32x128xf32, #tpu.memory_space<vmem>>) target(%dma_start3A_864 : memref<32x128xf32, #tpu.memory_space<hbm>>) target_semaphore(%arg9 : memref<!tpu.dma_semaphore, #tpu.memory_space<semaphore_mem>>)
    %add3A_869 = arith.constant 96 : i32
    %add3A_870 = arith.addi %mul3A_2, %add3A_869 : i32
    %dma_start3A_871 = arith.constant 7 : i32
    %dma_start3A_872 = arith.constant 7 : i32
    %dma_start3A_873 = arith.constant 0 : i32
    %dma_start3A_874 = arith.constant 0 : i32
    %dma_start3A_875 = tpu.memref_slice %arg6[%dma_start3A_873, %dma_start3A_871, %dma_start3A_874] : memref<32x8x128xf32, #tpu.memory_space<vmem>> -> memref<32x1x128xf32, #tpu.memory_space<vmem>>
    %dma_start3A_876 = tpu.memref_squeeze %dma_start3A_875 : memref<32x1x128xf32, #tpu.memory_space<vmem>> -> memref<32x128xf32, #tpu.memory_space<vmem>>
    %dma_start3A_877 = arith.constant 0 : i32
    %dma_start3A_878 = tpu.memref_slice %arg4[%dma_start3A_872, %add3A_870, %dma_start3A_877] : memref<8x5120x128xf32, #tpu.memory_space<hbm>> -> memref<1x32x128xf32, #tpu.memory_space<hbm>>
    %dma_start3A_879 = tpu.memref_squeeze %dma_start3A_878 : memref<1x32x128xf32, #tpu.memory_space<hbm>> -> memref<32x128xf32, #tpu.memory_space<hbm>>
    %dma_start3A_880 = arith.constant 0 : i32
    %dma_start3A_881 = tpu.memref_slice %arg4[%dma_start3A_872, %add3A_870, %dma_start3A_880] : memref<8x5120x128xf32, #tpu.memory_space<hbm>> -> memref<1x32x128xf32, #tpu.memory_space<hbm>>
    %dma_start3A_882 = tpu.memref_squeeze %dma_start3A_881 : memref<1x32x128xf32, #tpu.memory_space<hbm>> -> memref<32x128xf32, #tpu.memory_space<hbm>>
    %dma_start3A_883 = arith.constant 0 : i32
    %dma_start3A_884 = arith.constant 0 : i32
    %dma_start3A_885 = tpu.memref_slice %arg6[%dma_start3A_883, %dma_start3A_871, %dma_start3A_884] : memref<32x8x128xf32, #tpu.memory_space<vmem>> -> memref<32x1x128xf32, #tpu.memory_space<vmem>>
    %dma_start3A_886 = tpu.memref_squeeze %dma_start3A_885 : memref<32x1x128xf32, #tpu.memory_space<vmem>> -> memref<32x128xf32, #tpu.memory_space<vmem>>
    tpu.enqueue_dma source(%dma_start3A_886 : memref<32x128xf32, #tpu.memory_space<vmem>>) target(%dma_start3A_882 : memref<32x128xf32, #tpu.memory_space<hbm>>) target_semaphore(%arg9 : memref<!tpu.dma_semaphore, #tpu.memory_space<semaphore_mem>>)
    %dma_wait3A_887 = arith.constant 128 : i32
    %dma_wait3A_888 = tpu.memref_slice %arg5[%dma_wait3A_887] : memref<160xi32, #tpu.memory_space<vmem>> -> memref<32xi32, #tpu.memory_space<vmem>>
    %dma_wait3A_889 = arith.constant 0 : i32
    %dma_wait3A_890 = arith.constant 0 : i32
    %dma_wait3A_891 = arith.constant 0 : i32
    %dma_wait3A_892 = tpu.memref_slice %arg2[%dma_wait3A_889, %dma_wait3A_890, %dma_wait3A_891] : memref<4096x8x128xf32, #tpu.memory_space<hbm>> -> memref<4096x8x128xf32, #tpu.memory_space<hbm>>
    tpu.wait_indirect_dma semaphore(%arg10 : memref<!tpu.dma_semaphore, #tpu.memory_space<semaphore_mem>>) src(%dma_wait3A_892 : memref<4096x8x128xf32, #tpu.memory_space<hbm>>) dst(%arg7 : memref<32x8x128xf32, #tpu.memory_space<vmem>>)
    %add3A_893 = arith.constant 128 : i32
    %add3A_894 = arith.addi %mul3A_2, %add3A_893 : i32
    %dma_start3A_895 = arith.constant 0 : i32
    %dma_start3A_896 = arith.constant 0 : i32
    %dma_start3A_897 = arith.constant 0 : i32
    %dma_start3A_898 = arith.constant 0 : i32
    %dma_start3A_899 = tpu.memref_slice %arg7[%dma_start3A_897, %dma_start3A_895, %dma_start3A_898] : memref<32x8x128xf32, #tpu.memory_space<vmem>> -> memref<32x1x128xf32, #tpu.memory_space<vmem>>
    %dma_start3A_900 = tpu.memref_squeeze %dma_start3A_899 : memref<32x1x128xf32, #tpu.memory_space<vmem>> -> memref<32x128xf32, #tpu.memory_space<vmem>>
    %dma_start3A_901 = arith.constant 0 : i32
    %dma_start3A_902 = tpu.memref_slice %arg4[%dma_start3A_896, %add3A_894, %dma_start3A_901] : memref<8x5120x128xf32, #tpu.memory_space<hbm>> -> memref<1x32x128xf32, #tpu.memory_space<hbm>>
    %dma_start3A_903 = tpu.memref_squeeze %dma_start3A_902 : memref<1x32x128xf32, #tpu.memory_space<hbm>> -> memref<32x128xf32, #tpu.memory_space<hbm>>
    %dma_start3A_904 = arith.constant 0 : i32
    %dma_start3A_905 = tpu.memref_slice %arg4[%dma_start3A_896, %add3A_894, %dma_start3A_904] : memref<8x5120x128xf32, #tpu.memory_space<hbm>> -> memref<1x32x128xf32, #tpu.memory_space<hbm>>
    %dma_start3A_906 = tpu.memref_squeeze %dma_start3A_905 : memref<1x32x128xf32, #tpu.memory_space<hbm>> -> memref<32x128xf32, #tpu.memory_space<hbm>>
    %dma_start3A_907 = arith.constant 0 : i32
    %dma_start3A_908 = arith.constant 0 : i32
    %dma_start3A_909 = tpu.memref_slice %arg7[%dma_start3A_907, %dma_start3A_895, %dma_start3A_908] : memref<32x8x128xf32, #tpu.memory_space<vmem>> -> memref<32x1x128xf32, #tpu.memory_space<vmem>>
    %dma_start3A_910 = tpu.memref_squeeze %dma_start3A_909 : memref<32x1x128xf32, #tpu.memory_space<vmem>> -> memref<32x128xf32, #tpu.memory_space<vmem>>
    tpu.enqueue_dma source(%dma_start3A_910 : memref<32x128xf32, #tpu.memory_space<vmem>>) target(%dma_start3A_906 : memref<32x128xf32, #tpu.memory_space<hbm>>) target_semaphore(%arg10 : memref<!tpu.dma_semaphore, #tpu.memory_space<semaphore_mem>>)
    %add3A_911 = arith.constant 128 : i32
    %add3A_912 = arith.addi %mul3A_2, %add3A_911 : i32
    %dma_start3A_913 = arith.constant 1 : i32
    %dma_start3A_914 = arith.constant 1 : i32
    %dma_start3A_915 = arith.constant 0 : i32
    %dma_start3A_916 = arith.constant 0 : i32
    %dma_start3A_917 = tpu.memref_slice %arg7[%dma_start3A_915, %dma_start3A_913, %dma_start3A_916] : memref<32x8x128xf32, #tpu.memory_space<vmem>> -> memref<32x1x128xf32, #tpu.memory_space<vmem>>
    %dma_start3A_918 = tpu.memref_squeeze %dma_start3A_917 : memref<32x1x128xf32, #tpu.memory_space<vmem>> -> memref<32x128xf32, #tpu.memory_space<vmem>>
    %dma_start3A_919 = arith.constant 0 : i32
    %dma_start3A_920 = tpu.memref_slice %arg4[%dma_start3A_914, %add3A_912, %dma_start3A_919] : memref<8x5120x128xf32, #tpu.memory_space<hbm>> -> memref<1x32x128xf32, #tpu.memory_space<hbm>>
    %dma_start3A_921 = tpu.memref_squeeze %dma_start3A_920 : memref<1x32x128xf32, #tpu.memory_space<hbm>> -> memref<32x128xf32, #tpu.memory_space<hbm>>
    %dma_start3A_922 = arith.constant 0 : i32
    %dma_start3A_923 = tpu.memref_slice %arg4[%dma_start3A_914, %add3A_912, %dma_start3A_922] : memref<8x5120x128xf32, #tpu.memory_space<hbm>> -> memref<1x32x128xf32, #tpu.memory_space<hbm>>
    %dma_start3A_924 = tpu.memref_squeeze %dma_start3A_923 : memref<1x32x128xf32, #tpu.memory_space<hbm>> -> memref<32x128xf32, #tpu.memory_space<hbm>>
    %dma_start3A_925 = arith.constant 0 : i32
    %dma_start3A_926 = arith.constant 0 : i32
    %dma_start3A_927 = tpu.memref_slice %arg7[%dma_start3A_925, %dma_start3A_913, %dma_start3A_926] : memref<32x8x128xf32, #tpu.memory_space<vmem>> -> memref<32x1x128xf32, #tpu.memory_space<vmem>>
    %dma_start3A_928 = tpu.memref_squeeze %dma_start3A_927 : memref<32x1x128xf32, #tpu.memory_space<vmem>> -> memref<32x128xf32, #tpu.memory_space<vmem>>
    tpu.enqueue_dma source(%dma_start3A_928 : memref<32x128xf32, #tpu.memory_space<vmem>>) target(%dma_start3A_924 : memref<32x128xf32, #tpu.memory_space<hbm>>) target_semaphore(%arg10 : memref<!tpu.dma_semaphore, #tpu.memory_space<semaphore_mem>>)
    %add3A_929 = arith.constant 128 : i32
    %add3A_930 = arith.addi %mul3A_2, %add3A_929 : i32
    %dma_start3A_931 = arith.constant 2 : i32
    %dma_start3A_932 = arith.constant 2 : i32
    %dma_start3A_933 = arith.constant 0 : i32
    %dma_start3A_934 = arith.constant 0 : i32
    %dma_start3A_935 = tpu.memref_slice %arg7[%dma_start3A_933, %dma_start3A_931, %dma_start3A_934] : memref<32x8x128xf32, #tpu.memory_space<vmem>> -> memref<32x1x128xf32, #tpu.memory_space<vmem>>
    %dma_start3A_936 = tpu.memref_squeeze %dma_start3A_935 : memref<32x1x128xf32, #tpu.memory_space<vmem>> -> memref<32x128xf32, #tpu.memory_space<vmem>>
    %dma_start3A_937 = arith.constant 0 : i32
    %dma_start3A_938 = tpu.memref_slice %arg4[%dma_start3A_932, %add3A_930, %dma_start3A_937] : memref<8x5120x128xf32, #tpu.memory_space<hbm>> -> memref<1x32x128xf32, #tpu.memory_space<hbm>>
    %dma_start3A_939 = tpu.memref_squeeze %dma_start3A_938 : memref<1x32x128xf32, #tpu.memory_space<hbm>> -> memref<32x128xf32, #tpu.memory_space<hbm>>
    %dma_start3A_940 = arith.constant 0 : i32
    %dma_start3A_941 = tpu.memref_slice %arg4[%dma_start3A_932, %add3A_930, %dma_start3A_940] : memref<8x5120x128xf32, #tpu.memory_space<hbm>> -> memref<1x32x128xf32, #tpu.memory_space<hbm>>
    %dma_start3A_942 = tpu.memref_squeeze %dma_start3A_941 : memref<1x32x128xf32, #tpu.memory_space<hbm>> -> memref<32x128xf32, #tpu.memory_space<hbm>>
    %dma_start3A_943 = arith.constant 0 : i32
    %dma_start3A_944 = arith.constant 0 : i32
    %dma_start3A_945 = tpu.memref_slice %arg7[%dma_start3A_943, %dma_start3A_931, %dma_start3A_944] : memref<32x8x128xf32, #tpu.memory_space<vmem>> -> memref<32x1x128xf32, #tpu.memory_space<vmem>>
    %dma_start3A_946 = tpu.memref_squeeze %dma_start3A_945 : memref<32x1x128xf32, #tpu.memory_space<vmem>> -> memref<32x128xf32, #tpu.memory_space<vmem>>
    tpu.enqueue_dma source(%dma_start3A_946 : memref<32x128xf32, #tpu.memory_space<vmem>>) target(%dma_start3A_942 : memref<32x128xf32, #tpu.memory_space<hbm>>) target_semaphore(%arg10 : memref<!tpu.dma_semaphore, #tpu.memory_space<semaphore_mem>>)
    %add3A_947 = arith.constant 128 : i32
    %add3A_948 = arith.addi %mul3A_2, %add3A_947 : i32
    %dma_start3A_949 = arith.constant 3 : i32
    %dma_start3A_950 = arith.constant 3 : i32
    %dma_start3A_951 = arith.constant 0 : i32
    %dma_start3A_952 = arith.constant 0 : i32
    %dma_start3A_953 = tpu.memref_slice %arg7[%dma_start3A_951, %dma_start3A_949, %dma_start3A_952] : memref<32x8x128xf32, #tpu.memory_space<vmem>> -> memref<32x1x128xf32, #tpu.memory_space<vmem>>
    %dma_start3A_954 = tpu.memref_squeeze %dma_start3A_953 : memref<32x1x128xf32, #tpu.memory_space<vmem>> -> memref<32x128xf32, #tpu.memory_space<vmem>>
    %dma_start3A_955 = arith.constant 0 : i32
    %dma_start3A_956 = tpu.memref_slice %arg4[%dma_start3A_950, %add3A_948, %dma_start3A_955] : memref<8x5120x128xf32, #tpu.memory_space<hbm>> -> memref<1x32x128xf32, #tpu.memory_space<hbm>>
    %dma_start3A_957 = tpu.memref_squeeze %dma_start3A_956 : memref<1x32x128xf32, #tpu.memory_space<hbm>> -> memref<32x128xf32, #tpu.memory_space<hbm>>
    %dma_start3A_958 = arith.constant 0 : i32
    %dma_start3A_959 = tpu.memref_slice %arg4[%dma_start3A_950, %add3A_948, %dma_start3A_958] : memref<8x5120x128xf32, #tpu.memory_space<hbm>> -> memref<1x32x128xf32, #tpu.memory_space<hbm>>
    %dma_start3A_960 = tpu.memref_squeeze %dma_start3A_959 : memref<1x32x128xf32, #tpu.memory_space<hbm>> -> memref<32x128xf32, #tpu.memory_space<hbm>>
    %dma_start3A_961 = arith.constant 0 : i32
    %dma_start3A_962 = arith.constant 0 : i32
    %dma_start3A_963 = tpu.memref_slice %arg7[%dma_start3A_961, %dma_start3A_949, %dma_start3A_962] : memref<32x8x128xf32, #tpu.memory_space<vmem>> -> memref<32x1x128xf32, #tpu.memory_space<vmem>>
    %dma_start3A_964 = tpu.memref_squeeze %dma_start3A_963 : memref<32x1x128xf32, #tpu.memory_space<vmem>> -> memref<32x128xf32, #tpu.memory_space<vmem>>
    tpu.enqueue_dma source(%dma_start3A_964 : memref<32x128xf32, #tpu.memory_space<vmem>>) target(%dma_start3A_960 : memref<32x128xf32, #tpu.memory_space<hbm>>) target_semaphore(%arg10 : memref<!tpu.dma_semaphore, #tpu.memory_space<semaphore_mem>>)
    %add3A_965 = arith.constant 128 : i32
    %add3A_966 = arith.addi %mul3A_2, %add3A_965 : i32
    %dma_start3A_967 = arith.constant 4 : i32
    %dma_start3A_968 = arith.constant 4 : i32
    %dma_start3A_969 = arith.constant 0 : i32
    %dma_start3A_970 = arith.constant 0 : i32
    %dma_start3A_971 = tpu.memref_slice %arg7[%dma_start3A_969, %dma_start3A_967, %dma_start3A_970] : memref<32x8x128xf32, #tpu.memory_space<vmem>> -> memref<32x1x128xf32, #tpu.memory_space<vmem>>
    %dma_start3A_972 = tpu.memref_squeeze %dma_start3A_971 : memref<32x1x128xf32, #tpu.memory_space<vmem>> -> memref<32x128xf32, #tpu.memory_space<vmem>>
    %dma_start3A_973 = arith.constant 0 : i32
    %dma_start3A_974 = tpu.memref_slice %arg4[%dma_start3A_968, %add3A_966, %dma_start3A_973] : memref<8x5120x128xf32, #tpu.memory_space<hbm>> -> memref<1x32x128xf32, #tpu.memory_space<hbm>>
    %dma_start3A_975 = tpu.memref_squeeze %dma_start3A_974 : memref<1x32x128xf32, #tpu.memory_space<hbm>> -> memref<32x128xf32, #tpu.memory_space<hbm>>
    %dma_start3A_976 = arith.constant 0 : i32
    %dma_start3A_977 = tpu.memref_slice %arg4[%dma_start3A_968, %add3A_966, %dma_start3A_976] : memref<8x5120x128xf32, #tpu.memory_space<hbm>> -> memref<1x32x128xf32, #tpu.memory_space<hbm>>
    %dma_start3A_978 = tpu.memref_squeeze %dma_start3A_977 : memref<1x32x128xf32, #tpu.memory_space<hbm>> -> memref<32x128xf32, #tpu.memory_space<hbm>>
    %dma_start3A_979 = arith.constant 0 : i32
    %dma_start3A_980 = arith.constant 0 : i32
    %dma_start3A_981 = tpu.memref_slice %arg7[%dma_start3A_979, %dma_start3A_967, %dma_start3A_980] : memref<32x8x128xf32, #tpu.memory_space<vmem>> -> memref<32x1x128xf32, #tpu.memory_space<vmem>>
    %dma_start3A_982 = tpu.memref_squeeze %dma_start3A_981 : memref<32x1x128xf32, #tpu.memory_space<vmem>> -> memref<32x128xf32, #tpu.memory_space<vmem>>
    tpu.enqueue_dma source(%dma_start3A_982 : memref<32x128xf32, #tpu.memory_space<vmem>>) target(%dma_start3A_978 : memref<32x128xf32, #tpu.memory_space<hbm>>) target_semaphore(%arg10 : memref<!tpu.dma_semaphore, #tpu.memory_space<semaphore_mem>>)
    %add3A_983 = arith.constant 128 : i32
    %add3A_984 = arith.addi %mul3A_2, %add3A_983 : i32
    %dma_start3A_985 = arith.constant 5 : i32
    %dma_start3A_986 = arith.constant 5 : i32
    %dma_start3A_987 = arith.constant 0 : i32
    %dma_start3A_988 = arith.constant 0 : i32
    %dma_start3A_989 = tpu.memref_slice %arg7[%dma_start3A_987, %dma_start3A_985, %dma_start3A_988] : memref<32x8x128xf32, #tpu.memory_space<vmem>> -> memref<32x1x128xf32, #tpu.memory_space<vmem>>
    %dma_start3A_990 = tpu.memref_squeeze %dma_start3A_989 : memref<32x1x128xf32, #tpu.memory_space<vmem>> -> memref<32x128xf32, #tpu.memory_space<vmem>>
    %dma_start3A_991 = arith.constant 0 : i32
    %dma_start3A_992 = tpu.memref_slice %arg4[%dma_start3A_986, %add3A_984, %dma_start3A_991] : memref<8x5120x128xf32, #tpu.memory_space<hbm>> -> memref<1x32x128xf32, #tpu.memory_space<hbm>>
    %dma_start3A_993 = tpu.memref_squeeze %dma_start3A_992 : memref<1x32x128xf32, #tpu.memory_space<hbm>> -> memref<32x128xf32, #tpu.memory_space<hbm>>
    %dma_start3A_994 = arith.constant 0 : i32
    %dma_start3A_995 = tpu.memref_slice %arg4[%dma_start3A_986, %add3A_984, %dma_start3A_994] : memref<8x5120x128xf32, #tpu.memory_space<hbm>> -> memref<1x32x128xf32, #tpu.memory_space<hbm>>
    %dma_start3A_996 = tpu.memref_squeeze %dma_start3A_995 : memref<1x32x128xf32, #tpu.memory_space<hbm>> -> memref<32x128xf32, #tpu.memory_space<hbm>>
    %dma_start3A_997 = arith.constant 0 : i32
    %dma_start3A_998 = arith.constant 0 : i32
    %dma_start3A_999 = tpu.memref_slice %arg7[%dma_start3A_997, %dma_start3A_985, %dma_start3A_998] : memref<32x8x128xf32, #tpu.memory_space<vmem>> -> memref<32x1x128xf32, #tpu.memory_space<vmem>>
    %dma_start3A_1000 = tpu.memref_squeeze %dma_start3A_999 : memref<32x1x128xf32, #tpu.memory_space<vmem>> -> memref<32x128xf32, #tpu.memory_space<vmem>>
    tpu.enqueue_dma source(%dma_start3A_1000 : memref<32x128xf32, #tpu.memory_space<vmem>>) target(%dma_start3A_996 : memref<32x128xf32, #tpu.memory_space<hbm>>) target_semaphore(%arg10 : memref<!tpu.dma_semaphore, #tpu.memory_space<semaphore_mem>>)
    %add3A_1001 = arith.constant 128 : i32
    %add3A_1002 = arith.addi %mul3A_2, %add3A_1001 : i32
    %dma_start3A_1003 = arith.constant 6 : i32
    %dma_start3A_1004 = arith.constant 6 : i32
    %dma_start3A_1005 = arith.constant 0 : i32
    %dma_start3A_1006 = arith.constant 0 : i32
    %dma_start3A_1007 = tpu.memref_slice %arg7[%dma_start3A_1005, %dma_start3A_1003, %dma_start3A_1006] : memref<32x8x128xf32, #tpu.memory_space<vmem>> -> memref<32x1x128xf32, #tpu.memory_space<vmem>>
    %dma_start3A_1008 = tpu.memref_squeeze %dma_start3A_1007 : memref<32x1x128xf32, #tpu.memory_space<vmem>> -> memref<32x128xf32, #tpu.memory_space<vmem>>
    %dma_start3A_1009 = arith.constant 0 : i32
    %dma_start3A_1010 = tpu.memref_slice %arg4[%dma_start3A_1004, %add3A_1002, %dma_start3A_1009] : memref<8x5120x128xf32, #tpu.memory_space<hbm>> -> memref<1x32x128xf32, #tpu.memory_space<hbm>>
    %dma_start3A_1011 = tpu.memref_squeeze %dma_start3A_1010 : memref<1x32x128xf32, #tpu.memory_space<hbm>> -> memref<32x128xf32, #tpu.memory_space<hbm>>
    %dma_start3A_1012 = arith.constant 0 : i32
    %dma_start3A_1013 = tpu.memref_slice %arg4[%dma_start3A_1004, %add3A_1002, %dma_start3A_1012] : memref<8x5120x128xf32, #tpu.memory_space<hbm>> -> memref<1x32x128xf32, #tpu.memory_space<hbm>>
    %dma_start3A_1014 = tpu.memref_squeeze %dma_start3A_1013 : memref<1x32x128xf32, #tpu.memory_space<hbm>> -> memref<32x128xf32, #tpu.memory_space<hbm>>
    %dma_start3A_1015 = arith.constant 0 : i32
    %dma_start3A_1016 = arith.constant 0 : i32
    %dma_start3A_1017 = tpu.memref_slice %arg7[%dma_start3A_1015, %dma_start3A_1003, %dma_start3A_1016] : memref<32x8x128xf32, #tpu.memory_space<vmem>> -> memref<32x1x128xf32, #tpu.memory_space<vmem>>
    %dma_start3A_1018 = tpu.memref_squeeze %dma_start3A_1017 : memref<32x1x128xf32, #tpu.memory_space<vmem>> -> memref<32x128xf32, #tpu.memory_space<vmem>>
    tpu.enqueue_dma source(%dma_start3A_1018 : memref<32x128xf32, #tpu.memory_space<vmem>>) target(%dma_start3A_1014 : memref<32x128xf32, #tpu.memory_space<hbm>>) target_semaphore(%arg10 : memref<!tpu.dma_semaphore, #tpu.memory_space<semaphore_mem>>)
    %add3A_1019 = arith.constant 128 : i32
    %add3A_1020 = arith.addi %mul3A_2, %add3A_1019 : i32
    %dma_start3A_1021 = arith.constant 7 : i32
    %dma_start3A_1022 = arith.constant 7 : i32
    %dma_start3A_1023 = arith.constant 0 : i32
    %dma_start3A_1024 = arith.constant 0 : i32
    %dma_start3A_1025 = tpu.memref_slice %arg7[%dma_start3A_1023, %dma_start3A_1021, %dma_start3A_1024] : memref<32x8x128xf32, #tpu.memory_space<vmem>> -> memref<32x1x128xf32, #tpu.memory_space<vmem>>
    %dma_start3A_1026 = tpu.memref_squeeze %dma_start3A_1025 : memref<32x1x128xf32, #tpu.memory_space<vmem>> -> memref<32x128xf32, #tpu.memory_space<vmem>>
    %dma_start3A_1027 = arith.constant 0 : i32
    %dma_start3A_1028 = tpu.memref_slice %arg4[%dma_start3A_1022, %add3A_1020, %dma_start3A_1027] : memref<8x5120x128xf32, #tpu.memory_space<hbm>> -> memref<1x32x128xf32, #tpu.memory_space<hbm>>
    %dma_start3A_1029 = tpu.memref_squeeze %dma_start3A_1028 : memref<1x32x128xf32, #tpu.memory_space<hbm>> -> memref<32x128xf32, #tpu.memory_space<hbm>>
    %dma_start3A_1030 = arith.constant 0 : i32
    %dma_start3A_1031 = tpu.memref_slice %arg4[%dma_start3A_1022, %add3A_1020, %dma_start3A_1030] : memref<8x5120x128xf32, #tpu.memory_space<hbm>> -> memref<1x32x128xf32, #tpu.memory_space<hbm>>
    %dma_start3A_1032 = tpu.memref_squeeze %dma_start3A_1031 : memref<1x32x128xf32, #tpu.memory_space<hbm>> -> memref<32x128xf32, #tpu.memory_space<hbm>>
    %dma_start3A_1033 = arith.constant 0 : i32
    %dma_start3A_1034 = arith.constant 0 : i32
    %dma_start3A_1035 = tpu.memref_slice %arg7[%dma_start3A_1033, %dma_start3A_1021, %dma_start3A_1034] : memref<32x8x128xf32, #tpu.memory_space<vmem>> -> memref<32x1x128xf32, #tpu.memory_space<vmem>>
    %dma_start3A_1036 = tpu.memref_squeeze %dma_start3A_1035 : memref<32x1x128xf32, #tpu.memory_space<vmem>> -> memref<32x128xf32, #tpu.memory_space<vmem>>
    tpu.enqueue_dma source(%dma_start3A_1036 : memref<32x128xf32, #tpu.memory_space<vmem>>) target(%dma_start3A_1032 : memref<32x128xf32, #tpu.memory_space<hbm>>) target_semaphore(%arg10 : memref<!tpu.dma_semaphore, #tpu.memory_space<semaphore_mem>>)
    %dma_wait3A_1037 = arith.constant 0 : i32
    %dma_wait3A_1038 = arith.constant 0 : i32
    %dma_wait3A_1039 = arith.constant 0 : i32
    %dma_wait3A_1040 = arith.constant 0 : i32
    %dma_wait3A_1041 = tpu.memref_slice %arg8[%dma_wait3A_1039, %dma_wait3A_1037, %dma_wait3A_1040] : memref<32x8x128xf32, #tpu.memory_space<vmem>> -> memref<32x1x128xf32, #tpu.memory_space<vmem>>
    %dma_wait3A_1042 = tpu.memref_squeeze %dma_wait3A_1041 : memref<32x1x128xf32, #tpu.memory_space<vmem>> -> memref<32x128xf32, #tpu.memory_space<vmem>>
    %dma_wait3A_1043 = arith.constant 0 : i32
    %dma_wait3A_1044 = tpu.memref_slice %arg4[%dma_wait3A_1038, %add3A_594, %dma_wait3A_1043] : memref<8x5120x128xf32, #tpu.memory_space<hbm>> -> memref<1x32x128xf32, #tpu.memory_space<hbm>>
    %dma_wait3A_1045 = tpu.memref_squeeze %dma_wait3A_1044 : memref<1x32x128xf32, #tpu.memory_space<hbm>> -> memref<32x128xf32, #tpu.memory_space<hbm>>
    %dma_wait3A_1046 = arith.constant 0 : i32
    %dma_wait3A_1047 = tpu.memref_slice %arg4[%dma_wait3A_1038, %add3A_594, %dma_wait3A_1046] : memref<8x5120x128xf32, #tpu.memory_space<hbm>> -> memref<1x32x128xf32, #tpu.memory_space<hbm>>
    %dma_wait3A_1048 = tpu.memref_squeeze %dma_wait3A_1047 : memref<1x32x128xf32, #tpu.memory_space<hbm>> -> memref<32x128xf32, #tpu.memory_space<hbm>>
    %dma_wait3A_1049 = arith.constant 0 : i32
    %dma_wait3A_1050 = arith.constant 0 : i32
    %dma_wait3A_1051 = tpu.memref_slice %arg8[%dma_wait3A_1049, %dma_wait3A_1037, %dma_wait3A_1050] : memref<32x8x128xf32, #tpu.memory_space<vmem>> -> memref<32x1x128xf32, #tpu.memory_space<vmem>>
    %dma_wait3A_1052 = tpu.memref_squeeze %dma_wait3A_1051 : memref<32x1x128xf32, #tpu.memory_space<vmem>> -> memref<32x128xf32, #tpu.memory_space<vmem>>
    tpu.wait_dma2 semaphore(%arg11 : memref<!tpu.dma_semaphore, #tpu.memory_space<semaphore_mem>>) src(%dma_wait3A_1052 : memref<32x128xf32, #tpu.memory_space<vmem>>) dst(%dma_wait3A_1048 : memref<32x128xf32, #tpu.memory_space<hbm>>)
    %dma_wait3A_1053 = arith.constant 1 : i32
    %dma_wait3A_1054 = arith.constant 1 : i32
    %dma_wait3A_1055 = arith.constant 0 : i32
    %dma_wait3A_1056 = arith.constant 0 : i32
    %dma_wait3A_1057 = tpu.memref_slice %arg8[%dma_wait3A_1055, %dma_wait3A_1053, %dma_wait3A_1056] : memref<32x8x128xf32, #tpu.memory_space<vmem>> -> memref<32x1x128xf32, #tpu.memory_space<vmem>>
    %dma_wait3A_1058 = tpu.memref_squeeze %dma_wait3A_1057 : memref<32x1x128xf32, #tpu.memory_space<vmem>> -> memref<32x128xf32, #tpu.memory_space<vmem>>
    %dma_wait3A_1059 = arith.constant 0 : i32
    %dma_wait3A_1060 = tpu.memref_slice %arg4[%dma_wait3A_1054, %add3A_612, %dma_wait3A_1059] : memref<8x5120x128xf32, #tpu.memory_space<hbm>> -> memref<1x32x128xf32, #tpu.memory_space<hbm>>
    %dma_wait3A_1061 = tpu.memref_squeeze %dma_wait3A_1060 : memref<1x32x128xf32, #tpu.memory_space<hbm>> -> memref<32x128xf32, #tpu.memory_space<hbm>>
    %dma_wait3A_1062 = arith.constant 0 : i32
    %dma_wait3A_1063 = tpu.memref_slice %arg4[%dma_wait3A_1054, %add3A_612, %dma_wait3A_1062] : memref<8x5120x128xf32, #tpu.memory_space<hbm>> -> memref<1x32x128xf32, #tpu.memory_space<hbm>>
    %dma_wait3A_1064 = tpu.memref_squeeze %dma_wait3A_1063 : memref<1x32x128xf32, #tpu.memory_space<hbm>> -> memref<32x128xf32, #tpu.memory_space<hbm>>
    %dma_wait3A_1065 = arith.constant 0 : i32
    %dma_wait3A_1066 = arith.constant 0 : i32
    %dma_wait3A_1067 = tpu.memref_slice %arg8[%dma_wait3A_1065, %dma_wait3A_1053, %dma_wait3A_1066] : memref<32x8x128xf32, #tpu.memory_space<vmem>> -> memref<32x1x128xf32, #tpu.memory_space<vmem>>
    %dma_wait3A_1068 = tpu.memref_squeeze %dma_wait3A_1067 : memref<32x1x128xf32, #tpu.memory_space<vmem>> -> memref<32x128xf32, #tpu.memory_space<vmem>>
    tpu.wait_dma2 semaphore(%arg11 : memref<!tpu.dma_semaphore, #tpu.memory_space<semaphore_mem>>) src(%dma_wait3A_1068 : memref<32x128xf32, #tpu.memory_space<vmem>>) dst(%dma_wait3A_1064 : memref<32x128xf32, #tpu.memory_space<hbm>>)
    %dma_wait3A_1069 = arith.constant 2 : i32
    %dma_wait3A_1070 = arith.constant 2 : i32
    %dma_wait3A_1071 = arith.constant 0 : i32
    %dma_wait3A_1072 = arith.constant 0 : i32
    %dma_wait3A_1073 = tpu.memref_slice %arg8[%dma_wait3A_1071, %dma_wait3A_1069, %dma_wait3A_1072] : memref<32x8x128xf32, #tpu.memory_space<vmem>> -> memref<32x1x128xf32, #tpu.memory_space<vmem>>
    %dma_wait3A_1074 = tpu.memref_squeeze %dma_wait3A_1073 : memref<32x1x128xf32, #tpu.memory_space<vmem>> -> memref<32x128xf32, #tpu.memory_space<vmem>>
    %dma_wait3A_1075 = arith.constant 0 : i32
    %dma_wait3A_1076 = tpu.memref_slice %arg4[%dma_wait3A_1070, %add3A_630, %dma_wait3A_1075] : memref<8x5120x128xf32, #tpu.memory_space<hbm>> -> memref<1x32x128xf32, #tpu.memory_space<hbm>>
    %dma_wait3A_1077 = tpu.memref_squeeze %dma_wait3A_1076 : memref<1x32x128xf32, #tpu.memory_space<hbm>> -> memref<32x128xf32, #tpu.memory_space<hbm>>
    %dma_wait3A_1078 = arith.constant 0 : i32
    %dma_wait3A_1079 = tpu.memref_slice %arg4[%dma_wait3A_1070, %add3A_630, %dma_wait3A_1078] : memref<8x5120x128xf32, #tpu.memory_space<hbm>> -> memref<1x32x128xf32, #tpu.memory_space<hbm>>
    %dma_wait3A_1080 = tpu.memref_squeeze %dma_wait3A_1079 : memref<1x32x128xf32, #tpu.memory_space<hbm>> -> memref<32x128xf32, #tpu.memory_space<hbm>>
    %dma_wait3A_1081 = arith.constant 0 : i32
    %dma_wait3A_1082 = arith.constant 0 : i32
    %dma_wait3A_1083 = tpu.memref_slice %arg8[%dma_wait3A_1081, %dma_wait3A_1069, %dma_wait3A_1082] : memref<32x8x128xf32, #tpu.memory_space<vmem>> -> memref<32x1x128xf32, #tpu.memory_space<vmem>>
    %dma_wait3A_1084 = tpu.memref_squeeze %dma_wait3A_1083 : memref<32x1x128xf32, #tpu.memory_space<vmem>> -> memref<32x128xf32, #tpu.memory_space<vmem>>
    tpu.wait_dma2 semaphore(%arg11 : memref<!tpu.dma_semaphore, #tpu.memory_space<semaphore_mem>>) src(%dma_wait3A_1084 : memref<32x128xf32, #tpu.memory_space<vmem>>) dst(%dma_wait3A_1080 : memref<32x128xf32, #tpu.memory_space<hbm>>)
    %dma_wait3A_1085 = arith.constant 3 : i32
    %dma_wait3A_1086 = arith.constant 3 : i32
    %dma_wait3A_1087 = arith.constant 0 : i32
    %dma_wait3A_1088 = arith.constant 0 : i32
    %dma_wait3A_1089 = tpu.memref_slice %arg8[%dma_wait3A_1087, %dma_wait3A_1085, %dma_wait3A_1088] : memref<32x8x128xf32, #tpu.memory_space<vmem>> -> memref<32x1x128xf32, #tpu.memory_space<vmem>>
    %dma_wait3A_1090 = tpu.memref_squeeze %dma_wait3A_1089 : memref<32x1x128xf32, #tpu.memory_space<vmem>> -> memref<32x128xf32, #tpu.memory_space<vmem>>
    %dma_wait3A_1091 = arith.constant 0 : i32
    %dma_wait3A_1092 = tpu.memref_slice %arg4[%dma_wait3A_1086, %add3A_648, %dma_wait3A_1091] : memref<8x5120x128xf32, #tpu.memory_space<hbm>> -> memref<1x32x128xf32, #tpu.memory_space<hbm>>
    %dma_wait3A_1093 = tpu.memref_squeeze %dma_wait3A_1092 : memref<1x32x128xf32, #tpu.memory_space<hbm>> -> memref<32x128xf32, #tpu.memory_space<hbm>>
    %dma_wait3A_1094 = arith.constant 0 : i32
    %dma_wait3A_1095 = tpu.memref_slice %arg4[%dma_wait3A_1086, %add3A_648, %dma_wait3A_1094] : memref<8x5120x128xf32, #tpu.memory_space<hbm>> -> memref<1x32x128xf32, #tpu.memory_space<hbm>>
    %dma_wait3A_1096 = tpu.memref_squeeze %dma_wait3A_1095 : memref<1x32x128xf32, #tpu.memory_space<hbm>> -> memref<32x128xf32, #tpu.memory_space<hbm>>
    %dma_wait3A_1097 = arith.constant 0 : i32
    %dma_wait3A_1098 = arith.constant 0 : i32
    %dma_wait3A_1099 = tpu.memref_slice %arg8[%dma_wait3A_1097, %dma_wait3A_1085, %dma_wait3A_1098] : memref<32x8x128xf32, #tpu.memory_space<vmem>> -> memref<32x1x128xf32, #tpu.memory_space<vmem>>
    %dma_wait3A_1100 = tpu.memref_squeeze %dma_wait3A_1099 : memref<32x1x128xf32, #tpu.memory_space<vmem>> -> memref<32x128xf32, #tpu.memory_space<vmem>>
    tpu.wait_dma2 semaphore(%arg11 : memref<!tpu.dma_semaphore, #tpu.memory_space<semaphore_mem>>) src(%dma_wait3A_1100 : memref<32x128xf32, #tpu.memory_space<vmem>>) dst(%dma_wait3A_1096 : memref<32x128xf32, #tpu.memory_space<hbm>>)
    %dma_wait3A_1101 = arith.constant 4 : i32
    %dma_wait3A_1102 = arith.constant 4 : i32
    %dma_wait3A_1103 = arith.constant 0 : i32
    %dma_wait3A_1104 = arith.constant 0 : i32
    %dma_wait3A_1105 = tpu.memref_slice %arg8[%dma_wait3A_1103, %dma_wait3A_1101, %dma_wait3A_1104] : memref<32x8x128xf32, #tpu.memory_space<vmem>> -> memref<32x1x128xf32, #tpu.memory_space<vmem>>
    %dma_wait3A_1106 = tpu.memref_squeeze %dma_wait3A_1105 : memref<32x1x128xf32, #tpu.memory_space<vmem>> -> memref<32x128xf32, #tpu.memory_space<vmem>>
    %dma_wait3A_1107 = arith.constant 0 : i32
    %dma_wait3A_1108 = tpu.memref_slice %arg4[%dma_wait3A_1102, %add3A_666, %dma_wait3A_1107] : memref<8x5120x128xf32, #tpu.memory_space<hbm>> -> memref<1x32x128xf32, #tpu.memory_space<hbm>>
    %dma_wait3A_1109 = tpu.memref_squeeze %dma_wait3A_1108 : memref<1x32x128xf32, #tpu.memory_space<hbm>> -> memref<32x128xf32, #tpu.memory_space<hbm>>
    %dma_wait3A_1110 = arith.constant 0 : i32
    %dma_wait3A_1111 = tpu.memref_slice %arg4[%dma_wait3A_1102, %add3A_666, %dma_wait3A_1110] : memref<8x5120x128xf32, #tpu.memory_space<hbm>> -> memref<1x32x128xf32, #tpu.memory_space<hbm>>
    %dma_wait3A_1112 = tpu.memref_squeeze %dma_wait3A_1111 : memref<1x32x128xf32, #tpu.memory_space<hbm>> -> memref<32x128xf32, #tpu.memory_space<hbm>>
    %dma_wait3A_1113 = arith.constant 0 : i32
    %dma_wait3A_1114 = arith.constant 0 : i32
    %dma_wait3A_1115 = tpu.memref_slice %arg8[%dma_wait3A_1113, %dma_wait3A_1101, %dma_wait3A_1114] : memref<32x8x128xf32, #tpu.memory_space<vmem>> -> memref<32x1x128xf32, #tpu.memory_space<vmem>>
    %dma_wait3A_1116 = tpu.memref_squeeze %dma_wait3A_1115 : memref<32x1x128xf32, #tpu.memory_space<vmem>> -> memref<32x128xf32, #tpu.memory_space<vmem>>
    tpu.wait_dma2 semaphore(%arg11 : memref<!tpu.dma_semaphore, #tpu.memory_space<semaphore_mem>>) src(%dma_wait3A_1116 : memref<32x128xf32, #tpu.memory_space<vmem>>) dst(%dma_wait3A_1112 : memref<32x128xf32, #tpu.memory_space<hbm>>)
    %dma_wait3A_1117 = arith.constant 5 : i32
    %dma_wait3A_1118 = arith.constant 5 : i32
    %dma_wait3A_1119 = arith.constant 0 : i32
    %dma_wait3A_1120 = arith.constant 0 : i32
    %dma_wait3A_1121 = tpu.memref_slice %arg8[%dma_wait3A_1119, %dma_wait3A_1117, %dma_wait3A_1120] : memref<32x8x128xf32, #tpu.memory_space<vmem>> -> memref<32x1x128xf32, #tpu.memory_space<vmem>>
    %dma_wait3A_1122 = tpu.memref_squeeze %dma_wait3A_1121 : memref<32x1x128xf32, #tpu.memory_space<vmem>> -> memref<32x128xf32, #tpu.memory_space<vmem>>
    %dma_wait3A_1123 = arith.constant 0 : i32
    %dma_wait3A_1124 = tpu.memref_slice %arg4[%dma_wait3A_1118, %add3A_684, %dma_wait3A_1123] : memref<8x5120x128xf32, #tpu.memory_space<hbm>> -> memref<1x32x128xf32, #tpu.memory_space<hbm>>
    %dma_wait3A_1125 = tpu.memref_squeeze %dma_wait3A_1124 : memref<1x32x128xf32, #tpu.memory_space<hbm>> -> memref<32x128xf32, #tpu.memory_space<hbm>>
    %dma_wait3A_1126 = arith.constant 0 : i32
    %dma_wait3A_1127 = tpu.memref_slice %arg4[%dma_wait3A_1118, %add3A_684, %dma_wait3A_1126] : memref<8x5120x128xf32, #tpu.memory_space<hbm>> -> memref<1x32x128xf32, #tpu.memory_space<hbm>>
    %dma_wait3A_1128 = tpu.memref_squeeze %dma_wait3A_1127 : memref<1x32x128xf32, #tpu.memory_space<hbm>> -> memref<32x128xf32, #tpu.memory_space<hbm>>
    %dma_wait3A_1129 = arith.constant 0 : i32
    %dma_wait3A_1130 = arith.constant 0 : i32
    %dma_wait3A_1131 = tpu.memref_slice %arg8[%dma_wait3A_1129, %dma_wait3A_1117, %dma_wait3A_1130] : memref<32x8x128xf32, #tpu.memory_space<vmem>> -> memref<32x1x128xf32, #tpu.memory_space<vmem>>
    %dma_wait3A_1132 = tpu.memref_squeeze %dma_wait3A_1131 : memref<32x1x128xf32, #tpu.memory_space<vmem>> -> memref<32x128xf32, #tpu.memory_space<vmem>>
    tpu.wait_dma2 semaphore(%arg11 : memref<!tpu.dma_semaphore, #tpu.memory_space<semaphore_mem>>) src(%dma_wait3A_1132 : memref<32x128xf32, #tpu.memory_space<vmem>>) dst(%dma_wait3A_1128 : memref<32x128xf32, #tpu.memory_space<hbm>>)
    %dma_wait3A_1133 = arith.constant 6 : i32
    %dma_wait3A_1134 = arith.constant 6 : i32
    %dma_wait3A_1135 = arith.constant 0 : i32
    %dma_wait3A_1136 = arith.constant 0 : i32
    %dma_wait3A_1137 = tpu.memref_slice %arg8[%dma_wait3A_1135, %dma_wait3A_1133, %dma_wait3A_1136] : memref<32x8x128xf32, #tpu.memory_space<vmem>> -> memref<32x1x128xf32, #tpu.memory_space<vmem>>
    %dma_wait3A_1138 = tpu.memref_squeeze %dma_wait3A_1137 : memref<32x1x128xf32, #tpu.memory_space<vmem>> -> memref<32x128xf32, #tpu.memory_space<vmem>>
    %dma_wait3A_1139 = arith.constant 0 : i32
    %dma_wait3A_1140 = tpu.memref_slice %arg4[%dma_wait3A_1134, %add3A_702, %dma_wait3A_1139] : memref<8x5120x128xf32, #tpu.memory_space<hbm>> -> memref<1x32x128xf32, #tpu.memory_space<hbm>>
    %dma_wait3A_1141 = tpu.memref_squeeze %dma_wait3A_1140 : memref<1x32x128xf32, #tpu.memory_space<hbm>> -> memref<32x128xf32, #tpu.memory_space<hbm>>
    %dma_wait3A_1142 = arith.constant 0 : i32
    %dma_wait3A_1143 = tpu.memref_slice %arg4[%dma_wait3A_1134, %add3A_702, %dma_wait3A_1142] : memref<8x5120x128xf32, #tpu.memory_space<hbm>> -> memref<1x32x128xf32, #tpu.memory_space<hbm>>
    %dma_wait3A_1144 = tpu.memref_squeeze %dma_wait3A_1143 : memref<1x32x128xf32, #tpu.memory_space<hbm>> -> memref<32x128xf32, #tpu.memory_space<hbm>>
    %dma_wait3A_1145 = arith.constant 0 : i32
    %dma_wait3A_1146 = arith.constant 0 : i32
    %dma_wait3A_1147 = tpu.memref_slice %arg8[%dma_wait3A_1145, %dma_wait3A_1133, %dma_wait3A_1146] : memref<32x8x128xf32, #tpu.memory_space<vmem>> -> memref<32x1x128xf32, #tpu.memory_space<vmem>>
    %dma_wait3A_1148 = tpu.memref_squeeze %dma_wait3A_1147 : memref<32x1x128xf32, #tpu.memory_space<vmem>> -> memref<32x128xf32, #tpu.memory_space<vmem>>
    tpu.wait_dma2 semaphore(%arg11 : memref<!tpu.dma_semaphore, #tpu.memory_space<semaphore_mem>>) src(%dma_wait3A_1148 : memref<32x128xf32, #tpu.memory_space<vmem>>) dst(%dma_wait3A_1144 : memref<32x128xf32, #tpu.memory_space<hbm>>)
    %dma_wait3A_1149 = arith.constant 7 : i32
    %dma_wait3A_1150 = arith.constant 7 : i32
    %dma_wait3A_1151 = arith.constant 0 : i32
    %dma_wait3A_1152 = arith.constant 0 : i32
    %dma_wait3A_1153 = tpu.memref_slice %arg8[%dma_wait3A_1151, %dma_wait3A_1149, %dma_wait3A_1152] : memref<32x8x128xf32, #tpu.memory_space<vmem>> -> memref<32x1x128xf32, #tpu.memory_space<vmem>>
    %dma_wait3A_1154 = tpu.memref_squeeze %dma_wait3A_1153 : memref<32x1x128xf32, #tpu.memory_space<vmem>> -> memref<32x128xf32, #tpu.memory_space<vmem>>
    %dma_wait3A_1155 = arith.constant 0 : i32
    %dma_wait3A_1156 = tpu.memref_slice %arg4[%dma_wait3A_1150, %add3A_720, %dma_wait3A_1155] : memref<8x5120x128xf32, #tpu.memory_space<hbm>> -> memref<1x32x128xf32, #tpu.memory_space<hbm>>
    %dma_wait3A_1157 = tpu.memref_squeeze %dma_wait3A_1156 : memref<1x32x128xf32, #tpu.memory_space<hbm>> -> memref<32x128xf32, #tpu.memory_space<hbm>>
    %dma_wait3A_1158 = arith.constant 0 : i32
    %dma_wait3A_1159 = tpu.memref_slice %arg4[%dma_wait3A_1150, %add3A_720, %dma_wait3A_1158] : memref<8x5120x128xf32, #tpu.memory_space<hbm>> -> memref<1x32x128xf32, #tpu.memory_space<hbm>>
    %dma_wait3A_1160 = tpu.memref_squeeze %dma_wait3A_1159 : memref<1x32x128xf32, #tpu.memory_space<hbm>> -> memref<32x128xf32, #tpu.memory_space<hbm>>
    %dma_wait3A_1161 = arith.constant 0 : i32
    %dma_wait3A_1162 = arith.constant 0 : i32
    %dma_wait3A_1163 = tpu.memref_slice %arg8[%dma_wait3A_1161, %dma_wait3A_1149, %dma_wait3A_1162] : memref<32x8x128xf32, #tpu.memory_space<vmem>> -> memref<32x1x128xf32, #tpu.memory_space<vmem>>
    %dma_wait3A_1164 = tpu.memref_squeeze %dma_wait3A_1163 : memref<32x1x128xf32, #tpu.memory_space<vmem>> -> memref<32x128xf32, #tpu.memory_space<vmem>>
    tpu.wait_dma2 semaphore(%arg11 : memref<!tpu.dma_semaphore, #tpu.memory_space<semaphore_mem>>) src(%dma_wait3A_1164 : memref<32x128xf32, #tpu.memory_space<vmem>>) dst(%dma_wait3A_1160 : memref<32x128xf32, #tpu.memory_space<hbm>>)
    %dma_wait3A_1165 = arith.constant 0 : i32
    %dma_wait3A_1166 = arith.constant 0 : i32
    %dma_wait3A_1167 = arith.constant 0 : i32
    %dma_wait3A_1168 = arith.constant 0 : i32
    %dma_wait3A_1169 = tpu.memref_slice %arg6[%dma_wait3A_1167, %dma_wait3A_1165, %dma_wait3A_1168] : memref<32x8x128xf32, #tpu.memory_space<vmem>> -> memref<32x1x128xf32, #tpu.memory_space<vmem>>
    %dma_wait3A_1170 = tpu.memref_squeeze %dma_wait3A_1169 : memref<32x1x128xf32, #tpu.memory_space<vmem>> -> memref<32x128xf32, #tpu.memory_space<vmem>>
    %dma_wait3A_1171 = arith.constant 0 : i32
    %dma_wait3A_1172 = tpu.memref_slice %arg4[%dma_wait3A_1166, %add3A_744, %dma_wait3A_1171] : memref<8x5120x128xf32, #tpu.memory_space<hbm>> -> memref<1x32x128xf32, #tpu.memory_space<hbm>>
    %dma_wait3A_1173 = tpu.memref_squeeze %dma_wait3A_1172 : memref<1x32x128xf32, #tpu.memory_space<hbm>> -> memref<32x128xf32, #tpu.memory_space<hbm>>
    %dma_wait3A_1174 = arith.constant 0 : i32
    %dma_wait3A_1175 = tpu.memref_slice %arg4[%dma_wait3A_1166, %add3A_744, %dma_wait3A_1174] : memref<8x5120x128xf32, #tpu.memory_space<hbm>> -> memref<1x32x128xf32, #tpu.memory_space<hbm>>
    %dma_wait3A_1176 = tpu.memref_squeeze %dma_wait3A_1175 : memref<1x32x128xf32, #tpu.memory_space<hbm>> -> memref<32x128xf32, #tpu.memory_space<hbm>>
    %dma_wait3A_1177 = arith.constant 0 : i32
    %dma_wait3A_1178 = arith.constant 0 : i32
    %dma_wait3A_1179 = tpu.memref_slice %arg6[%dma_wait3A_1177, %dma_wait3A_1165, %dma_wait3A_1178] : memref<32x8x128xf32, #tpu.memory_space<vmem>> -> memref<32x1x128xf32, #tpu.memory_space<vmem>>
    %dma_wait3A_1180 = tpu.memref_squeeze %dma_wait3A_1179 : memref<32x1x128xf32, #tpu.memory_space<vmem>> -> memref<32x128xf32, #tpu.memory_space<vmem>>
    tpu.wait_dma2 semaphore(%arg9 : memref<!tpu.dma_semaphore, #tpu.memory_space<semaphore_mem>>) src(%dma_wait3A_1180 : memref<32x128xf32, #tpu.memory_space<vmem>>) dst(%dma_wait3A_1176 : memref<32x128xf32, #tpu.memory_space<hbm>>)
    %dma_wait3A_1181 = arith.constant 1 : i32
    %dma_wait3A_1182 = arith.constant 1 : i32
    %dma_wait3A_1183 = arith.constant 0 : i32
    %dma_wait3A_1184 = arith.constant 0 : i32
    %dma_wait3A_1185 = tpu.memref_slice %arg6[%dma_wait3A_1183, %dma_wait3A_1181, %dma_wait3A_1184] : memref<32x8x128xf32, #tpu.memory_space<vmem>> -> memref<32x1x128xf32, #tpu.memory_space<vmem>>
    %dma_wait3A_1186 = tpu.memref_squeeze %dma_wait3A_1185 : memref<32x1x128xf32, #tpu.memory_space<vmem>> -> memref<32x128xf32, #tpu.memory_space<vmem>>
    %dma_wait3A_1187 = arith.constant 0 : i32
    %dma_wait3A_1188 = tpu.memref_slice %arg4[%dma_wait3A_1182, %add3A_762, %dma_wait3A_1187] : memref<8x5120x128xf32, #tpu.memory_space<hbm>> -> memref<1x32x128xf32, #tpu.memory_space<hbm>>
    %dma_wait3A_1189 = tpu.memref_squeeze %dma_wait3A_1188 : memref<1x32x128xf32, #tpu.memory_space<hbm>> -> memref<32x128xf32, #tpu.memory_space<hbm>>
    %dma_wait3A_1190 = arith.constant 0 : i32
    %dma_wait3A_1191 = tpu.memref_slice %arg4[%dma_wait3A_1182, %add3A_762, %dma_wait3A_1190] : memref<8x5120x128xf32, #tpu.memory_space<hbm>> -> memref<1x32x128xf32, #tpu.memory_space<hbm>>
    %dma_wait3A_1192 = tpu.memref_squeeze %dma_wait3A_1191 : memref<1x32x128xf32, #tpu.memory_space<hbm>> -> memref<32x128xf32, #tpu.memory_space<hbm>>
    %dma_wait3A_1193 = arith.constant 0 : i32
    %dma_wait3A_1194 = arith.constant 0 : i32
    %dma_wait3A_1195 = tpu.memref_slice %arg6[%dma_wait3A_1193, %dma_wait3A_1181, %dma_wait3A_1194] : memref<32x8x128xf32, #tpu.memory_space<vmem>> -> memref<32x1x128xf32, #tpu.memory_space<vmem>>
    %dma_wait3A_1196 = tpu.memref_squeeze %dma_wait3A_1195 : memref<32x1x128xf32, #tpu.memory_space<vmem>> -> memref<32x128xf32, #tpu.memory_space<vmem>>
    tpu.wait_dma2 semaphore(%arg9 : memref<!tpu.dma_semaphore, #tpu.memory_space<semaphore_mem>>) src(%dma_wait3A_1196 : memref<32x128xf32, #tpu.memory_space<vmem>>) dst(%dma_wait3A_1192 : memref<32x128xf32, #tpu.memory_space<hbm>>)
    %dma_wait3A_1197 = arith.constant 2 : i32
    %dma_wait3A_1198 = arith.constant 2 : i32
    %dma_wait3A_1199 = arith.constant 0 : i32
    %dma_wait3A_1200 = arith.constant 0 : i32
    %dma_wait3A_1201 = tpu.memref_slice %arg6[%dma_wait3A_1199, %dma_wait3A_1197, %dma_wait3A_1200] : memref<32x8x128xf32, #tpu.memory_space<vmem>> -> memref<32x1x128xf32, #tpu.memory_space<vmem>>
    %dma_wait3A_1202 = tpu.memref_squeeze %dma_wait3A_1201 : memref<32x1x128xf32, #tpu.memory_space<vmem>> -> memref<32x128xf32, #tpu.memory_space<vmem>>
    %dma_wait3A_1203 = arith.constant 0 : i32
    %dma_wait3A_1204 = tpu.memref_slice %arg4[%dma_wait3A_1198, %add3A_780, %dma_wait3A_1203] : memref<8x5120x128xf32, #tpu.memory_space<hbm>> -> memref<1x32x128xf32, #tpu.memory_space<hbm>>
    %dma_wait3A_1205 = tpu.memref_squeeze %dma_wait3A_1204 : memref<1x32x128xf32, #tpu.memory_space<hbm>> -> memref<32x128xf32, #tpu.memory_space<hbm>>
    %dma_wait3A_1206 = arith.constant 0 : i32
    %dma_wait3A_1207 = tpu.memref_slice %arg4[%dma_wait3A_1198, %add3A_780, %dma_wait3A_1206] : memref<8x5120x128xf32, #tpu.memory_space<hbm>> -> memref<1x32x128xf32, #tpu.memory_space<hbm>>
    %dma_wait3A_1208 = tpu.memref_squeeze %dma_wait3A_1207 : memref<1x32x128xf32, #tpu.memory_space<hbm>> -> memref<32x128xf32, #tpu.memory_space<hbm>>
    %dma_wait3A_1209 = arith.constant 0 : i32
    %dma_wait3A_1210 = arith.constant 0 : i32
    %dma_wait3A_1211 = tpu.memref_slice %arg6[%dma_wait3A_1209, %dma_wait3A_1197, %dma_wait3A_1210] : memref<32x8x128xf32, #tpu.memory_space<vmem>> -> memref<32x1x128xf32, #tpu.memory_space<vmem>>
    %dma_wait3A_1212 = tpu.memref_squeeze %dma_wait3A_1211 : memref<32x1x128xf32, #tpu.memory_space<vmem>> -> memref<32x128xf32, #tpu.memory_space<vmem>>
    tpu.wait_dma2 semaphore(%arg9 : memref<!tpu.dma_semaphore, #tpu.memory_space<semaphore_mem>>) src(%dma_wait3A_1212 : memref<32x128xf32, #tpu.memory_space<vmem>>) dst(%dma_wait3A_1208 : memref<32x128xf32, #tpu.memory_space<hbm>>)
    %dma_wait3A_1213 = arith.constant 3 : i32
    %dma_wait3A_1214 = arith.constant 3 : i32
    %dma_wait3A_1215 = arith.constant 0 : i32
    %dma_wait3A_1216 = arith.constant 0 : i32
    %dma_wait3A_1217 = tpu.memref_slice %arg6[%dma_wait3A_1215, %dma_wait3A_1213, %dma_wait3A_1216] : memref<32x8x128xf32, #tpu.memory_space<vmem>> -> memref<32x1x128xf32, #tpu.memory_space<vmem>>
    %dma_wait3A_1218 = tpu.memref_squeeze %dma_wait3A_1217 : memref<32x1x128xf32, #tpu.memory_space<vmem>> -> memref<32x128xf32, #tpu.memory_space<vmem>>
    %dma_wait3A_1219 = arith.constant 0 : i32
    %dma_wait3A_1220 = tpu.memref_slice %arg4[%dma_wait3A_1214, %add3A_798, %dma_wait3A_1219] : memref<8x5120x128xf32, #tpu.memory_space<hbm>> -> memref<1x32x128xf32, #tpu.memory_space<hbm>>
    %dma_wait3A_1221 = tpu.memref_squeeze %dma_wait3A_1220 : memref<1x32x128xf32, #tpu.memory_space<hbm>> -> memref<32x128xf32, #tpu.memory_space<hbm>>
    %dma_wait3A_1222 = arith.constant 0 : i32
    %dma_wait3A_1223 = tpu.memref_slice %arg4[%dma_wait3A_1214, %add3A_798, %dma_wait3A_1222] : memref<8x5120x128xf32, #tpu.memory_space<hbm>> -> memref<1x32x128xf32, #tpu.memory_space<hbm>>
    %dma_wait3A_1224 = tpu.memref_squeeze %dma_wait3A_1223 : memref<1x32x128xf32, #tpu.memory_space<hbm>> -> memref<32x128xf32, #tpu.memory_space<hbm>>
    %dma_wait3A_1225 = arith.constant 0 : i32
    %dma_wait3A_1226 = arith.constant 0 : i32
    %dma_wait3A_1227 = tpu.memref_slice %arg6[%dma_wait3A_1225, %dma_wait3A_1213, %dma_wait3A_1226] : memref<32x8x128xf32, #tpu.memory_space<vmem>> -> memref<32x1x128xf32, #tpu.memory_space<vmem>>
    %dma_wait3A_1228 = tpu.memref_squeeze %dma_wait3A_1227 : memref<32x1x128xf32, #tpu.memory_space<vmem>> -> memref<32x128xf32, #tpu.memory_space<vmem>>
    tpu.wait_dma2 semaphore(%arg9 : memref<!tpu.dma_semaphore, #tpu.memory_space<semaphore_mem>>) src(%dma_wait3A_1228 : memref<32x128xf32, #tpu.memory_space<vmem>>) dst(%dma_wait3A_1224 : memref<32x128xf32, #tpu.memory_space<hbm>>)
    %dma_wait3A_1229 = arith.constant 4 : i32
    %dma_wait3A_1230 = arith.constant 4 : i32
    %dma_wait3A_1231 = arith.constant 0 : i32
    %dma_wait3A_1232 = arith.constant 0 : i32
    %dma_wait3A_1233 = tpu.memref_slice %arg6[%dma_wait3A_1231, %dma_wait3A_1229, %dma_wait3A_1232] : memref<32x8x128xf32, #tpu.memory_space<vmem>> -> memref<32x1x128xf32, #tpu.memory_space<vmem>>
    %dma_wait3A_1234 = tpu.memref_squeeze %dma_wait3A_1233 : memref<32x1x128xf32, #tpu.memory_space<vmem>> -> memref<32x128xf32, #tpu.memory_space<vmem>>
    %dma_wait3A_1235 = arith.constant 0 : i32
    %dma_wait3A_1236 = tpu.memref_slice %arg4[%dma_wait3A_1230, %add3A_816, %dma_wait3A_1235] : memref<8x5120x128xf32, #tpu.memory_space<hbm>> -> memref<1x32x128xf32, #tpu.memory_space<hbm>>
    %dma_wait3A_1237 = tpu.memref_squeeze %dma_wait3A_1236 : memref<1x32x128xf32, #tpu.memory_space<hbm>> -> memref<32x128xf32, #tpu.memory_space<hbm>>
    %dma_wait3A_1238 = arith.constant 0 : i32
    %dma_wait3A_1239 = tpu.memref_slice %arg4[%dma_wait3A_1230, %add3A_816, %dma_wait3A_1238] : memref<8x5120x128xf32, #tpu.memory_space<hbm>> -> memref<1x32x128xf32, #tpu.memory_space<hbm>>
    %dma_wait3A_1240 = tpu.memref_squeeze %dma_wait3A_1239 : memref<1x32x128xf32, #tpu.memory_space<hbm>> -> memref<32x128xf32, #tpu.memory_space<hbm>>
    %dma_wait3A_1241 = arith.constant 0 : i32
    %dma_wait3A_1242 = arith.constant 0 : i32
    %dma_wait3A_1243 = tpu.memref_slice %arg6[%dma_wait3A_1241, %dma_wait3A_1229, %dma_wait3A_1242] : memref<32x8x128xf32, #tpu.memory_space<vmem>> -> memref<32x1x128xf32, #tpu.memory_space<vmem>>
    %dma_wait3A_1244 = tpu.memref_squeeze %dma_wait3A_1243 : memref<32x1x128xf32, #tpu.memory_space<vmem>> -> memref<32x128xf32, #tpu.memory_space<vmem>>
    tpu.wait_dma2 semaphore(%arg9 : memref<!tpu.dma_semaphore, #tpu.memory_space<semaphore_mem>>) src(%dma_wait3A_1244 : memref<32x128xf32, #tpu.memory_space<vmem>>) dst(%dma_wait3A_1240 : memref<32x128xf32, #tpu.memory_space<hbm>>)
    %dma_wait3A_1245 = arith.constant 5 : i32
    %dma_wait3A_1246 = arith.constant 5 : i32
    %dma_wait3A_1247 = arith.constant 0 : i32
    %dma_wait3A_1248 = arith.constant 0 : i32
    %dma_wait3A_1249 = tpu.memref_slice %arg6[%dma_wait3A_1247, %dma_wait3A_1245, %dma_wait3A_1248] : memref<32x8x128xf32, #tpu.memory_space<vmem>> -> memref<32x1x128xf32, #tpu.memory_space<vmem>>
    %dma_wait3A_1250 = tpu.memref_squeeze %dma_wait3A_1249 : memref<32x1x128xf32, #tpu.memory_space<vmem>> -> memref<32x128xf32, #tpu.memory_space<vmem>>
    %dma_wait3A_1251 = arith.constant 0 : i32
    %dma_wait3A_1252 = tpu.memref_slice %arg4[%dma_wait3A_1246, %add3A_834, %dma_wait3A_1251] : memref<8x5120x128xf32, #tpu.memory_space<hbm>> -> memref<1x32x128xf32, #tpu.memory_space<hbm>>
    %dma_wait3A_1253 = tpu.memref_squeeze %dma_wait3A_1252 : memref<1x32x128xf32, #tpu.memory_space<hbm>> -> memref<32x128xf32, #tpu.memory_space<hbm>>
    %dma_wait3A_1254 = arith.constant 0 : i32
    %dma_wait3A_1255 = tpu.memref_slice %arg4[%dma_wait3A_1246, %add3A_834, %dma_wait3A_1254] : memref<8x5120x128xf32, #tpu.memory_space<hbm>> -> memref<1x32x128xf32, #tpu.memory_space<hbm>>
    %dma_wait3A_1256 = tpu.memref_squeeze %dma_wait3A_1255 : memref<1x32x128xf32, #tpu.memory_space<hbm>> -> memref<32x128xf32, #tpu.memory_space<hbm>>
    %dma_wait3A_1257 = arith.constant 0 : i32
    %dma_wait3A_1258 = arith.constant 0 : i32
    %dma_wait3A_1259 = tpu.memref_slice %arg6[%dma_wait3A_1257, %dma_wait3A_1245, %dma_wait3A_1258] : memref<32x8x128xf32, #tpu.memory_space<vmem>> -> memref<32x1x128xf32, #tpu.memory_space<vmem>>
    %dma_wait3A_1260 = tpu.memref_squeeze %dma_wait3A_1259 : memref<32x1x128xf32, #tpu.memory_space<vmem>> -> memref<32x128xf32, #tpu.memory_space<vmem>>
    tpu.wait_dma2 semaphore(%arg9 : memref<!tpu.dma_semaphore, #tpu.memory_space<semaphore_mem>>) src(%dma_wait3A_1260 : memref<32x128xf32, #tpu.memory_space<vmem>>) dst(%dma_wait3A_1256 : memref<32x128xf32, #tpu.memory_space<hbm>>)
    %dma_wait3A_1261 = arith.constant 6 : i32
    %dma_wait3A_1262 = arith.constant 6 : i32
    %dma_wait3A_1263 = arith.constant 0 : i32
    %dma_wait3A_1264 = arith.constant 0 : i32
    %dma_wait3A_1265 = tpu.memref_slice %arg6[%dma_wait3A_1263, %dma_wait3A_1261, %dma_wait3A_1264] : memref<32x8x128xf32, #tpu.memory_space<vmem>> -> memref<32x1x128xf32, #tpu.memory_space<vmem>>
    %dma_wait3A_1266 = tpu.memref_squeeze %dma_wait3A_1265 : memref<32x1x128xf32, #tpu.memory_space<vmem>> -> memref<32x128xf32, #tpu.memory_space<vmem>>
    %dma_wait3A_1267 = arith.constant 0 : i32
    %dma_wait3A_1268 = tpu.memref_slice %arg4[%dma_wait3A_1262, %add3A_852, %dma_wait3A_1267] : memref<8x5120x128xf32, #tpu.memory_space<hbm>> -> memref<1x32x128xf32, #tpu.memory_space<hbm>>
    %dma_wait3A_1269 = tpu.memref_squeeze %dma_wait3A_1268 : memref<1x32x128xf32, #tpu.memory_space<hbm>> -> memref<32x128xf32, #tpu.memory_space<hbm>>
    %dma_wait3A_1270 = arith.constant 0 : i32
    %dma_wait3A_1271 = tpu.memref_slice %arg4[%dma_wait3A_1262, %add3A_852, %dma_wait3A_1270] : memref<8x5120x128xf32, #tpu.memory_space<hbm>> -> memref<1x32x128xf32, #tpu.memory_space<hbm>>
    %dma_wait3A_1272 = tpu.memref_squeeze %dma_wait3A_1271 : memref<1x32x128xf32, #tpu.memory_space<hbm>> -> memref<32x128xf32, #tpu.memory_space<hbm>>
    %dma_wait3A_1273 = arith.constant 0 : i32
    %dma_wait3A_1274 = arith.constant 0 : i32
    %dma_wait3A_1275 = tpu.memref_slice %arg6[%dma_wait3A_1273, %dma_wait3A_1261, %dma_wait3A_1274] : memref<32x8x128xf32, #tpu.memory_space<vmem>> -> memref<32x1x128xf32, #tpu.memory_space<vmem>>
    %dma_wait3A_1276 = tpu.memref_squeeze %dma_wait3A_1275 : memref<32x1x128xf32, #tpu.memory_space<vmem>> -> memref<32x128xf32, #tpu.memory_space<vmem>>
    tpu.wait_dma2 semaphore(%arg9 : memref<!tpu.dma_semaphore, #tpu.memory_space<semaphore_mem>>) src(%dma_wait3A_1276 : memref<32x128xf32, #tpu.memory_space<vmem>>) dst(%dma_wait3A_1272 : memref<32x128xf32, #tpu.memory_space<hbm>>)
    %dma_wait3A_1277 = arith.constant 7 : i32
    %dma_wait3A_1278 = arith.constant 7 : i32
    %dma_wait3A_1279 = arith.constant 0 : i32
    %dma_wait3A_1280 = arith.constant 0 : i32
    %dma_wait3A_1281 = tpu.memref_slice %arg6[%dma_wait3A_1279, %dma_wait3A_1277, %dma_wait3A_1280] : memref<32x8x128xf32, #tpu.memory_space<vmem>> -> memref<32x1x128xf32, #tpu.memory_space<vmem>>
    %dma_wait3A_1282 = tpu.memref_squeeze %dma_wait3A_1281 : memref<32x1x128xf32, #tpu.memory_space<vmem>> -> memref<32x128xf32, #tpu.memory_space<vmem>>
    %dma_wait3A_1283 = arith.constant 0 : i32
    %dma_wait3A_1284 = tpu.memref_slice %arg4[%dma_wait3A_1278, %add3A_870, %dma_wait3A_1283] : memref<8x5120x128xf32, #tpu.memory_space<hbm>> -> memref<1x32x128xf32, #tpu.memory_space<hbm>>
    %dma_wait3A_1285 = tpu.memref_squeeze %dma_wait3A_1284 : memref<1x32x128xf32, #tpu.memory_space<hbm>> -> memref<32x128xf32, #tpu.memory_space<hbm>>
    %dma_wait3A_1286 = arith.constant 0 : i32
    %dma_wait3A_1287 = tpu.memref_slice %arg4[%dma_wait3A_1278, %add3A_870, %dma_wait3A_1286] : memref<8x5120x128xf32, #tpu.memory_space<hbm>> -> memref<1x32x128xf32, #tpu.memory_space<hbm>>
    %dma_wait3A_1288 = tpu.memref_squeeze %dma_wait3A_1287 : memref<1x32x128xf32, #tpu.memory_space<hbm>> -> memref<32x128xf32, #tpu.memory_space<hbm>>
    %dma_wait3A_1289 = arith.constant 0 : i32
    %dma_wait3A_1290 = arith.constant 0 : i32
    %dma_wait3A_1291 = tpu.memref_slice %arg6[%dma_wait3A_1289, %dma_wait3A_1277, %dma_wait3A_1290] : memref<32x8x128xf32, #tpu.memory_space<vmem>> -> memref<32x1x128xf32, #tpu.memory_space<vmem>>
    %dma_wait3A_1292 = tpu.memref_squeeze %dma_wait3A_1291 : memref<32x1x128xf32, #tpu.memory_space<vmem>> -> memref<32x128xf32, #tpu.memory_space<vmem>>
    tpu.wait_dma2 semaphore(%arg9 : memref<!tpu.dma_semaphore, #tpu.memory_space<semaphore_mem>>) src(%dma_wait3A_1292 : memref<32x128xf32, #tpu.memory_space<vmem>>) dst(%dma_wait3A_1288 : memref<32x128xf32, #tpu.memory_space<hbm>>)
    %dma_wait3A_1293 = arith.constant 0 : i32
    %dma_wait3A_1294 = arith.constant 0 : i32
    %dma_wait3A_1295 = arith.constant 0 : i32
    %dma_wait3A_1296 = arith.constant 0 : i32
    %dma_wait3A_1297 = tpu.memref_slice %arg7[%dma_wait3A_1295, %dma_wait3A_1293, %dma_wait3A_1296] : memref<32x8x128xf32, #tpu.memory_space<vmem>> -> memref<32x1x128xf32, #tpu.memory_space<vmem>>
    %dma_wait3A_1298 = tpu.memref_squeeze %dma_wait3A_1297 : memref<32x1x128xf32, #tpu.memory_space<vmem>> -> memref<32x128xf32, #tpu.memory_space<vmem>>
    %dma_wait3A_1299 = arith.constant 0 : i32
    %dma_wait3A_1300 = tpu.memref_slice %arg4[%dma_wait3A_1294, %add3A_894, %dma_wait3A_1299] : memref<8x5120x128xf32, #tpu.memory_space<hbm>> -> memref<1x32x128xf32, #tpu.memory_space<hbm>>
    %dma_wait3A_1301 = tpu.memref_squeeze %dma_wait3A_1300 : memref<1x32x128xf32, #tpu.memory_space<hbm>> -> memref<32x128xf32, #tpu.memory_space<hbm>>
    %dma_wait3A_1302 = arith.constant 0 : i32
    %dma_wait3A_1303 = tpu.memref_slice %arg4[%dma_wait3A_1294, %add3A_894, %dma_wait3A_1302] : memref<8x5120x128xf32, #tpu.memory_space<hbm>> -> memref<1x32x128xf32, #tpu.memory_space<hbm>>
    %dma_wait3A_1304 = tpu.memref_squeeze %dma_wait3A_1303 : memref<1x32x128xf32, #tpu.memory_space<hbm>> -> memref<32x128xf32, #tpu.memory_space<hbm>>
    %dma_wait3A_1305 = arith.constant 0 : i32
    %dma_wait3A_1306 = arith.constant 0 : i32
    %dma_wait3A_1307 = tpu.memref_slice %arg7[%dma_wait3A_1305, %dma_wait3A_1293, %dma_wait3A_1306] : memref<32x8x128xf32, #tpu.memory_space<vmem>> -> memref<32x1x128xf32, #tpu.memory_space<vmem>>
    %dma_wait3A_1308 = tpu.memref_squeeze %dma_wait3A_1307 : memref<32x1x128xf32, #tpu.memory_space<vmem>> -> memref<32x128xf32, #tpu.memory_space<vmem>>
    tpu.wait_dma2 semaphore(%arg10 : memref<!tpu.dma_semaphore, #tpu.memory_space<semaphore_mem>>) src(%dma_wait3A_1308 : memref<32x128xf32, #tpu.memory_space<vmem>>) dst(%dma_wait3A_1304 : memref<32x128xf32, #tpu.memory_space<hbm>>)
    %dma_wait3A_1309 = arith.constant 1 : i32
    %dma_wait3A_1310 = arith.constant 1 : i32
    %dma_wait3A_1311 = arith.constant 0 : i32
    %dma_wait3A_1312 = arith.constant 0 : i32
    %dma_wait3A_1313 = tpu.memref_slice %arg7[%dma_wait3A_1311, %dma_wait3A_1309, %dma_wait3A_1312] : memref<32x8x128xf32, #tpu.memory_space<vmem>> -> memref<32x1x128xf32, #tpu.memory_space<vmem>>
    %dma_wait3A_1314 = tpu.memref_squeeze %dma_wait3A_1313 : memref<32x1x128xf32, #tpu.memory_space<vmem>> -> memref<32x128xf32, #tpu.memory_space<vmem>>
    %dma_wait3A_1315 = arith.constant 0 : i32
    %dma_wait3A_1316 = tpu.memref_slice %arg4[%dma_wait3A_1310, %add3A_912, %dma_wait3A_1315] : memref<8x5120x128xf32, #tpu.memory_space<hbm>> -> memref<1x32x128xf32, #tpu.memory_space<hbm>>
    %dma_wait3A_1317 = tpu.memref_squeeze %dma_wait3A_1316 : memref<1x32x128xf32, #tpu.memory_space<hbm>> -> memref<32x128xf32, #tpu.memory_space<hbm>>
    %dma_wait3A_1318 = arith.constant 0 : i32
    %dma_wait3A_1319 = tpu.memref_slice %arg4[%dma_wait3A_1310, %add3A_912, %dma_wait3A_1318] : memref<8x5120x128xf32, #tpu.memory_space<hbm>> -> memref<1x32x128xf32, #tpu.memory_space<hbm>>
    %dma_wait3A_1320 = tpu.memref_squeeze %dma_wait3A_1319 : memref<1x32x128xf32, #tpu.memory_space<hbm>> -> memref<32x128xf32, #tpu.memory_space<hbm>>
    %dma_wait3A_1321 = arith.constant 0 : i32
    %dma_wait3A_1322 = arith.constant 0 : i32
    %dma_wait3A_1323 = tpu.memref_slice %arg7[%dma_wait3A_1321, %dma_wait3A_1309, %dma_wait3A_1322] : memref<32x8x128xf32, #tpu.memory_space<vmem>> -> memref<32x1x128xf32, #tpu.memory_space<vmem>>
    %dma_wait3A_1324 = tpu.memref_squeeze %dma_wait3A_1323 : memref<32x1x128xf32, #tpu.memory_space<vmem>> -> memref<32x128xf32, #tpu.memory_space<vmem>>
    tpu.wait_dma2 semaphore(%arg10 : memref<!tpu.dma_semaphore, #tpu.memory_space<semaphore_mem>>) src(%dma_wait3A_1324 : memref<32x128xf32, #tpu.memory_space<vmem>>) dst(%dma_wait3A_1320 : memref<32x128xf32, #tpu.memory_space<hbm>>)
    %dma_wait3A_1325 = arith.constant 2 : i32
    %dma_wait3A_1326 = arith.constant 2 : i32
    %dma_wait3A_1327 = arith.constant 0 : i32
    %dma_wait3A_1328 = arith.constant 0 : i32
    %dma_wait3A_1329 = tpu.memref_slice %arg7[%dma_wait3A_1327, %dma_wait3A_1325, %dma_wait3A_1328] : memref<32x8x128xf32, #tpu.memory_space<vmem>> -> memref<32x1x128xf32, #tpu.memory_space<vmem>>
    %dma_wait3A_1330 = tpu.memref_squeeze %dma_wait3A_1329 : memref<32x1x128xf32, #tpu.memory_space<vmem>> -> memref<32x128xf32, #tpu.memory_space<vmem>>
    %dma_wait3A_1331 = arith.constant 0 : i32
    %dma_wait3A_1332 = tpu.memref_slice %arg4[%dma_wait3A_1326, %add3A_930, %dma_wait3A_1331] : memref<8x5120x128xf32, #tpu.memory_space<hbm>> -> memref<1x32x128xf32, #tpu.memory_space<hbm>>
    %dma_wait3A_1333 = tpu.memref_squeeze %dma_wait3A_1332 : memref<1x32x128xf32, #tpu.memory_space<hbm>> -> memref<32x128xf32, #tpu.memory_space<hbm>>
    %dma_wait3A_1334 = arith.constant 0 : i32
    %dma_wait3A_1335 = tpu.memref_slice %arg4[%dma_wait3A_1326, %add3A_930, %dma_wait3A_1334] : memref<8x5120x128xf32, #tpu.memory_space<hbm>> -> memref<1x32x128xf32, #tpu.memory_space<hbm>>
    %dma_wait3A_1336 = tpu.memref_squeeze %dma_wait3A_1335 : memref<1x32x128xf32, #tpu.memory_space<hbm>> -> memref<32x128xf32, #tpu.memory_space<hbm>>
    %dma_wait3A_1337 = arith.constant 0 : i32
    %dma_wait3A_1338 = arith.constant 0 : i32
    %dma_wait3A_1339 = tpu.memref_slice %arg7[%dma_wait3A_1337, %dma_wait3A_1325, %dma_wait3A_1338] : memref<32x8x128xf32, #tpu.memory_space<vmem>> -> memref<32x1x128xf32, #tpu.memory_space<vmem>>
    %dma_wait3A_1340 = tpu.memref_squeeze %dma_wait3A_1339 : memref<32x1x128xf32, #tpu.memory_space<vmem>> -> memref<32x128xf32, #tpu.memory_space<vmem>>
    tpu.wait_dma2 semaphore(%arg10 : memref<!tpu.dma_semaphore, #tpu.memory_space<semaphore_mem>>) src(%dma_wait3A_1340 : memref<32x128xf32, #tpu.memory_space<vmem>>) dst(%dma_wait3A_1336 : memref<32x128xf32, #tpu.memory_space<hbm>>)
    %dma_wait3A_1341 = arith.constant 3 : i32
    %dma_wait3A_1342 = arith.constant 3 : i32
    %dma_wait3A_1343 = arith.constant 0 : i32
    %dma_wait3A_1344 = arith.constant 0 : i32
    %dma_wait3A_1345 = tpu.memref_slice %arg7[%dma_wait3A_1343, %dma_wait3A_1341, %dma_wait3A_1344] : memref<32x8x128xf32, #tpu.memory_space<vmem>> -> memref<32x1x128xf32, #tpu.memory_space<vmem>>
    %dma_wait3A_1346 = tpu.memref_squeeze %dma_wait3A_1345 : memref<32x1x128xf32, #tpu.memory_space<vmem>> -> memref<32x128xf32, #tpu.memory_space<vmem>>
    %dma_wait3A_1347 = arith.constant 0 : i32
    %dma_wait3A_1348 = tpu.memref_slice %arg4[%dma_wait3A_1342, %add3A_948, %dma_wait3A_1347] : memref<8x5120x128xf32, #tpu.memory_space<hbm>> -> memref<1x32x128xf32, #tpu.memory_space<hbm>>
    %dma_wait3A_1349 = tpu.memref_squeeze %dma_wait3A_1348 : memref<1x32x128xf32, #tpu.memory_space<hbm>> -> memref<32x128xf32, #tpu.memory_space<hbm>>
    %dma_wait3A_1350 = arith.constant 0 : i32
    %dma_wait3A_1351 = tpu.memref_slice %arg4[%dma_wait3A_1342, %add3A_948, %dma_wait3A_1350] : memref<8x5120x128xf32, #tpu.memory_space<hbm>> -> memref<1x32x128xf32, #tpu.memory_space<hbm>>
    %dma_wait3A_1352 = tpu.memref_squeeze %dma_wait3A_1351 : memref<1x32x128xf32, #tpu.memory_space<hbm>> -> memref<32x128xf32, #tpu.memory_space<hbm>>
    %dma_wait3A_1353 = arith.constant 0 : i32
    %dma_wait3A_1354 = arith.constant 0 : i32
    %dma_wait3A_1355 = tpu.memref_slice %arg7[%dma_wait3A_1353, %dma_wait3A_1341, %dma_wait3A_1354] : memref<32x8x128xf32, #tpu.memory_space<vmem>> -> memref<32x1x128xf32, #tpu.memory_space<vmem>>
    %dma_wait3A_1356 = tpu.memref_squeeze %dma_wait3A_1355 : memref<32x1x128xf32, #tpu.memory_space<vmem>> -> memref<32x128xf32, #tpu.memory_space<vmem>>
    tpu.wait_dma2 semaphore(%arg10 : memref<!tpu.dma_semaphore, #tpu.memory_space<semaphore_mem>>) src(%dma_wait3A_1356 : memref<32x128xf32, #tpu.memory_space<vmem>>) dst(%dma_wait3A_1352 : memref<32x128xf32, #tpu.memory_space<hbm>>)
    %dma_wait3A_1357 = arith.constant 4 : i32
    %dma_wait3A_1358 = arith.constant 4 : i32
    %dma_wait3A_1359 = arith.constant 0 : i32
    %dma_wait3A_1360 = arith.constant 0 : i32
    %dma_wait3A_1361 = tpu.memref_slice %arg7[%dma_wait3A_1359, %dma_wait3A_1357, %dma_wait3A_1360] : memref<32x8x128xf32, #tpu.memory_space<vmem>> -> memref<32x1x128xf32, #tpu.memory_space<vmem>>
    %dma_wait3A_1362 = tpu.memref_squeeze %dma_wait3A_1361 : memref<32x1x128xf32, #tpu.memory_space<vmem>> -> memref<32x128xf32, #tpu.memory_space<vmem>>
    %dma_wait3A_1363 = arith.constant 0 : i32
    %dma_wait3A_1364 = tpu.memref_slice %arg4[%dma_wait3A_1358, %add3A_966, %dma_wait3A_1363] : memref<8x5120x128xf32, #tpu.memory_space<hbm>> -> memref<1x32x128xf32, #tpu.memory_space<hbm>>
    %dma_wait3A_1365 = tpu.memref_squeeze %dma_wait3A_1364 : memref<1x32x128xf32, #tpu.memory_space<hbm>> -> memref<32x128xf32, #tpu.memory_space<hbm>>
    %dma_wait3A_1366 = arith.constant 0 : i32
    %dma_wait3A_1367 = tpu.memref_slice %arg4[%dma_wait3A_1358, %add3A_966, %dma_wait3A_1366] : memref<8x5120x128xf32, #tpu.memory_space<hbm>> -> memref<1x32x128xf32, #tpu.memory_space<hbm>>
    %dma_wait3A_1368 = tpu.memref_squeeze %dma_wait3A_1367 : memref<1x32x128xf32, #tpu.memory_space<hbm>> -> memref<32x128xf32, #tpu.memory_space<hbm>>
    %dma_wait3A_1369 = arith.constant 0 : i32
    %dma_wait3A_1370 = arith.constant 0 : i32
    %dma_wait3A_1371 = tpu.memref_slice %arg7[%dma_wait3A_1369, %dma_wait3A_1357, %dma_wait3A_1370] : memref<32x8x128xf32, #tpu.memory_space<vmem>> -> memref<32x1x128xf32, #tpu.memory_space<vmem>>
    %dma_wait3A_1372 = tpu.memref_squeeze %dma_wait3A_1371 : memref<32x1x128xf32, #tpu.memory_space<vmem>> -> memref<32x128xf32, #tpu.memory_space<vmem>>
    tpu.wait_dma2 semaphore(%arg10 : memref<!tpu.dma_semaphore, #tpu.memory_space<semaphore_mem>>) src(%dma_wait3A_1372 : memref<32x128xf32, #tpu.memory_space<vmem>>) dst(%dma_wait3A_1368 : memref<32x128xf32, #tpu.memory_space<hbm>>)
    %dma_wait3A_1373 = arith.constant 5 : i32
    %dma_wait3A_1374 = arith.constant 5 : i32
    %dma_wait3A_1375 = arith.constant 0 : i32
    %dma_wait3A_1376 = arith.constant 0 : i32
    %dma_wait3A_1377 = tpu.memref_slice %arg7[%dma_wait3A_1375, %dma_wait3A_1373, %dma_wait3A_1376] : memref<32x8x128xf32, #tpu.memory_space<vmem>> -> memref<32x1x128xf32, #tpu.memory_space<vmem>>
    %dma_wait3A_1378 = tpu.memref_squeeze %dma_wait3A_1377 : memref<32x1x128xf32, #tpu.memory_space<vmem>> -> memref<32x128xf32, #tpu.memory_space<vmem>>
    %dma_wait3A_1379 = arith.constant 0 : i32
    %dma_wait3A_1380 = tpu.memref_slice %arg4[%dma_wait3A_1374, %add3A_984, %dma_wait3A_1379] : memref<8x5120x128xf32, #tpu.memory_space<hbm>> -> memref<1x32x128xf32, #tpu.memory_space<hbm>>
    %dma_wait3A_1381 = tpu.memref_squeeze %dma_wait3A_1380 : memref<1x32x128xf32, #tpu.memory_space<hbm>> -> memref<32x128xf32, #tpu.memory_space<hbm>>
    %dma_wait3A_1382 = arith.constant 0 : i32
    %dma_wait3A_1383 = tpu.memref_slice %arg4[%dma_wait3A_1374, %add3A_984, %dma_wait3A_1382] : memref<8x5120x128xf32, #tpu.memory_space<hbm>> -> memref<1x32x128xf32, #tpu.memory_space<hbm>>
    %dma_wait3A_1384 = tpu.memref_squeeze %dma_wait3A_1383 : memref<1x32x128xf32, #tpu.memory_space<hbm>> -> memref<32x128xf32, #tpu.memory_space<hbm>>
    %dma_wait3A_1385 = arith.constant 0 : i32
    %dma_wait3A_1386 = arith.constant 0 : i32
    %dma_wait3A_1387 = tpu.memref_slice %arg7[%dma_wait3A_1385, %dma_wait3A_1373, %dma_wait3A_1386] : memref<32x8x128xf32, #tpu.memory_space<vmem>> -> memref<32x1x128xf32, #tpu.memory_space<vmem>>
    %dma_wait3A_1388 = tpu.memref_squeeze %dma_wait3A_1387 : memref<32x1x128xf32, #tpu.memory_space<vmem>> -> memref<32x128xf32, #tpu.memory_space<vmem>>
    tpu.wait_dma2 semaphore(%arg10 : memref<!tpu.dma_semaphore, #tpu.memory_space<semaphore_mem>>) src(%dma_wait3A_1388 : memref<32x128xf32, #tpu.memory_space<vmem>>) dst(%dma_wait3A_1384 : memref<32x128xf32, #tpu.memory_space<hbm>>)
    %dma_wait3A_1389 = arith.constant 6 : i32
    %dma_wait3A_1390 = arith.constant 6 : i32
    %dma_wait3A_1391 = arith.constant 0 : i32
    %dma_wait3A_1392 = arith.constant 0 : i32
    %dma_wait3A_1393 = tpu.memref_slice %arg7[%dma_wait3A_1391, %dma_wait3A_1389, %dma_wait3A_1392] : memref<32x8x128xf32, #tpu.memory_space<vmem>> -> memref<32x1x128xf32, #tpu.memory_space<vmem>>
    %dma_wait3A_1394 = tpu.memref_squeeze %dma_wait3A_1393 : memref<32x1x128xf32, #tpu.memory_space<vmem>> -> memref<32x128xf32, #tpu.memory_space<vmem>>
    %dma_wait3A_1395 = arith.constant 0 : i32
    %dma_wait3A_1396 = tpu.memref_slice %arg4[%dma_wait3A_1390, %add3A_1002, %dma_wait3A_1395] : memref<8x5120x128xf32, #tpu.memory_space<hbm>> -> memref<1x32x128xf32, #tpu.memory_space<hbm>>
    %dma_wait3A_1397 = tpu.memref_squeeze %dma_wait3A_1396 : memref<1x32x128xf32, #tpu.memory_space<hbm>> -> memref<32x128xf32, #tpu.memory_space<hbm>>
    %dma_wait3A_1398 = arith.constant 0 : i32
    %dma_wait3A_1399 = tpu.memref_slice %arg4[%dma_wait3A_1390, %add3A_1002, %dma_wait3A_1398] : memref<8x5120x128xf32, #tpu.memory_space<hbm>> -> memref<1x32x128xf32, #tpu.memory_space<hbm>>
    %dma_wait3A_1400 = tpu.memref_squeeze %dma_wait3A_1399 : memref<1x32x128xf32, #tpu.memory_space<hbm>> -> memref<32x128xf32, #tpu.memory_space<hbm>>
    %dma_wait3A_1401 = arith.constant 0 : i32
    %dma_wait3A_1402 = arith.constant 0 : i32
    %dma_wait3A_1403 = tpu.memref_slice %arg7[%dma_wait3A_1401, %dma_wait3A_1389, %dma_wait3A_1402] : memref<32x8x128xf32, #tpu.memory_space<vmem>> -> memref<32x1x128xf32, #tpu.memory_space<vmem>>
    %dma_wait3A_1404 = tpu.memref_squeeze %dma_wait3A_1403 : memref<32x1x128xf32, #tpu.memory_space<vmem>> -> memref<32x128xf32, #tpu.memory_space<vmem>>
    tpu.wait_dma2 semaphore(%arg10 : memref<!tpu.dma_semaphore, #tpu.memory_space<semaphore_mem>>) src(%dma_wait3A_1404 : memref<32x128xf32, #tpu.memory_space<vmem>>) dst(%dma_wait3A_1400 : memref<32x128xf32, #tpu.memory_space<hbm>>)
    %dma_wait3A_1405 = arith.constant 7 : i32
    %dma_wait3A_1406 = arith.constant 7 : i32
    %dma_wait3A_1407 = arith.constant 0 : i32
    %dma_wait3A_1408 = arith.constant 0 : i32
    %dma_wait3A_1409 = tpu.memref_slice %arg7[%dma_wait3A_1407, %dma_wait3A_1405, %dma_wait3A_1408] : memref<32x8x128xf32, #tpu.memory_space<vmem>> -> memref<32x1x128xf32, #tpu.memory_space<vmem>>
    %dma_wait3A_1410 = tpu.memref_squeeze %dma_wait3A_1409 : memref<32x1x128xf32, #tpu.memory_space<vmem>> -> memref<32x128xf32, #tpu.memory_space<vmem>>
    %dma_wait3A_1411 = arith.constant 0 : i32
    %dma_wait3A_1412 = tpu.memref_slice %arg4[%dma_wait3A_1406, %add3A_1020, %dma_wait3A_1411] : memref<8x5120x128xf32, #tpu.memory_space<hbm>> -> memref<1x32x128xf32, #tpu.memory_space<hbm>>
    %dma_wait3A_1413 = tpu.memref_squeeze %dma_wait3A_1412 : memref<1x32x128xf32, #tpu.memory_space<hbm>> -> memref<32x128xf32, #tpu.memory_space<hbm>>
    %dma_wait3A_1414 = arith.constant 0 : i32
    %dma_wait3A_1415 = tpu.memref_slice %arg4[%dma_wait3A_1406, %add3A_1020, %dma_wait3A_1414] : memref<8x5120x128xf32, #tpu.memory_space<hbm>> -> memref<1x32x128xf32, #tpu.memory_space<hbm>>
    %dma_wait3A_1416 = tpu.memref_squeeze %dma_wait3A_1415 : memref<1x32x128xf32, #tpu.memory_space<hbm>> -> memref<32x128xf32, #tpu.memory_space<hbm>>
    %dma_wait3A_1417 = arith.constant 0 : i32
    %dma_wait3A_1418 = arith.constant 0 : i32
    %dma_wait3A_1419 = tpu.memref_slice %arg7[%dma_wait3A_1417, %dma_wait3A_1405, %dma_wait3A_1418] : memref<32x8x128xf32, #tpu.memory_space<vmem>> -> memref<32x1x128xf32, #tpu.memory_space<vmem>>
    %dma_wait3A_1420 = tpu.memref_squeeze %dma_wait3A_1419 : memref<32x1x128xf32, #tpu.memory_space<vmem>> -> memref<32x128xf32, #tpu.memory_space<vmem>>
    tpu.wait_dma2 semaphore(%arg10 : memref<!tpu.dma_semaphore, #tpu.memory_space<semaphore_mem>>) src(%dma_wait3A_1420 : memref<32x128xf32, #tpu.memory_space<vmem>>) dst(%dma_wait3A_1416 : memref<32x128xf32, #tpu.memory_space<hbm>>)
    return
  }
}

#map = affine_map<(d0, d1) -> (0, 0)>
#map1 = affine_map<(d0, d1) -> (0)>
module attributes {stable_mosaic.version = 14 : i64} {
  func.func @gather_back(%arg0: i32, %arg1: i32, %arg2: memref<5120x128xf32, #tpu.memory_space<hbm>>, %arg3: memref<4096xi32, #tpu.memory_space<hbm>>, %arg4: memref<4096x128xf32, #tpu.memory_space<hbm>>, %arg5: memref<128xi32, #tpu.memory_space<vmem>>, %arg6: memref<128x128xf32, #tpu.memory_space<vmem>>, %arg7: memref<!tpu.dma_semaphore, #tpu.memory_space<semaphore_mem>>) attributes {dimension_semantics = [#tpu.dimension_semantics<core_parallel>, #tpu.dimension_semantics<subcore_parallel>], iteration_bounds = array<i64: 2, 16>, scalar_prefetch = 0 : i64, scratch_operands = 3 : i64, tpu.core_type = #tpu.core_type<sc_vector_subcore>, window_params = [{transform_indices = #map}, {transform_indices = #map1}, {transform_indices = #map}]} {
    %mul3A = arith.constant 2 : i32
    %mul3A_0 = arith.muli %arg1, %mul3A : i32
    %add3A = arith.addi %mul3A_0, %arg0 : i32
    %mul3A_1 = arith.constant 128 : i32
    %mul3A_2 = arith.muli %add3A, %mul3A_1 : i32
    "tpu.region"() ({
      %run_scoped3A = tpu.sem_alloc : memref<!tpu.dma_semaphore, #tpu.memory_space<semaphore_mem>>
      %dma_start3A_7 = tpu.memref_slice %arg3[%mul3A_2] : memref<4096xi32, #tpu.memory_space<hbm>> -> memref<128xi32, #tpu.memory_space<hbm>>
      %dma_start3A_8 = tpu.memref_slice %arg3[%mul3A_2] : memref<4096xi32, #tpu.memory_space<hbm>> -> memref<128xi32, #tpu.memory_space<hbm>>
      tpu.enqueue_dma source(%dma_start3A_8 : memref<128xi32, #tpu.memory_space<hbm>>) target(%arg5 : memref<128xi32, #tpu.memory_space<vmem>>) target_semaphore(%run_scoped3A : memref<!tpu.dma_semaphore, #tpu.memory_space<semaphore_mem>>)
      %dma_wait3A_9 = tpu.memref_slice %arg3[%mul3A_2] : memref<4096xi32, #tpu.memory_space<hbm>> -> memref<128xi32, #tpu.memory_space<hbm>>
      %dma_wait3A_10 = tpu.memref_slice %arg3[%mul3A_2] : memref<4096xi32, #tpu.memory_space<hbm>> -> memref<128xi32, #tpu.memory_space<hbm>>
      tpu.wait_dma2 semaphore(%run_scoped3A : memref<!tpu.dma_semaphore, #tpu.memory_space<semaphore_mem>>) src(%dma_wait3A_10 : memref<128xi32, #tpu.memory_space<hbm>>) dst(%arg5 : memref<128xi32, #tpu.memory_space<vmem>>)
      tpu.yield
    }) : () -> ()
    %dma_start3A = arith.constant 0 : i32
    %dma_start3A_3 = arith.constant 0 : i32
    %dma_start3A_4 = tpu.memref_slice %arg2[%dma_start3A, %dma_start3A_3] : memref<5120x128xf32, #tpu.memory_space<hbm>> -> memref<5120x128xf32, #tpu.memory_space<hbm>>
    tpu.enqueue_indirect_dma source(%dma_start3A_4 : memref<5120x128xf32, #tpu.memory_space<hbm>>) target(%arg6 : memref<128x128xf32, #tpu.memory_space<vmem>>) offsets(%arg5 : memref<128xi32, #tpu.memory_space<vmem>>) semaphore(%arg7 : memref<!tpu.dma_semaphore, #tpu.memory_space<semaphore_mem>>)
    %dma_wait3A = arith.constant 0 : i32
    %dma_wait3A_5 = arith.constant 0 : i32
    %dma_wait3A_6 = tpu.memref_slice %arg2[%dma_wait3A, %dma_wait3A_5] : memref<5120x128xf32, #tpu.memory_space<hbm>> -> memref<5120x128xf32, #tpu.memory_space<hbm>>
    tpu.wait_indirect_dma semaphore(%arg7 : memref<!tpu.dma_semaphore, #tpu.memory_space<semaphore_mem>>) src(%dma_wait3A_6 : memref<5120x128xf32, #tpu.memory_space<hbm>>) dst(%arg6 : memref<128x128xf32, #tpu.memory_space<vmem>>)
    "tpu.region"() ({
      %run_scoped3A = tpu.sem_alloc : memref<!tpu.dma_semaphore, #tpu.memory_space<semaphore_mem>>
      %dma_start3A_7 = arith.constant 0 : i32
      %dma_start3A_8 = tpu.memref_slice %arg4[%mul3A_2, %dma_start3A_7] : memref<4096x128xf32, #tpu.memory_space<hbm>> -> memref<128x128xf32, #tpu.memory_space<hbm>>
      %dma_start3A_9 = arith.constant 0 : i32
      %dma_start3A_10 = tpu.memref_slice %arg4[%mul3A_2, %dma_start3A_9] : memref<4096x128xf32, #tpu.memory_space<hbm>> -> memref<128x128xf32, #tpu.memory_space<hbm>>
      tpu.enqueue_dma source(%arg6 : memref<128x128xf32, #tpu.memory_space<vmem>>) target(%dma_start3A_10 : memref<128x128xf32, #tpu.memory_space<hbm>>) target_semaphore(%run_scoped3A : memref<!tpu.dma_semaphore, #tpu.memory_space<semaphore_mem>>)
      %dma_wait3A_11 = arith.constant 0 : i32
      %dma_wait3A_12 = tpu.memref_slice %arg4[%mul3A_2, %dma_wait3A_11] : memref<4096x128xf32, #tpu.memory_space<hbm>> -> memref<128x128xf32, #tpu.memory_space<hbm>>
      %dma_wait3A_13 = arith.constant 0 : i32
      %dma_wait3A_14 = tpu.memref_slice %arg4[%mul3A_2, %dma_wait3A_13] : memref<4096x128xf32, #tpu.memory_space<hbm>> -> memref<128x128xf32, #tpu.memory_space<hbm>>
      tpu.wait_dma2 semaphore(%run_scoped3A : memref<!tpu.dma_semaphore, #tpu.memory_space<semaphore_mem>>) src(%arg6 : memref<128x128xf32, #tpu.memory_space<vmem>>) dst(%dma_wait3A_14 : memref<128x128xf32, #tpu.memory_space<hbm>>)
      tpu.yield
    }) : () -> ()
    return
  }
}

module attributes {stable_mosaic.version = 14 : i64} {
  func.func @body(%arg0: i32, %arg1: memref<40xi32, #tpu.memory_space<smem>>, %arg2: memref<8x128x128xf32, #tpu.memory_space<vmem>>, %arg3: memref<1x1024x64xf32, #tpu.memory_space<vmem>>, %arg4: memref<1x1x64xf32, #tpu.memory_space<vmem>>, %arg5: memref<1x1024x64xf32, #tpu.memory_space<vmem>>, %arg6: memref<1x1x64xf32, #tpu.memory_space<vmem>>, %arg7: memref<128x128xf32, #tpu.memory_space<vmem>>) attributes {dimension_semantics = [#tpu.dimension_semantics<arbitrary>], iteration_bounds = array<i64: 40>, scalar_prefetch = 1 : i64, scratch_operands = 0 : i64, tpu.core_type = #tpu.core_type<tc>, window_params = [{transform_indices = @transform_0, window_bounds = array<i64: 8, 128, 128>}, {transform_indices = @transform_1, window_bounds = array<i64: 1, 1024, 64>}, {transform_indices = @transform_2, window_bounds = array<i64: 1, 1, 64>}, {transform_indices = @transform_3, window_bounds = array<i64: 1, 1024, 64>}, {transform_indices = @transform_4, window_bounds = array<i64: 1, 1, 64>}, {transform_indices = @transform_5, window_bounds = array<i64: 128, 128>}]} {
    %get3A = arith.constant 0 : index
    %get3A_0 = arith.constant 0 : index
    %get3A_1 = arith.constant 0 : index
    %get3A_2 = vector.load %arg2[%get3A, %get3A_0, %get3A_1] : memref<8x128x128xf32, #tpu.memory_space<vmem>>, vector<8x128x128xf32>
    %slice3A = vector.extract_strided_slice %get3A_2 {offsets = [0, 0, 0], sizes = [1, 128, 128], strides = [1, 1, 1]} : vector<8x128x128xf32> to vector<1x128x128xf32>
    %squeeze3A = vector.shape_cast %slice3A : vector<1x128x128xf32> to vector<128x128xf32>
    %slice3A_3 = vector.extract_strided_slice %get3A_2 {offsets = [1, 0, 0], sizes = [1, 128, 128], strides = [1, 1, 1]} : vector<8x128x128xf32> to vector<1x128x128xf32>
    %squeeze3A_4 = vector.shape_cast %slice3A_3 : vector<1x128x128xf32> to vector<128x128xf32>
    %slice3A_5 = vector.extract_strided_slice %get3A_2 {offsets = [2, 0, 0], sizes = [1, 128, 128], strides = [1, 1, 1]} : vector<8x128x128xf32> to vector<1x128x128xf32>
    %squeeze3A_6 = vector.shape_cast %slice3A_5 : vector<1x128x128xf32> to vector<128x128xf32>
    %slice3A_7 = vector.extract_strided_slice %get3A_2 {offsets = [3, 0, 0], sizes = [1, 128, 128], strides = [1, 1, 1]} : vector<8x128x128xf32> to vector<1x128x128xf32>
    %squeeze3A_8 = vector.shape_cast %slice3A_7 : vector<1x128x128xf32> to vector<128x128xf32>
    %slice3A_9 = vector.extract_strided_slice %get3A_2 {offsets = [4, 0, 0], sizes = [1, 128, 128], strides = [1, 1, 1]} : vector<8x128x128xf32> to vector<1x128x128xf32>
    %squeeze3A_10 = vector.shape_cast %slice3A_9 : vector<1x128x128xf32> to vector<128x128xf32>
    %slice3A_11 = vector.extract_strided_slice %get3A_2 {offsets = [5, 0, 0], sizes = [1, 128, 128], strides = [1, 1, 1]} : vector<8x128x128xf32> to vector<1x128x128xf32>
    %squeeze3A_12 = vector.shape_cast %slice3A_11 : vector<1x128x128xf32> to vector<128x128xf32>
    %slice3A_13 = vector.extract_strided_slice %get3A_2 {offsets = [6, 0, 0], sizes = [1, 128, 128], strides = [1, 1, 1]} : vector<8x128x128xf32> to vector<1x128x128xf32>
    %squeeze3A_14 = vector.shape_cast %slice3A_13 : vector<1x128x128xf32> to vector<128x128xf32>
    %slice3A_15 = vector.extract_strided_slice %get3A_2 {offsets = [7, 0, 0], sizes = [1, 128, 128], strides = [1, 1, 1]} : vector<8x128x128xf32> to vector<1x128x128xf32>
    %squeeze3A_16 = vector.shape_cast %slice3A_15 : vector<1x128x128xf32> to vector<128x128xf32>
    %concatenate3A = tpu.concatenate %squeeze3A, %squeeze3A_4, %squeeze3A_6, %squeeze3A_8, %squeeze3A_10, %squeeze3A_12, %squeeze3A_14, %squeeze3A_16 in 1 : vector<128x128xf32>, vector<128x128xf32>, vector<128x128xf32>, vector<128x128xf32>, vector<128x128xf32>, vector<128x128xf32>, vector<128x128xf32>, vector<128x128xf32> -> vector<128x1024xf32>
    %get3A_17 = arith.constant 0 : index
    %get3A_18 = arith.constant 0 : index
    %get3A_19 = arith.constant 0 : index
    %get3A_20 = vector.load %arg3[%get3A_17, %get3A_18, %get3A_19] : memref<1x1024x64xf32, #tpu.memory_space<vmem>>, vector<1x1024x64xf32>
    %get3A_21 = vector.shape_cast %get3A_20 : vector<1x1024x64xf32> to vector<1024x64xf32>
    %dot_general3A = arith.constant dense<0.000000e+00> : vector<128x64xf32>
    %dot_general3A_22 = tpu.matmul %concatenate3A, %get3A_21, %dot_general3A {dimension_numbers = #tpu.dot_dimension_numbers<[1], [0], [0], [1], [0, 0, 1, 1], [], []>, transpose_lhs_hint = false} : vector<128x1024xf32>, vector<1024x64xf32>, vector<128x64xf32> -> vector<128x64xf32>
    %get3A_23 = arith.constant 0 : index
    %get3A_24 = arith.constant 0 : index
    %get3A_25 = arith.constant 0 : index
    %get3A_26 = vector.load %arg5[%get3A_23, %get3A_24, %get3A_25] : memref<1x1024x64xf32, #tpu.memory_space<vmem>>, vector<1x1024x64xf32>
    %get3A_27 = vector.shape_cast %get3A_26 : vector<1x1024x64xf32> to vector<1024x64xf32>
    %dot_general3A_28 = arith.constant dense<0.000000e+00> : vector<128x64xf32>
    %dot_general3A_29 = tpu.matmul %concatenate3A, %get3A_27, %dot_general3A_28 {dimension_numbers = #tpu.dot_dimension_numbers<[1], [0], [0], [1], [0, 0, 1, 1], [], []>, transpose_lhs_hint = false} : vector<128x1024xf32>, vector<1024x64xf32>, vector<128x64xf32> -> vector<128x64xf32>
    %get3A_30 = arith.constant 0 : index
    %get3A_31 = arith.constant 0 : index
    %get3A_32 = arith.constant 0 : index
    %get3A_33 = vector.load %arg4[%get3A_30, %get3A_31, %get3A_32] : memref<1x1x64xf32, #tpu.memory_space<vmem>>, vector<1x1x64xf32>
    %get3A_34 = vector.shape_cast %get3A_33 : vector<1x1x64xf32> to vector<1x64xf32>
    %add3A = vector.broadcast %get3A_34 : vector<1x64xf32> to vector<128x64xf32>
    %add3A_35 = arith.addf %dot_general3A_22, %add3A : vector<128x64xf32>
    %get3A_36 = arith.constant 0 : index
    %get3A_37 = arith.constant 0 : index
    %get3A_38 = arith.constant 0 : index
    %get3A_39 = vector.load %arg6[%get3A_36, %get3A_37, %get3A_38] : memref<1x1x64xf32, #tpu.memory_space<vmem>>, vector<1x1x64xf32>
    %get3A_40 = vector.shape_cast %get3A_39 : vector<1x1x64xf32> to vector<1x64xf32>
    %add3A_41 = vector.broadcast %get3A_40 : vector<1x64xf32> to vector<128x64xf32>
    %add3A_42 = arith.addf %dot_general3A_29, %add3A_41 : vector<128x64xf32>
    %concatenate3A_43 = tpu.concatenate %add3A_35, %add3A_42 in 1 : vector<128x64xf32>, vector<128x64xf32> -> vector<128x128xf32>
    %swap3A = arith.constant 0 : index
    %swap3A_44 = arith.constant 0 : index
    %swap3A_45 = vector.load %arg7[%swap3A, %swap3A_44] : memref<128x128xf32, #tpu.memory_space<vmem>>, vector<128x128xf32>
    tpu.vector_store %arg7[%swap3A, %swap3A_44], %concatenate3A_43 {strides = array<i32>} : memref<128x128xf32, #tpu.memory_space<vmem>>, vector<128x128xf32>,
    return
  }
  func.func @transform_0(%arg0: i32, %arg1: memref<40xi32, #tpu.memory_space<smem>>) -> (i32, i32, i32) {
    %c0_i32 = arith.constant 0 : i32
    %c0_i32_0 = arith.constant 0 : i32
    %c0_i32_1 = arith.constant 0 : i32
    return %c0_i32, %arg0, %c0_i32_0 : i32, i32, i32
  }
  func.func @transform_1(%arg0: i32, %arg1: memref<40xi32, #tpu.memory_space<smem>>) -> (i32, i32, i32) {
    %get3A = arith.index_cast %arg0 : i32 to index
    %get3A_0 = memref.load %arg1[%get3A] : memref<40xi32, #tpu.memory_space<smem>>
    %c0_i32 = arith.constant 0 : i32
    %c0_i32_1 = arith.constant 0 : i32
    %c0_i32_2 = arith.constant 0 : i32
    return %get3A_0, %c0_i32, %c0_i32_1 : i32, i32, i32
  }
  func.func @transform_2(%arg0: i32, %arg1: memref<40xi32, #tpu.memory_space<smem>>) -> (i32, i32, i32) {
    %get3A = arith.index_cast %arg0 : i32 to index
    %get3A_0 = memref.load %arg1[%get3A] : memref<40xi32, #tpu.memory_space<smem>>
    %c0_i32 = arith.constant 0 : i32
    %c0_i32_1 = arith.constant 0 : i32
    %c0_i32_2 = arith.constant 0 : i32
    return %get3A_0, %c0_i32, %c0_i32_1 : i32, i32, i32
  }
  func.func @transform_3(%arg0: i32, %arg1: memref<40xi32, #tpu.memory_space<smem>>) -> (i32, i32, i32) {
    %get3A = arith.index_cast %arg0 : i32 to index
    %get3A_0 = memref.load %arg1[%get3A] : memref<40xi32, #tpu.memory_space<smem>>
    %c0_i32 = arith.constant 0 : i32
    %c0_i32_1 = arith.constant 0 : i32
    %c0_i32_2 = arith.constant 0 : i32
    return %get3A_0, %c0_i32, %c0_i32_1 : i32, i32, i32
  }
  func.func @transform_4(%arg0: i32, %arg1: memref<40xi32, #tpu.memory_space<smem>>) -> (i32, i32, i32) {
    %get3A = arith.index_cast %arg0 : i32 to index
    %get3A_0 = memref.load %arg1[%get3A] : memref<40xi32, #tpu.memory_space<smem>>
    %c0_i32 = arith.constant 0 : i32
    %c0_i32_1 = arith.constant 0 : i32
    %c0_i32_2 = arith.constant 0 : i32
    return %get3A_0, %c0_i32, %c0_i32_1 : i32, i32, i32
  }
  func.func @transform_5(%arg0: i32, %arg1: memref<40xi32, #tpu.memory_space<smem>>) -> (i32, i32) {
    %c0_i32 = arith.constant 0 : i32
    %c0_i32_0 = arith.constant 0 : i32
    return %arg0, %c0_i32 : i32, i32
  }
}

module attributes {stable_mosaic.version = 14 : i64} {
  func.func @body(%arg0: i32, %arg1: memref<512x128xf32, #tpu.memory_space<vmem>>, %arg2: memref<512x64xf32, #tpu.memory_space<vmem>>, %arg3: memref<512x64xf32, #tpu.memory_space<vmem>>, %arg4: memref<512x1xf32, #tpu.memory_space<vmem>>) attributes {dimension_semantics = [#tpu.dimension_semantics<arbitrary>], iteration_bounds = array<i64: 8>, scalar_prefetch = 0 : i64, scratch_operands = 0 : i64, tpu.core_type = #tpu.core_type<tc>, window_params = [{transform_indices = @transform_0, window_bounds = array<i64: 512, 128>}, {transform_indices = @transform_1, window_bounds = array<i64: 512, 64>}, {transform_indices = @transform_2, window_bounds = array<i64: 512, 64>}, {transform_indices = @transform_3, window_bounds = array<i64: 512, 1>}]} {
    %get3A = arith.constant 0 : index
    %get3A_0 = arith.constant 0 : index
    %get3A_1 = vector.load %arg1[%get3A, %get3A_0] : memref<512x128xf32, #tpu.memory_space<vmem>>, vector<512x128xf32>
    %slice3A = vector.extract_strided_slice %get3A_1 {offsets = [0, 0], sizes = [512, 64], strides = [1, 1]} : vector<512x128xf32> to vector<512x64xf32>
    %slice3A_2 = vector.extract_strided_slice %get3A_1 {offsets = [0, 64], sizes = [512, 64], strides = [1, 1]} : vector<512x128xf32> to vector<512x64xf32>
    %jit3A = arith.constant -5.000000e+00 : f32
    %jit3A_3 = arith.constant 2.000000e+00 : f32
    %max3A = vector.broadcast %jit3A : f32 to vector<512x64xf32>
    %max3A_4 = arith.maximumf %max3A, %slice3A_2 : vector<512x64xf32>
    %min3A = vector.broadcast %jit3A_3 : f32 to vector<512x64xf32>
    %min3A_5 = arith.minimumf %min3A, %max3A_4 : vector<512x64xf32>
    %get3A_6 = arith.constant 0 : index
    %get3A_7 = arith.constant 0 : index
    %get3A_8 = vector.load %arg2[%get3A_6, %get3A_7] : memref<512x64xf32, #tpu.memory_space<vmem>>, vector<512x64xf32>
    %exp3A = math.exp %min3A_5 : vector<512x64xf32>
    %mul3A = arith.mulf %exp3A, %get3A_8 : vector<512x64xf32>
    %add3A = arith.addf %slice3A, %mul3A : vector<512x64xf32>
    %swap3A = arith.constant 0 : index
    %swap3A_9 = arith.constant 0 : index
    %swap3A_10 = vector.load %arg3[%swap3A, %swap3A_9] : memref<512x64xf32, #tpu.memory_space<vmem>>, vector<512x64xf32>
    tpu.vector_store %arg3[%swap3A, %swap3A_9], %add3A {strides = array<i32>} : memref<512x64xf32, #tpu.memory_space<vmem>>, vector<512x64xf32>,
    %reduce_sum3A = arith.constant dense<0.000000e+00> : vector<512xf32>
    %reduce_sum3A_11 = vector.multi_reduction <add>, %min3A_5, %reduce_sum3A [1] : vector<512x64xf32> to vector<512xf32>
    %broadcast_in_dim3A = vector.shape_cast %reduce_sum3A_11 : vector<512xf32> to vector<512x1xf32>
    %neg3A = arith.constant 0.000000e+00 : f32
    %neg3A_12 = vector.broadcast %neg3A : f32 to vector<512x1xf32>
    %neg3A_13 = arith.subf %neg3A_12, %broadcast_in_dim3A : vector<512x1xf32>
    %mul3A_14 = arith.mulf %get3A_8, %get3A_8 : vector<512x64xf32>
    %reduce_sum3A_15 = arith.constant dense<0.000000e+00> : vector<512xf32>
    %reduce_sum3A_16 = vector.multi_reduction <add>, %mul3A_14, %reduce_sum3A_15 [1] : vector<512x64xf32> to vector<512xf32>
    %broadcast_in_dim3A_17 = vector.shape_cast %reduce_sum3A_16 : vector<512xf32> to vector<512x1xf32>
    %mul3A_18 = arith.constant 5.000000e-01 : f32
    %mul3A_19 = vector.broadcast %mul3A_18 : f32 to vector<512x1xf32>
    %mul3A_20 = arith.mulf %mul3A_19, %broadcast_in_dim3A_17 : vector<512x1xf32>
    %sub3A = arith.subf %neg3A_13, %mul3A_20 : vector<512x1xf32>
    %sub3A_21 = arith.constant 58.8120651 : f32
    %sub3A_22 = vector.broadcast %sub3A_21 : f32 to vector<512x1xf32>
    %sub3A_23 = arith.subf %sub3A, %sub3A_22 : vector<512x1xf32>
    %swap3A_24 = arith.constant 0 : index
    %swap3A_25 = arith.constant 0 : index
    %swap3A_26 = vector.load %arg4[%swap3A_24, %swap3A_25] : memref<512x1xf32, #tpu.memory_space<vmem>>, vector<512x1xf32>
    tpu.vector_store %arg4[%swap3A_24, %swap3A_25], %sub3A_23 {strides = array<i32>} : memref<512x1xf32, #tpu.memory_space<vmem>>, vector<512x1xf32>,
    return
  }
  func.func @transform_0(%arg0: i32) -> (i32, i32) {
    %c0_i32 = arith.constant 0 : i32
    %c0_i32_0 = arith.constant 0 : i32
    return %arg0, %c0_i32 : i32, i32
  }
  func.func @transform_1(%arg0: i32) -> (i32, i32) {
    %c0_i32 = arith.constant 0 : i32
    %c0_i32_0 = arith.constant 0 : i32
    return %arg0, %c0_i32 : i32, i32
  }
  func.func @transform_2(%arg0: i32) -> (i32, i32) {
    %c0_i32 = arith.constant 0 : i32
    %c0_i32_0 = arith.constant 0 : i32
    return %arg0, %c0_i32 : i32, i32
  }
  func.func @transform_3(%arg0: i32) -> (i32, i32) {
    %c0_i32 = arith.constant 0 : i32
    %c0_i32_0 = arith.constant 0 : i32
    return %arg0, %c0_i32 : i32, i32
  }
}

</mosaic_0001>

<sc_bundles>
// kernel: gather_offload_async_start
scs
__scs_entry_jumppad:
0x0: {  	(pc) =	sbr.rel $0x88, $3  }
0x1: {  	(tag) =	ssettag $0x0;
	lr =	simm.s32 $0x1  }
0x2: {  	[smem:$0x3F9B] =	sst lr;
	_ =	strace $0xD0000000  }
0x3: {  	_ = 	snop  }
0x4: {  	_ = 	snop  }
0x5: {  	_ = 	snop  }
0x6: {  	_ = 	snop  }
0x7: {  	_ = 	snop  }
__scs_overlays_trampoline_lowered:
0x8: {  	[smem:$0x3FAA] =	sst s0  }
0x9: {  	[smem:$0x3FAB] =	sst s1  }
0xa: {  	[smem:$0x3FAC] =	sst s2  }
0xb: {  	[smem:$0x3FAD] =	sst s3  }
0xc: {  	[smem:$0x3FAE] =	sst s4  }
0xd: {  	[smem:$0x3FAF] =	sst s5  }
0xe: {  	[smem:$0x3FB0] =	sst s6  }
0xf: {  	[smem:$0x3FB1] =	sst s7  }
0x10: {  	[smem:$0x3FB2] =	sst s8  }
0x11: {  	[smem:$0x3FB3] =	sst s9;
	s0 =	simm.s32 @!p0 $0x0  }
0x12: {  	s1 =	sld [smem:$0x3F99];
	s0 =	simm.s32 @p0 $0x1  }
0x13: {  	[smem:$0x3FB4] =	sst s0;
	s0 =	simm.s32 @!p1 $0x0  }
0x14: {  	s2 =	sld [smem:$0x3F98];
	s0 =	simm.s32 @p1 $0x1  }
0x15: {  	[smem:$0x3FB5] =	sst s0;
	s0 =	simm.s32 @!p2 $0x0  }
0x16: {  	s3 =	sld [smem:$0x3FDB];
	s0 =	simm.s32 @p2 $0x1  }
0x17: {  	s4 =	simm.s32 $0x1BF5;
	[smem:$0x3FB7] =	sst s0  }
0x18: {  	s0 =	sld [smem:$0x3F9A];
	_ =	swait.ge [sflag:s4], $0x0  }
0x19: {  	s7 =	sld [smem:$0x3F9B]  }
0x1a: {  	s8 =	sadd.s32 $0xFFFFE003, lr  }
0x1b: {  	s9 =	sadd.s32 $0xFFFFFEF7, lr;
	s5 =	simm.s32 $0xFFFFFFFF;
	p2 =	slt.u32 s8, $0xFFFFF086  }
0x1c: {  	p1 =	slt.u32 s9, $0xF7A;
	s5 =	simm.s32 @!p2 $0x0  }
0x1d: {  	s5 =	simm.s32 @p1 $0x1;
	p0 =	seq.s32 s7, s2  }
0x1e: {  	s7 =	smul.u32 @!p0 $0xF7A, s2;
	p2 =	seq.s32 @!p0 s5, $0x0  }
0x1f: {  	s9 =	smul.u32 $0xF7A, s1;
	s8 =	simm.s32 @!p0 $0x1BF5;
	p2 =	por !p2, p0  }
0x20: {  	[sflag:s8] =	ssyncset.s32 @!p0 $0xFFFFF086;
	s6 =	sadd.s32 @!p0 s3, s7;
	s7 =	simm.s32 @!p0 $0x108  }
0x21: {  	s3 =	sadd.s32 s3, s9;
	s6 =	sadd.s32 @!p0 $0x88, s6;
	s7 =	simm.s32 @p2 $0x1082  }
0x22: {  	[simem:s7], [sflag:s8] =	dma.local @!p0 [hbm:s6], $0xF7A  }
0x23: {  	s9 =	sor.u32 $0xD0000000, s2;
	s6 =	simm.s32 $0x108;
	_ =	swait.ge @!p0 [sflag:s8], $0x0  }
0x24: {  	s3 =	sadd.s32 $0x88, s3;
	s6 =	simm.s32 @!p1 $0x1082;
	[sflag:s4] =	ssyncset.s32 $0xFFFFF086  }
0x25: {  	[simem:s6], [sflag:s4] =	dma.local [hbm:s3], $0xF7A  }
0x26: {  	[smem:$0x3F9B] =	sst s1;
	(tag) =	ssettag s2;
	_ =	strace s9  }
0x27: {  	s1 =	sld [smem:$0x3FAB]  }
0x28: {  	s2 =	sld [smem:$0x3FAC]  }
0x29: {  	s4 =	sld [smem:$0x3FAE]  }
0x2a: {  	p0 =	seq.s32 s5, $0x0;
	s5 =	sld [smem:$0x3FAF]  }
0x2b: {  	s6 =	sld [smem:$0x3FB0]  }
0x2c: {  	s7 =	sld [smem:$0x3FB1]  }
0x2d: {  	s3 =	simm.s32 $0x108;
	s8 =	sld [smem:$0x3FB2]  }
0x2e: {  	s3 =	simm.s32 @!p0 $0x1082;
	s9 =	sld [smem:$0x3FB3]  }
0x2f: {  	lr =	sadd.s32 s0, s3;
	s0 =	sld [smem:$0x3FAA]  }
0x30: {  	s3 =	sld [smem:$0x3FAD]  }
0x31: {  	[smem:$0x3FB6] =	sst s10  }
0x32: {  	s10 =	sld [smem:$0x3FB4];
	_ =	sdelay $0x3  }
0x33: {  	p0 =	seq.s32 s10, $0x1;
	s10 =	sld [smem:$0x3FB6];
	_ =	sdelay $0x3  }
0x34: {  	[smem:$0x3FB6] =	sst s10  }
0x35: {  	s10 =	sld [smem:$0x3FB5];
	_ =	sdelay $0x3  }
0x36: {  	p1 =	seq.s32 s10, $0x1;
	s10 =	sld [smem:$0x3FB6];
	_ =	sdelay $0x3  }
0x37: {  	[smem:$0x3FB6] =	sst s10  }
0x38: {  	s10 =	sld [smem:$0x3FB7]  }
0x39: {  	_ = 	snop;
	(pc) =	sbr.ind lr, $3  }
0x3a: {  	_ = 	snop  }
0x3b: {  	_ = 	snop  }
0x3c: {  	p2 =	seq.s32 s10, $0x1;
	s10 =	sld [smem:$0x3FB6]  }
0x3d: {  	_ =	shalt  }
0x3e: {  	_ =	shalt  }
0x3f: {  	_ =	shalt  }
0x40: {  	_ =	shalt  }
0x41: {  	_ =	shalt  }
0x42: {  	_ =	shalt  }
0x43: {  	_ =	shalt  }
0x44: {  	_ =	shalt  }
0x45: {  	_ =	shalt  }
0x46: {  	_ =	shalt  }
0x47: {  	_ =	shalt  }
0x48: {  	_ =	shalt  }
0x49: {  	_ =	shalt  }
0x4a: {  	_ =	shalt  }
0x4b: {  	_ =	shalt  }
0x4c: {  	_ =	shalt  }
0x4d: {  	_ =	shalt  }
0x4e: {  	_ =	shalt  }
0x4f: {  	_ =	shalt  }
0x50: {  	_ =	shalt  }
0x51: {  	_ =	shalt  }
0x52: {  	_ =	shalt  }
0x53: {  	_ =	shalt  }
0x54: {  	_ =	shalt  }
0x55: {  	_ =	shalt  }
0x56: {  	_ =	shalt  }
0x57: {  	_ =	shalt  }
0x58: {  	_ =	shalt  }
0x59: {  	_ =	shalt  }
0x5a: {  	_ =	shalt  }
0x5b: {  	_ =	shalt  }
0x5c: {  	_ =	shalt  }
0x5d: {  	_ =	shalt  }
0x5e: {  	_ =	shalt  }
0x5f: {  	_ =	shalt  }
0x60: {  	_ =	shalt  }
0x61: {  	_ =	shalt  }
0x62: {  	_ =	shalt  }
0x63: {  	_ =	shalt  }
0x64: {  	_ =	shalt  }
0x65: {  	_ =	shalt  }
0x66: {  	_ =	shalt  }
0x67: {  	_ =	shalt  }
0x68: {  	_ =	shalt  }
0x69: {  	_ =	shalt  }
0x6a: {  	_ =	shalt  }
0x6b: {  	_ =	shalt  }
0x6c: {  	_ =	shalt  }
0x6d: {  	_ =	shalt  }
0x6e: {  	_ =	shalt  }
0x6f: {  	_ =	shalt  }
0x70: {  	_ =	shalt  }
0x71: {  	_ =	shalt  }
0x72: {  	_ =	shalt  }
0x73: {  	_ =	shalt  }
0x74: {  	_ =	shalt  }
0x75: {  	_ =	shalt  }
0x76: {  	_ =	shalt  }
0x77: {  	_ =	shalt  }
0x78: {  	_ =	shalt  }
0x79: {  	_ =	shalt  }
0x7a: {  	_ =	shalt  }
0x7b: {  	_ =	shalt  }
0x7c: {  	_ =	shalt  }
0x7d: {  	_ =	shalt  }
0x7e: {  	_ =	shalt  }
0x7f: {  	_ =	shalt  }
0x80: {  	_ =	shalt  }
0x81: {  	_ =	shalt  }
0x82: {  	_ =	shalt  }
0x83: {  	_ =	shalt  }
0x84: {  	_ =	shalt  }
0x85: {  	_ =	shalt  }
0x86: {  	_ =	shalt  }
0x87: {  	_ =	shalt  }
.Lfunc_end0:
.L_simem_size_0:
called_computation_lowered:
.L_overlay_start_0:
0x88: {  	s2 =	sld [smem:$0x3FD9]  }
0x89: {  	s3 =	sld [smem:$0x3FFE];
	_ =	sdelay $0x1  }
0x8a: {  	s1 =	srdreg.scid  }
0x8b: {  	s0 =	sand.u32 $0x1, s1  }
0x8c: {  	s14 =	sshll.u32 s0, $0xA;
	s2 =	sadd.s32 s3, s2  }
0x8d: {  	s2 =	sadd.s32 s2, s14  }
0x8e: {  	[smem:$0x3FC2] =	sst s2  }
0x8f: {  	_ = 	snop  }
0x90: {  	s2 =	sld [smem:$0x3FD0];
	_ =	sdelay $0x2  }
0x91: {  	s15 =	simm.s32 $0xA;
	s4 =	simm.s32 $0x10  }
0x92: {  	[smem:s4], [sflag:s15] =	dma.local [hbm:s2], $0x1  }
0x93: {  	_ =	swait.eq [sflag:s15], $0x1  }
0x94: {  	[sflag:s15] =	ssyncset.done $0x0  }
0x95: {  	s16 =	sld [smem:$0x10];
	[sflag:s15] =	ssyncadd.s32 $0xFFFFFFFF  }
0x96: {  	s17 =	sld [smem:$0x11];
	(tm) =	ssettm $0x1  }
0x97: {  	s18 =	sld [smem:$0x3FFB];
	_ =	sdelay $0x3  }
0x98: {  	_ =	strace s18  }
0x99: {  	s4 =	sld [smem:$0x3FFC];
	_ =	sdelay $0x3  }
0x9a: {  	_ =	strace s4  }
0x9b: {  	s4 =	sld [smem:$0x3FFD];
	_ =	sdelay $0x3  }
0x9c: {  	_ =	strace s4  }
0x9d: {  	_ =	strace $0x8FFFFFFF  }
0x9e: {  	s19 =	sld [smem:$0x3FDB];
	_ =	sdelay $0x1  }
0x9f: {  	s5 =	simm.s32 $_scs_section_size  }
0xa0: {  	s6 =	simm.s32 $_size__tile_overlayer_lowered;
	s7 =	simm.s32 $_tile_overlayer_lowered  }
0xa1: {  	s22 =	simm.s32 $0x1BFF;
	s21 =	sshll.u32 s7, $0x1;
	s4 =	sadd.s32 s5, s19  }
0xa2: {  	s8 =	simm.s32 $0x0;
	s20 =	sshll.u32 s6, $0x1;
	s6 =	sadd.s32 s21, s4  }
0xa3: {  	[timem:s8], [sflag:s22] =	dma.local [hbm:s6], s20  }
0xa4: {  	_ =	swait.ge [sflag:s22], s20  }
0xa5: {  	s5 =	ssub.s32 $0x0, s20;
	[sflag:s22] =	ssyncset.done $0x0  }
0xa6: {  	[sflag:s22] =	ssyncadd.s32 s5;
	_ =	sdelay $0x1  }
0xa7: {  	s23 =	simm.s32 $0x1B8B  }
0xa8: {  	_ =	swait.ge [sflag:s23], $0x1  }
0xa9: {  	[sflag:s23] =	ssyncset.done $0x0  }
0xaa: {  	s25 =	simm.s32 $0x1B8E;
	s24 =	sld [smem:$0x3FFE];
	[sflag:s23] =	ssyncadd.s32 $0xFFFFFFFF  }
0xab: {  	s26 =	simm.s32 $execute0_lowered;
	[smem:$0x3FD2] =	sst s25  }
0xac: {  	s6 =	sshll.u32 s26, $0x1;
	_ =	strace $0x80000046;
	[dreg:$0x1] =	wrdreg $0xFFFFFFFF  }
0xad: {  	s28 =	simm.s32 $_size_execute0_lowered;
	s4 =	sadd.s32 s4, s6;
	[dreg:$0x0] =	wrdreg $0x0  }
0xae: {  	s6 =	sshll.u32 s28, $0x1;
	[dreg:$0x2] =	wrdreg s4  }
0xaf: {  	[dreg:$0x3] =	wrdreg s6  }
0xb0: {  	[dreg:$0x4] =	wrdreg $0xC0  }
0xb1: {  	_ =	task [dreg:s8], $0x5FFFF  }
0xb2: {  	[dreg:$0x1] =	wrdreg $0xFFFFFFFF  }
0xb3: {  	[dreg:$0x0] =	wrdreg $0x60  }
0xb4: {  	[dreg:$0x2] =	wrdreg s16  }
0xb5: {  	[dreg:$0x3] =	wrdreg s17  }
0xb6: {  	[dreg:$0x4] =	wrdreg s24  }
0xb7: {  	[dreg:$0x5] =	wrdreg $0x9  }
0xb8: {  	_ =	task.clear_ibuf [dreg:s8], $0x6FFFF;
	_ =	strace $0x90000046  }
0xb9: {  	s29 =	simm.s32 $0x9;
	_ =	strace $0x80000048  }
0xba: {  	_ =	swait.ge [sflag:s29], $0x1  }
0xbb: {  	[sflag:s29] =	ssyncadd.s32 $0xFFFFFFFF  }
0xbc: {  	_ =	strace $0x90000048  }
0xbd: {  	_ =	sfence  }
0xbe: {  	s30 =	sld [smem:$0x0];
	_ =	sdelay $0x2  }
0xbf: {  	s31 =	sshll.u32 s1, $0xD;
	s1 =	sshrl.u32 s1, $0x2  }
0xc0: {  	s3 =	sand.u32 $0x4000, s31;
	s1 =	sadd.s32 s1, s30  }
0xc1: {  	s0 =	sor.u32 s3, s0;
	s1 =	sshll.u32 s1, $0x11  }
0xc2: {  	s0 =	sor.u32 s1, s0  }
0xc3: {  	s0 =	sadd.s32 $0x8F2B, s0  }
0xc4: {  	[sflag:s0] =	ssyncadd.remote.s32 $0x1  }
0xc5: {  	_ =	sfence.sel $0xFFFF  }
0xc6: {  	[dreg:$0x0] =	wrdreg $0xFFFFFFFF;
	(pc) =	sbr.abs _section_cstart, $3  }
0xc7: {  	[dreg:$0x1] =	wrdreg $0xFFFFFFFF  }
0xc8: {  	_ =	task.clear_ibuf [dreg:s8], $0x2FFFF;
	_ =	strace $0x9FFFFFFF  }
0xc9: {  	(tm) =	ssettm $0x7FFFFFFF  }
tec
execute0_lowered:
.L_overlay_start_1:
0x0: {  	(tag) =	ssettag $0x1  }
0x1: {  	s2 =	rddreg [dreg:$0x0]  }
0x2: {  	s1 =	srdreg.scid;
	s3 =	rddreg [dreg:$0x1]  }
0x3: {  	s0 =	stileid.u32;
	s5 =	rddreg [dreg:$0x2]  }
0x4: {  	s9 =	simm.s32 $0x1;
	s10 =	simm.s32 $0x3;
	s1 =	sshll.u32 s1, $0x6  }
0x5: {  	s13 =	simm.s32 $0x0;
	s4 =	sshll.u32 s0, $0x7;
	s6 =	sand.u32 $0x40, s1  }
0x6: {  	s12 =	simm.s32 $0x0;
	s5 =	sadd.s32 $0x1000, s5;
	s4 =	sor.u32 s4, s6  }
0x7: {  	s1 =	rddreg [dreg:$0x3];
	_ =	strace $0x80000047;
	s8 =	ssub.s32 $0x1000, s4  }
.Ltmp0:
0x8: {  	s6 =	simm.s32 $0x1;
	s7 =	sand.u32 $0x7C0, s8;
	(pc) =	sbr.rel .LBB2_1-.Ltmp0, $4  }
0x9: {  	[sflag:s6] =	ssyncpa.u1 $0x0;
	s11 =	smov.u32 s4;
	p0 =	sne.s32 s7, $0x0  }
0xa: {  	s8 =	sshrl.u32 s8, $0xB;
	s7 =	simm.s32 $0x2;
	s9 =	simm.s32 @!p0 $0x0  }
0xb: {  	[sflag:s7] =	ssyncpa.u1 $0x0;
	p0 =	por $0x0, $0x0;
	s8 =	sadd.s32 s9, s8  }
0xc: {  	vm0 =	vmmov $0xffff;
	[sflag:s10] =	ssyncpa.u1 $0x0;
	s10 =	simm.s32 $0x0;
	s9 =	sadd.s32 $0x1, s8  }
.LBB2_4:
0xd: {  	v1 =	vsel vm1, $0xFFFFFFFF, v1;
	v2 =	vand.u32 $0x7, v2  }
0xe: {  	v2 =	vsel vm1, $0xFFFFFFFF, v2;
	v3 =	vshll.u32 v1, $0x3  }
0xf: {  	v4 =	vand.u32 $0xFFFF8000, v2;
	v3 =	vand.u32 $0xFFFFFC00, v3;
	v2 =	vshll.u32 v2, $0x7  }
0x10: {  	v3 =	vadd.s32 v3, v4;
	v2 =	vand.u32 $0x380, v2  }
0x11: {  	v1 =	vand.u32 $0x7F, v1;
	v2 =	vor.u32 v2, v3  }
0x12: {  	v1 =	vor.u32 v1, v2;
	_ =	sdelay $0x1  }
0x13: {  	(ifvalue) =	ssetifvalue $0x7FFFFFFF;
	s15 =	sadd.s32 $0x10, s15  }
0x14: {  	[tilespmem:s15], [sflag:$0x1] =	stream.indirect_vreg.gather [hbm4b:s2+s10], $0x1, v0, vm0, $0x4038;
	[tilespmem:$0x100] =	vst v63  }
0x15: {  	(ifvalue) =	ssetifvalue $0x7FFFFFFF;
	s15 =	sadd.s32 $0x10, s15  }
0x16: {  	[tilespmem:s15], [sflag:$0x1] =	stream.indirect_vreg.gather [hbm4b:s2+s10], $0x1, v1, vm0, $0x4038;
	[tilespmem:$0x100] =	vst v63  }
0x17: {  	_ =	swait.ge [sflag:s6], $0x40  }
0x18: {  	s30 =	sshrl.u32 s13, $0x3;
	[sflag:s6] =	ssyncset.done $0x0  }
0x19: {  	s31 =	sand.u32 $0x7, s13;
	s15 =	sadd.s32 s5, s30;
	[sflag:s6] =	ssyncadd.s32 $0xFFFFFFC0  }
0x1a: {  	[hbm4b:s15+s31] =	stream.linear.scatter [tilespmem:s14], [sflag:$0x3], $0x40, $0x38;
	[tilespmem:$0x100] =	vst v63  }
.LBB2_5:
0x1b: {  	s15 =	sadd.s32 $0x800, s11  }
0x1c: {  	p2 =	sgt.s32 s15, $0xFFF  }
0x1d: {  	s15 =	smov.u32 @p2 s4;
	p2 =	sne.s32 s12, s9  }
.Ltmp1:
0x1e: {  	p1 =	slt.u32 s12, $0x2;
	(pc) =	sbr.rel @!p2 .LBB2_6-.Ltmp1, $4  }
0x1f: {  	s14 =	simm.s32 @!p1 $0x3  }
0x20: {  	s16 =	sadd.s32 $0x1, s12;
	_ =	swait.ge @!p1 [sflag:s14], $0x40  }
0x21: {  	s13 =	smov.u32 s11;
	p0 =	por !p0, !p0;
	[sflag:s14] =	ssyncset.done @!p1 $0x0  }
0x22: {  	s12 =	smov.u32 s16;
	s11 =	smov.u32 s15;
	[sflag:s14] =	ssyncadd.s32 @!p1 $0xFFFFFFC0  }
.LBB2_1:
0x23: {  	p1 =	sge.u32 s12, s8  }
0x24: {  	s14 =	sxor.u32 @!p1 $0xFFFFFFFF, s12  }
0x25: {  	s31 =	sadd.s32 $0xFFFFFFFF, s12;
	s15 =	sshrl.u32 @!p1 s11, $0x3;
	s14 =	sshll.u32 @!p1 s14, $0x6  }
0x26: {  	s16 =	sand.u32 @!p1 $0x7, s11;
	s15 =	sadd.s32 @!p1 s3, s15;
	s14 =	sand.u32 @!p1 $0x40, s14  }
0x27: {  	[tilespmem:s14], [sflag:$0x2] =	stream.linear.gather @!p1 [hbm4b:s15+s16], $0x40, $0x38;
	[tilespmem:$0x100] =	vst v63  }
0x28: {  	p1 =	sge.u32 s31, s8  }
.Ltmp2:
0x29: {  	_ = 	snop;
	(pc) =	sbr.rel @p1 .LBB2_5-.Ltmp2, $1  }
0x2a: {  	_ =	sdelay $0x3  }
0x2b: {  	s14 =	simm.s32 $0x1  }
0x2c: {  	_ =	swait.ge [sflag:s7], $0x40;
	s14 =	simm.s32 @!p0 $0x0  }
0x2d: {  	[sflag:s7] =	ssyncset.done $0x0;
	s14 =	sshll.u32 s14, $0x6  }
0x2e: {  	[sflag:s7] =	ssyncadd.s32 $0xFFFFFFC0;
	(ifvalue) =	ssetifvalue $0x7FFFFFFF;
	v0 =	vld.msk [tilespmem:s14+$0x0 ss:$0x1], $0xffff;
	_ =	sdelay $0x3  }
0x2f: {  	s15 =	sadd.s32 $0x10, s14  }
0x30: {  	v2 =	vld.msk [tilespmem:s15+$0x0 ss:$0x1], $0xffff;
	vm1 =	veq.s32 v0, $0x80000000;
	v1 =	vand.u32 $0xFFF, v0;
	v0 =	vshrl.u32 v0, $0xC  }
0x31: {  	v1 =	vsel vm1, $0xFFFFFFFF, v1;
	v0 =	vand.u32 $0x7, v0  }
0x32: {  	v0 =	vsel vm1, $0xFFFFFFFF, v0;
	v3 =	vshll.u32 v1, $0x3  }
0x33: {  	v4 =	vand.u32 $0xFFFF8000, v0;
	v3 =	vand.u32 $0xFFFFFC00, v3;
	v0 =	vshll.u32 v0, $0x7  }
0x34: {  	v3 =	vadd.s32 v3, v4;
	v0 =	vand.u32 $0x380, v0  }
0x35: {  	v1 =	vand.u32 $0x7F, v1;
	vm1 =	veq.s32 v2, $0x80000000;
	v0 =	vor.u32 v0, v3  }
0x36: {  	v0 =	vor.u32 v1, v0;
	v1 =	vand.u32 $0xFFF, v2;
	v2 =	vshrl.u32 v2, $0xC  }
0x37: {  	s17 =	sadd.s32 $0x10, s15;
	v1 =	vsel vm1, $0xFFFFFFFF, v1;
	v2 =	vand.u32 $0x7, v2  }
0x38: {  	v3 =	vld.msk [tilespmem:s17+$0x0 ss:$0x1], $0xffff;
	v2 =	vsel vm1, $0xFFFFFFFF, v2;
	v63 =	vshll.u32 v1, $0x3  }
0x39: {  	v5 =	vand.u32 $0xFFFF8000, v2;
	v4 =	vand.u32 $0xFFFFFC00, v63;
	v2 =	vshll.u32 v2, $0x7  }
0x3a: {  	s31 =	sshll.u32 s12, $0x6;
	s15 =	sor.u32 $0x80, s14;
	(ifvalue) =	ssetifvalue $0x7FFFFFFF;
	v4 =	vadd.s32 v4, v5;
	v2 =	vand.u32 $0x380, v2  }
0x3b: {  	[tilespmem:s15], [sflag:$0x1] =	stream.indirect_vreg.gather [hbm4b:s2+s10], $0x1, v0, vm0, $0x4038;
	v0 =	vand.u32 $0x7F, v1;
	v1 =	vor.u32 v2, v4;
	[tilespmem:$0x100] =	vst v63  }
0x3c: {  	s14 =	sand.u32 $0x40, s31;
	v0 =	vor.u32 v0, v1  }
0x3d: {  	s16 =	simm.s32 $0x20;
	s14 =	sor.u32 $0x80, s14;
	s17 =	sadd.s32 $0x10, s17;
	vm1 =	veq.s32 v3, $0x80000000;
	v2 =	vshrl.u32 v3, $0xC;
	v1 =	vand.u32 $0xFFF, v3  }
.LBB2_3:
0x3e: {  	v3 =	vld.msk [tilespmem:s17+$0x0 ss:$0x1], $0xffff;
	s16 =	sadd.s32 $0x10, s16;
	v1 =	vsel vm1, $0xFFFFFFFF, v1;
	v2 =	vand.u32 $0x7, v2  }
0x3f: {  	p1 =	slt.u32 s16, $0x30;
	v2 =	vsel vm1, $0xFFFFFFFF, v2;
	v4 =	vshll.u32 v1, $0x3  }
.Ltmp3:
0x40: {  	s15 =	sadd.s32 $0x10, s15;
	v5 =	vand.u32 $0xFFFF8000, v2;
	v4 =	vand.u32 $0xFFFFFC00, v4;
	v2 =	vshll.u32 v2, $0x7;
	(ifvalue) =	ssetifvalue $0x7FFFFFFF;
	(pc) =	sbr.rel @p1 .LBB2_3-.Ltmp3, $4  }
0x41: {  	v4 =	vadd.s32 v4, v5;
	v2 =	vand.u32 $0x380, v2;
	[tilespmem:s15], [sflag:$0x1] =	stream.indirect_vreg.gather [hbm4b:s2+s10], $0x1, v0, vm0, $0x4038;
	[tilespmem:$0x100] =	vst v63  }
0x42: {  	v0 =	vand.u32 $0x7F, v1;
	v1 =	vor.u32 v2, v4  }
0x43: {  	v0 =	vor.u32 v0, v1  }
0x44: {  	s17 =	sadd.s32 $0x10, s17;
	vm1 =	veq.s32 v3, $0x80000000;
	v1 =	vand.u32 $0xFFF, v3;
	v2 =	vshrl.u32 v3, $0xC  }
.Ltmp4:
0x45: {  	_ = 	snop;
	(pc) =	sbr.rel .LBB2_4-.Ltmp4, $1  }
0x46: {  	_ =	sdelay $0x3  }
.LBB2_6:
0x47: {  	_ =	sfence.sel $0x180000  }
0x48: {  	s2 =	simm.s32 $0x2;
	[bflag:$0x0] =	sbarrier.arrive $0xFFFF  }
0x49: {  	s30 =	simm.s32 $0x3;
	[sflag:s2] =	ssyncpa.u1 $0x1  }
0x4a: {  	s31 =	simm.s32 $0x1;
	[sflag:s30] =	ssyncpa.u1 $0x1  }
0x4b: {  	[sflag:s31] =	ssyncpa.u1 $0x1  }
0x4c: {  	p0 =	sne.s32 s0, $0x0;
	_ =	strace $0x90000047  }
0x4d: {  	s0 =	sadd.s32 @!p0 $0x100000, s1;
	[bflag:$0x2] =	sbarrier.arrive $0xFFFF  }
0x4e: {  	[sflag:s0] =	ssyncadd.tile.s32 @!p0 $0x1;
	_ =	shalt  }
.Lfunc_end2:
_tile_overlayer_lowered:
.L_overlay_start_2:
0x4f: {  	(tag) =	ssettag $0x2  }
0x50: {  	s0 =	rddreg [dreg:$0x0];
	s2 =	stileid.u32  }
0x51: {  	s1 =	rddreg [dreg:$0x1];
	p0 =	sne.s32 s2, $0x0  }
0x52: {  	s3 =	rddreg [dreg:$0x2];
	[bflag:$0x3] =	sbarrier.arrive $0xFFFF;
	s2 =	simm.s32 @!p0 $0x1C01  }
0x53: {  	[timem:s3], [sflag:s2] =	dma.local @!p0 [hbm:s0], s1  }
0x54: {  	s0 =	simm.s32 @!p0 $0x1  }
0x55: {  	_ =	swait.ge @!p0 [sflag:s0], s1  }
0x56: {  	s1 =	ssub.s32 @!p0 $0x0, s1;
	[sflag:s0] =	ssyncset.done @!p0 $0x0  }
0x57: {  	[sflag:s0] =	ssyncadd.s32 @!p0 s1  }
0x58: {  	[bflag:$0x3] =	sbarrier.arrive $0xFFFF  }
0x59: {  	_ =	shalt  }

// kernel: kernel.6.cloned.1.call-start
scs
__scs_entry_jumppad:
0x0: {  	(pc) =	sbr.rel $0x88, $3  }
0x1: {  	(tag) =	ssettag $0x0;
	lr =	simm.s32 $0x1  }
0x2: {  	[smem:$0x3F9B] =	sst lr;
	_ =	strace $0xD0000000  }
0x3: {  	_ = 	snop  }
0x4: {  	_ = 	snop  }
0x5: {  	_ = 	snop  }
0x6: {  	_ = 	snop  }
0x7: {  	_ = 	snop  }
__scs_overlays_trampoline_lowered:
0x8: {  	[smem:$0x3FAA] =	sst s0  }
0x9: {  	[smem:$0x3FAB] =	sst s1  }
0xa: {  	[smem:$0x3FAC] =	sst s2  }
0xb: {  	[smem:$0x3FAD] =	sst s3  }
0xc: {  	[smem:$0x3FAE] =	sst s4  }
0xd: {  	[smem:$0x3FAF] =	sst s5  }
0xe: {  	[smem:$0x3FB0] =	sst s6  }
0xf: {  	[smem:$0x3FB1] =	sst s7  }
0x10: {  	[smem:$0x3FB2] =	sst s8  }
0x11: {  	[smem:$0x3FB3] =	sst s9;
	s0 =	simm.s32 @!p0 $0x0  }
0x12: {  	s1 =	sld [smem:$0x3F99];
	s0 =	simm.s32 @p0 $0x1  }
0x13: {  	[smem:$0x3FB4] =	sst s0;
	s0 =	simm.s32 @!p1 $0x0  }
0x14: {  	s2 =	sld [smem:$0x3F98];
	s0 =	simm.s32 @p1 $0x1  }
0x15: {  	[smem:$0x3FB5] =	sst s0;
	s0 =	simm.s32 @!p2 $0x0  }
0x16: {  	s3 =	sld [smem:$0x3FDB];
	s0 =	simm.s32 @p2 $0x1  }
0x17: {  	s4 =	simm.s32 $0x1BF5;
	[smem:$0x3FB7] =	sst s0  }
0x18: {  	s0 =	sld [smem:$0x3F9A];
	_ =	swait.ge [sflag:s4], $0x0  }
0x19: {  	s7 =	sld [smem:$0x3F9B]  }
0x1a: {  	s8 =	sadd.s32 $0xFFFFE003, lr  }
0x1b: {  	s9 =	sadd.s32 $0xFFFFFEF7, lr;
	s5 =	simm.s32 $0xFFFFFFFF;
	p2 =	slt.u32 s8, $0xFFFFF086  }
0x1c: {  	p1 =	slt.u32 s9, $0xF7A;
	s5 =	simm.s32 @!p2 $0x0  }
0x1d: {  	s5 =	simm.s32 @p1 $0x1;
	p0 =	seq.s32 s7, s2  }
0x1e: {  	s7 =	smul.u32 @!p0 $0xF7A, s2;
	p2 =	seq.s32 @!p0 s5, $0x0  }
0x1f: {  	s9 =	smul.u32 $0xF7A, s1;
	s8 =	simm.s32 @!p0 $0x1BF5;
	p2 =	por !p2, p0  }
0x20: {  	[sflag:s8] =	ssyncset.s32 @!p0 $0xFFFFF086;
	s6 =	sadd.s32 @!p0 s3, s7;
	s7 =	simm.s32 @!p0 $0x108  }
0x21: {  	s3 =	sadd.s32 s3, s9;
	s6 =	sadd.s32 @!p0 $0x88, s6;
	s7 =	simm.s32 @p2 $0x1082  }
0x22: {  	[simem:s7], [sflag:s8] =	dma.local @!p0 [hbm:s6], $0xF7A  }
0x23: {  	s9 =	sor.u32 $0xD0000000, s2;
	s6 =	simm.s32 $0x108;
	_ =	swait.ge @!p0 [sflag:s8], $0x0  }
0x24: {  	s3 =	sadd.s32 $0x88, s3;
	s6 =	simm.s32 @!p1 $0x1082;
	[sflag:s4] =	ssyncset.s32 $0xFFFFF086  }
0x25: {  	[simem:s6], [sflag:s4] =	dma.local [hbm:s3], $0xF7A  }
0x26: {  	[smem:$0x3F9B] =	sst s1;
	(tag) =	ssettag s2;
	_ =	strace s9  }
0x27: {  	s1 =	sld [smem:$0x3FAB]  }
0x28: {  	s2 =	sld [smem:$0x3FAC]  }
0x29: {  	s4 =	sld [smem:$0x3FAE]  }
0x2a: {  	p0 =	seq.s32 s5, $0x0;
	s5 =	sld [smem:$0x3FAF]  }
0x2b: {  	s6 =	sld [smem:$0x3FB0]  }
0x2c: {  	s7 =	sld [smem:$0x3FB1]  }
0x2d: {  	s3 =	simm.s32 $0x108;
	s8 =	sld [smem:$0x3FB2]  }
0x2e: {  	s3 =	simm.s32 @!p0 $0x1082;
	s9 =	sld [smem:$0x3FB3]  }
0x2f: {  	lr =	sadd.s32 s0, s3;
	s0 =	sld [smem:$0x3FAA]  }
0x30: {  	s3 =	sld [smem:$0x3FAD]  }
0x31: {  	[smem:$0x3FB6] =	sst s10  }
0x32: {  	s10 =	sld [smem:$0x3FB4];
	_ =	sdelay $0x3  }
0x33: {  	p0 =	seq.s32 s10, $0x1;
	s10 =	sld [smem:$0x3FB6];
	_ =	sdelay $0x3  }
0x34: {  	[smem:$0x3FB6] =	sst s10  }
0x35: {  	s10 =	sld [smem:$0x3FB5];
	_ =	sdelay $0x3  }
0x36: {  	p1 =	seq.s32 s10, $0x1;
	s10 =	sld [smem:$0x3FB6];
	_ =	sdelay $0x3  }
0x37: {  	[smem:$0x3FB6] =	sst s10  }
0x38: {  	s10 =	sld [smem:$0x3FB7]  }
0x39: {  	_ = 	snop;
	(pc) =	sbr.ind lr, $3  }
0x3a: {  	_ = 	snop  }
0x3b: {  	_ = 	snop  }
0x3c: {  	p2 =	seq.s32 s10, $0x1;
	s10 =	sld [smem:$0x3FB6]  }
0x3d: {  	_ =	shalt  }
0x3e: {  	_ =	shalt  }
0x3f: {  	_ =	shalt  }
0x40: {  	_ =	shalt  }
0x41: {  	_ =	shalt  }
0x42: {  	_ =	shalt  }
0x43: {  	_ =	shalt  }
0x44: {  	_ =	shalt  }
0x45: {  	_ =	shalt  }
0x46: {  	_ =	shalt  }
0x47: {  	_ =	shalt  }
0x48: {  	_ =	shalt  }
0x49: {  	_ =	shalt  }
0x4a: {  	_ =	shalt  }
0x4b: {  	_ =	shalt  }
0x4c: {  	_ =	shalt  }
0x4d: {  	_ =	shalt  }
0x4e: {  	_ =	shalt  }
0x4f: {  	_ =	shalt  }
0x50: {  	_ =	shalt  }
0x51: {  	_ =	shalt  }
0x52: {  	_ =	shalt  }
0x53: {  	_ =	shalt  }
0x54: {  	_ =	shalt  }
0x55: {  	_ =	shalt  }
0x56: {  	_ =	shalt  }
0x57: {  	_ =	shalt  }
0x58: {  	_ =	shalt  }
0x59: {  	_ =	shalt  }
0x5a: {  	_ =	shalt  }
0x5b: {  	_ =	shalt  }
0x5c: {  	_ =	shalt  }
0x5d: {  	_ =	shalt  }
0x5e: {  	_ =	shalt  }
0x5f: {  	_ =	shalt  }
0x60: {  	_ =	shalt  }
0x61: {  	_ =	shalt  }
0x62: {  	_ =	shalt  }
0x63: {  	_ =	shalt  }
0x64: {  	_ =	shalt  }
0x65: {  	_ =	shalt  }
0x66: {  	_ =	shalt  }
0x67: {  	_ =	shalt  }
0x68: {  	_ =	shalt  }
0x69: {  	_ =	shalt  }
0x6a: {  	_ =	shalt  }
0x6b: {  	_ =	shalt  }
0x6c: {  	_ =	shalt  }
0x6d: {  	_ =	shalt  }
0x6e: {  	_ =	shalt  }
0x6f: {  	_ =	shalt  }
0x70: {  	_ =	shalt  }
0x71: {  	_ =	shalt  }
0x72: {  	_ =	shalt  }
0x73: {  	_ =	shalt  }
0x74: {  	_ =	shalt  }
0x75: {  	_ =	shalt  }
0x76: {  	_ =	shalt  }
0x77: {  	_ =	shalt  }
0x78: {  	_ =	shalt  }
0x79: {  	_ =	shalt  }
0x7a: {  	_ =	shalt  }
0x7b: {  	_ =	shalt  }
0x7c: {  	_ =	shalt  }
0x7d: {  	_ =	shalt  }
0x7e: {  	_ =	shalt  }
0x7f: {  	_ =	shalt  }
0x80: {  	_ =	shalt  }
0x81: {  	_ =	shalt  }
0x82: {  	_ =	shalt  }
0x83: {  	_ =	shalt  }
0x84: {  	_ =	shalt  }
0x85: {  	_ =	shalt  }
0x86: {  	_ =	shalt  }
0x87: {  	_ =	shalt  }
.Lfunc_end0:
.L_simem_size_0:
called_computation.1_lowered:
.L_overlay_start_0:
0x88: {  	s2 =	sld [smem:$0x3FD9]  }
0x89: {  	s3 =	sld [smem:$0x3FFE];
	_ =	sdelay $0x1  }
0x8a: {  	s1 =	srdreg.scid  }
0x8b: {  	s0 =	sand.u32 $0x1, s1  }
0x8c: {  	s14 =	sshll.u32 s0, $0xA;
	s2 =	sadd.s32 s3, s2  }
0x8d: {  	s2 =	sadd.s32 s2, s14  }
0x8e: {  	[smem:$0x3FC2] =	sst s2  }
0x8f: {  	_ = 	snop  }
0x90: {  	s2 =	sld [smem:$0x3FD0];
	_ =	sdelay $0x2  }
0x91: {  	s15 =	simm.s32 $0xA;
	s4 =	simm.s32 $0x10  }
0x92: {  	[smem:s4], [sflag:s15] =	dma.local [hbm:s2], $0x1  }
0x93: {  	_ =	swait.eq [sflag:s15], $0x1  }
0x94: {  	[sflag:s15] =	ssyncset.done $0x0  }
0x95: {  	[sflag:s15] =	ssyncadd.s32 $0xFFFFFFFF  }
0x96: {  	s16 =	sld [smem:$0x10];
	(tm) =	ssettm $0x1  }
0x97: {  	s17 =	sld [smem:$0x3FFB];
	_ =	sdelay $0x3  }
0x98: {  	_ =	strace s17  }
0x99: {  	s3 =	sld [smem:$0x3FFC];
	_ =	sdelay $0x3  }
0x9a: {  	_ =	strace s3  }
0x9b: {  	s3 =	sld [smem:$0x3FFD];
	_ =	sdelay $0x3  }
0x9c: {  	_ =	strace s3  }
0x9d: {  	_ =	strace $0x8FFFFFFF  }
0x9e: {  	s18 =	sld [smem:$0x3FDB];
	_ =	sdelay $0x1  }
0x9f: {  	s19 =	simm.s32 $_scs_section_size  }
0xa0: {  	s5 =	simm.s32 $_size__tile_overlayer_lowered;
	s6 =	simm.s32 $_tile_overlayer_lowered  }
0xa1: {  	s22 =	simm.s32 $0x1BFF;
	s21 =	sshll.u32 s6, $0x1;
	s3 =	sadd.s32 s19, s18  }
0xa2: {  	s7 =	simm.s32 $0x0;
	s20 =	sshll.u32 s5, $0x1;
	s5 =	sadd.s32 s21, s3  }
0xa3: {  	[timem:s7], [sflag:s22] =	dma.local [hbm:s5], s20  }
0xa4: {  	_ =	swait.ge [sflag:s22], s20  }
0xa5: {  	s4 =	ssub.s32 $0x0, s20;
	[sflag:s22] =	ssyncset.done $0x0  }
0xa6: {  	[sflag:s22] =	ssyncadd.s32 s4;
	_ =	sdelay $0x1  }
0xa7: {  	s23 =	simm.s32 $0x1B8B  }
0xa8: {  	_ =	swait.ge [sflag:s23], $0x1  }
0xa9: {  	[sflag:s23] =	ssyncset.done $0x0  }
0xaa: {  	s25 =	simm.s32 $0x1B8E;
	s24 =	sld [smem:$0x3FFE];
	[sflag:s23] =	ssyncadd.s32 $0xFFFFFFFF  }
0xab: {  	s26 =	simm.s32 $execute0_lowered;
	[smem:$0x3FD2] =	sst s25  }
0xac: {  	s5 =	sshll.u32 s26, $0x1;
	_ =	strace $0x80000049;
	[dreg:$0x1] =	wrdreg $0xFFFFFFFF  }
0xad: {  	s28 =	simm.s32 $_size_execute0_lowered;
	s3 =	sadd.s32 s3, s5;
	[dreg:$0x0] =	wrdreg $0x0  }
0xae: {  	s5 =	sshll.u32 s28, $0x1;
	[dreg:$0x2] =	wrdreg s3  }
0xaf: {  	[dreg:$0x3] =	wrdreg s5  }
0xb0: {  	[dreg:$0x4] =	wrdreg $0xC0  }
0xb1: {  	_ =	task [dreg:s7], $0x5FFFF  }
0xb2: {  	[dreg:$0x1] =	wrdreg $0xFFFFFFFF  }
0xb3: {  	[dreg:$0x0] =	wrdreg $0x60  }
0xb4: {  	[dreg:$0x2] =	wrdreg s24  }
0xb5: {  	[dreg:$0x3] =	wrdreg s16  }
0xb6: {  	[dreg:$0x4] =	wrdreg $0x9  }
0xb7: {  	_ =	task.clear_ibuf [dreg:s7], $0x5FFFF;
	_ =	strace $0x90000049  }
0xb8: {  	s29 =	simm.s32 $0x9;
	_ =	strace $0x8000004B  }
0xb9: {  	_ =	swait.ge [sflag:s29], $0x1  }
0xba: {  	[sflag:s29] =	ssyncadd.s32 $0xFFFFFFFF  }
0xbb: {  	_ =	strace $0x9000004B  }
0xbc: {  	_ =	sfence  }
0xbd: {  	s30 =	sld [smem:$0x0];
	_ =	sdelay $0x2  }
0xbe: {  	s31 =	sshll.u32 s1, $0xD;
	s1 =	sshrl.u32 s1, $0x2  }
0xbf: {  	s3 =	sand.u32 $0x4000, s31;
	s1 =	sadd.s32 s1, s30  }
0xc0: {  	s0 =	sor.u32 s3, s0;
	s1 =	sshll.u32 s1, $0x11  }
0xc1: {  	s0 =	sor.u32 s1, s0  }
0xc2: {  	s0 =	sadd.s32 $0x8F2B, s0  }
0xc3: {  	[sflag:s0] =	ssyncadd.remote.s32 $0x1  }
0xc4: {  	_ =	sfence.sel $0xFFFF  }
0xc5: {  	[dreg:$0x0] =	wrdreg $0xFFFFFFFF;
	(pc) =	sbr.abs _section_cstart, $3  }
0xc6: {  	[dreg:$0x1] =	wrdreg $0xFFFFFFFF  }
0xc7: {  	_ =	task.clear_ibuf [dreg:s7], $0x2FFFF;
	_ =	strace $0x9FFFFFFF  }
0xc8: {  	(tm) =	ssettm $0x7FFFFFFF  }
0xc9: {  	_ =	shalt  }
tec
execute0_lowered:
.L_overlay_start_1:
0x0: {  	(tag) =	ssettag $0x1  }
0x1: {  	s1 =	srdreg.scid;
	s2 =	stileid.u32  }
0x2: {  	s0 =	rddreg [dreg:$0x0];
	s1 =	sand.u32 $0x1, s1;
	s4 =	sshll.u32 s2, $0x1  }
0x3: {  	s3 =	rddreg [dreg:$0x1];
	s4 =	sor.u32 s1, s4  }
0x4: {  	s2 =	simm.s32 $0x0;
	s7 =	sadd.s32 $0x1200, s0;
	s5 =	smul.u32 $0x5000, s4  }
0x5: {  	[smem:$0x7FF] =	sst s2;
	s1 =	ssub.s32 $0x2, s1;
	s4 =	smul.u32 $0x14, s4  }
0x6: {  	_ =	strace $0x8000004A;
	s6 =	sshrl.u32 s1, $0x1;
	[dreg:$0x3] =	wrdreg s7  }
0x7: {  	s15 =	ssub.s32 s1, s6;
	s5 =	sshrl.u32 s5, $0x3;
	s31 =	sadd.s32 s3, s4  }
0x8: {  	s15 =	smax.u32 s15, $0x1;
	s14 =	sadd.s32 s5, s0;
	[dreg:$0x4] =	wrdreg s31  }
0x9: {  	[smem:$0x7FC] =	sst s15;
	s1 =	sadd.s32 $0xA9200, s14  }
0xa: {  	s3 =	sadd.s32 $0xD1200, s14;
	[dreg:$0x7] =	wrdreg s1  }
0xb: {  	s4 =	sadd.s32 $0xF9200, s14;
	[dreg:$0x9] =	wrdreg s3  }
0xc: {  	s5 =	sadd.s32 $0x81400, s14;
	[dreg:$0xb] =	wrdreg s4  }
0xd: {  	s6 =	sadd.s32 $0xA9400, s14;
	[dreg:$0xd] =	wrdreg s5  }
0xe: {  	s7 =	sadd.s32 $0xD1400, s14;
	[dreg:$0xf] =	wrdreg s6  }
0xf: {  	s8 =	sadd.s32 $0xF9400, s14;
	[dreg:$0x11] =	wrdreg s7  }
0x10: {  	s9 =	sadd.s32 $0x81600, s14;
	[dreg:$0x13] =	wrdreg s8  }
0x11: {  	s10 =	sadd.s32 $0xA9600, s14;
	[dreg:$0x15] =	wrdreg s9  }
0x12: {  	s11 =	sadd.s32 $0xD1600, s14;
	[dreg:$0x17] =	wrdreg s10  }
0x13: {  	s12 =	sadd.s32 $0xF9600, s14;
	[dreg:$0x19] =	wrdreg s11  }
0x14: {  	s13 =	sadd.s32 $0x81800, s14;
	[dreg:$0x1b] =	wrdreg s12  }
0x15: {  	s17 =	sadd.s32 $0xA9800, s14;
	[dreg:$0x1d] =	wrdreg s13  }
0x16: {  	s16 =	sadd.s32 $0x81200, s14;
	[dreg:$0x1f] =	wrdreg s17  }
0x17: {  	s19 =	sadd.s32 $0x95200, s14;
	[dreg:$0x5] =	wrdreg s16  }
0x18: {  	s20 =	sadd.s32 $0xBD200, s14;
	[dreg:$0x6] =	wrdreg s19  }
0x19: {  	s21 =	sadd.s32 $0xE5200, s14;
	[dreg:$0x8] =	wrdreg s20  }
0x1a: {  	s22 =	sadd.s32 $0x10D200, s14;
	s23 =	sadd.s32 $0x95400, s14;
	[dreg:$0xa] =	wrdreg s21  }
0x1b: {  	s24 =	sadd.s32 $0xBD400, s14;
	s25 =	sadd.s32 $0xE5400, s14;
	[dreg:$0xc] =	wrdreg s22  }
0x1c: {  	s26 =	sadd.s32 $0x10D400, s14;
	s28 =	sadd.s32 $0x95600, s14;
	[dreg:$0xe] =	wrdreg s23  }
0x1d: {  	s29 =	sadd.s32 $0xBD600, s14;
	s30 =	sadd.s32 $0xE5600, s14;
	[dreg:$0x10] =	wrdreg s24  }
0x1e: {  	s31 =	sadd.s32 $0x10D600, s14;
	s18 =	sadd.s32 $0xBD800, s14;
	[dreg:$0x12] =	wrdreg s25  }
0x1f: {  	s1 =	sadd.s32 $0x95800, s14;
	s4 =	sadd.s32 $0xD1800, s14;
	[dreg:$0x14] =	wrdreg s26  }
0x20: {  	s3 =	sadd.s32 $0xE5800, s14;
	s5 =	sadd.s32 $0xF9800, s14;
	[dreg:$0x16] =	wrdreg s28  }
0x21: {  	s6 =	sadd.s32 $0x10D800, s14;
	s7 =	sadd.s32 $0x81A00, s14;
	[dreg:$0x18] =	wrdreg s29  }
0x22: {  	s8 =	sadd.s32 $0x95A00, s14;
	s9 =	sadd.s32 $0xA9A00, s14;
	[dreg:$0x1a] =	wrdreg s30  }
0x23: {  	s10 =	sadd.s32 $0xBDA00, s14;
	s11 =	sadd.s32 $0xD1A00, s14;
	[dreg:$0x1c] =	wrdreg s31  }
0x24: {  	s12 =	sadd.s32 $0xE5A00, s14;
	s13 =	sadd.s32 $0xF9A00, s14;
	[smem:$0x7FD] =	sst s18  }
0x25: {  	s14 =	sadd.s32 $0x10DA00, s14;
	s17 =	simm.s32 $0x0;
	[dreg:$0x1e] =	wrdreg s1  }
.LBB2_1:
0x26: {  	[smem:$0x7FB] =	sst s17  }
0x27: {  	s15 =	rddreg [dreg:$0x4];
	s25 =	simm.s32 $0x4  }
0x28: {  	[tilespmem:s2], [sflag:$0x4] =	stream.linear.gather [hbm4b:s15+s2], $0xA0, $0x38;
	[tilespmem:$0x18100] =	vst v63  }
0x29: {  	_ =	swait.ge [sflag:s25], $0xA0  }
0x2a: {  	s28 =	simm.s32 $0x20;
	[sflag:s25] =	ssyncset.done $0x0  }
0x2b: {  	s18 =	simm.s32 $0x100;
	s26 =	rddreg [dreg:$0x3];
	[sflag:s25] =	ssyncadd.s32 $0xFFFFFF60  }
0x2c: {  	[tilespmem:s18], [sflag:$0x1] =	stream.indirect.gather [hbm4b:s26+s28], $0x400, s2, s28, $0xb8;
	[tilespmem:$0x18100] =	vst v63  }
0x2d: {  	s29 =	simm.s32 $0x8100  }
0x2e: {  	[tilespmem:s29], [sflag:$0x2] =	stream.indirect.gather [hbm4b:s26+s28], $0x400, s28, s28, $0xb8;
	[tilespmem:$0x18100] =	vst v63  }
0x2f: {  	s30 =	simm.s32 $0x40;
	s19 =	simm.s32 $0x10100;
	s31 =	simm.s32 $0x1  }
0x30: {  	[tilespmem:s19], [sflag:$0x3] =	stream.indirect.gather [hbm4b:s26+s28], $0x400, s30, s28, $0xb8;
	[tilespmem:$0x18100] =	vst v63  }
0x31: {  	s17 =	simm.s32 $0x100;
	_ =	swait.ge [sflag:s31], $0x8000  }
0x32: {  	s15 =	simm.s32 $0x10;
	s18 =	sadd.s32 $0x0, s16;
	[sflag:s31] =	ssyncset.done $0x0  }
0x33: {  	s19 =	smov.u32 s16;
	s16 =	simm.s32 $0x500;
	[sflag:s31] =	ssyncadd.s32 $0xFFFF8000  }
.LBB2_2:
0x34: {  	[hbm4b:s18+s2] =	stream.linear.scatter [tilespmem:s17], [sflag:$0x1], $0x80, $0x38;
	[tilespmem:$0x18100] =	vst v63  }
0x35: {  	s18 =	smov.u32 s15;
	s17 =	smov.u32 s16;
	p0 =	sne.s32 s15, $0x1F0  }
.Ltmp0:
0x36: {  	s15 =	sadd.s32 $0x10, s15;
	(pc) =	sbr.rel @p0 .LBB2_2-.Ltmp0, $2  }
0x37: {  	_ =	sdelay $0x2  }
0x38: {  	s16 =	sadd.s32 $0x400, s16;
	s18 =	sadd.s32 s18, s19  }
0x39: {  	[hbm4b:s18+s2] =	stream.linear.scatter [tilespmem:s17], [sflag:$0x1], $0x80, $0x38;
	[tilespmem:$0x18100] =	vst v63  }
0x3a: {  	s15 =	simm.s32 $0x180;
	s19 =	rddreg [dreg:$0x6]  }
0x3b: {  	s16 =	simm.s32 $0x10;
	s17 =	simm.s32 $0x580;
	s18 =	sadd.s32 $0x0, s19  }
.LBB2_4:
0x3c: {  	[hbm4b:s18+s2] =	stream.linear.scatter [tilespmem:s15], [sflag:$0x1], $0x80, $0x38;
	[tilespmem:$0x18100] =	vst v63  }
0x3d: {  	s18 =	smov.u32 s16;
	s15 =	smov.u32 s17;
	p0 =	sne.s32 s16, $0x1F0  }
.Ltmp1:
0x3e: {  	s16 =	sadd.s32 $0x10, s16;
	(pc) =	sbr.rel @p0 .LBB2_4-.Ltmp1, $2  }
0x3f: {  	_ =	sdelay $0x2  }
0x40: {  	s17 =	sadd.s32 $0x400, s17;
	s18 =	sadd.s32 s18, s19  }
0x41: {  	[hbm4b:s18+s2] =	stream.linear.scatter [tilespmem:s15], [sflag:$0x1], $0x80, $0x38;
	[tilespmem:$0x18100] =	vst v63  }
0x42: {  	s15 =	simm.s32 $0x200;
	s20 =	rddreg [dreg:$0x7]  }
0x43: {  	s16 =	simm.s32 $0x10;
	s17 =	simm.s32 $0x600;
	s18 =	sadd.s32 $0x0, s20  }
.LBB2_6:
0x44: {  	[hbm4b:s18+s2] =	stream.linear.scatter [tilespmem:s15], [sflag:$0x1], $0x80, $0x38;
	[tilespmem:$0x18100] =	vst v63  }
0x45: {  	s18 =	smov.u32 s16;
	s15 =	smov.u32 s17;
	p0 =	sne.s32 s16, $0x1F0  }
.Ltmp2:
0x46: {  	s16 =	sadd.s32 $0x10, s16;
	(pc) =	sbr.rel @p0 .LBB2_6-.Ltmp2, $2  }
0x47: {  	_ =	sdelay $0x2  }
0x48: {  	s17 =	sadd.s32 $0x400, s17;
	s18 =	sadd.s32 s18, s20  }
0x49: {  	[hbm4b:s18+s2] =	stream.linear.scatter [tilespmem:s15], [sflag:$0x1], $0x80, $0x38;
	[tilespmem:$0x18100] =	vst v63  }
0x4a: {  	s15 =	simm.s32 $0x280;
	s20 =	rddreg [dreg:$0x8]  }
0x4b: {  	s16 =	simm.s32 $0x10;
	s17 =	simm.s32 $0x680;
	s18 =	sadd.s32 $0x0, s20  }
.LBB2_8:
0x4c: {  	[hbm4b:s18+s2] =	stream.linear.scatter [tilespmem:s15], [sflag:$0x1], $0x80, $0x38;
	[tilespmem:$0x18100] =	vst v63  }
0x4d: {  	s18 =	smov.u32 s16;
	s15 =	smov.u32 s17;
	p0 =	sne.s32 s16, $0x1F0  }
.Ltmp3:
0x4e: {  	s16 =	sadd.s32 $0x10, s16;
	(pc) =	sbr.rel @p0 .LBB2_8-.Ltmp3, $2  }
0x4f: {  	_ =	sdelay $0x2  }
0x50: {  	s17 =	sadd.s32 $0x400, s17;
	s18 =	sadd.s32 s18, s20  }
0x51: {  	[hbm4b:s18+s2] =	stream.linear.scatter [tilespmem:s15], [sflag:$0x1], $0x80, $0x38;
	[tilespmem:$0x18100] =	vst v63  }
0x52: {  	s15 =	simm.s32 $0x300;
	s21 =	rddreg [dreg:$0x9]  }
0x53: {  	s16 =	simm.s32 $0x10;
	s17 =	simm.s32 $0x700;
	s18 =	sadd.s32 $0x0, s21  }
.LBB2_10:
0x54: {  	[hbm4b:s18+s2] =	stream.linear.scatter [tilespmem:s15], [sflag:$0x1], $0x80, $0x38;
	[tilespmem:$0x18100] =	vst v63  }
0x55: {  	s18 =	smov.u32 s16;
	s15 =	smov.u32 s17;
	p0 =	sne.s32 s16, $0x1F0  }
.Ltmp4:
0x56: {  	s16 =	sadd.s32 $0x10, s16;
	(pc) =	sbr.rel @p0 .LBB2_10-.Ltmp4, $2  }
0x57: {  	_ =	sdelay $0x2  }
0x58: {  	s17 =	sadd.s32 $0x400, s17;
	s18 =	sadd.s32 s18, s21  }
0x59: {  	[hbm4b:s18+s2] =	stream.linear.scatter [tilespmem:s15], [sflag:$0x1], $0x80, $0x38;
	[tilespmem:$0x18100] =	vst v63  }
0x5a: {  	s15 =	simm.s32 $0x380;
	s21 =	rddreg [dreg:$0xa]  }
0x5b: {  	s16 =	simm.s32 $0x10;
	s17 =	simm.s32 $0x780;
	s18 =	sadd.s32 $0x0, s21  }
.LBB2_12:
0x5c: {  	[hbm4b:s18+s2] =	stream.linear.scatter [tilespmem:s15], [sflag:$0x1], $0x80, $0x38;
	[tilespmem:$0x18100] =	vst v63  }
0x5d: {  	s18 =	smov.u32 s16;
	s15 =	smov.u32 s17;
	p0 =	sne.s32 s16, $0x1F0  }
.Ltmp5:
0x5e: {  	s16 =	sadd.s32 $0x10, s16;
	(pc) =	sbr.rel @p0 .LBB2_12-.Ltmp5, $2  }
0x5f: {  	_ =	sdelay $0x2  }
0x60: {  	s17 =	sadd.s32 $0x400, s17;
	s18 =	sadd.s32 s18, s21  }
0x61: {  	[hbm4b:s18+s2] =	stream.linear.scatter [tilespmem:s15], [sflag:$0x1], $0x80, $0x38;
	[tilespmem:$0x18100] =	vst v63  }
0x62: {  	s15 =	simm.s32 $0x400;
	s22 =	rddreg [dreg:$0xb]  }
0x63: {  	s16 =	simm.s32 $0x10;
	s17 =	simm.s32 $0x800;
	s18 =	sadd.s32 $0x0, s22  }
.LBB2_14:
0x64: {  	[hbm4b:s18+s2] =	stream.linear.scatter [tilespmem:s15], [sflag:$0x1], $0x80, $0x38;
	[tilespmem:$0x18100] =	vst v63  }
0x65: {  	s18 =	smov.u32 s16;
	s15 =	smov.u32 s17;
	p0 =	sne.s32 s16, $0x1F0  }
.Ltmp6:
0x66: {  	s16 =	sadd.s32 $0x10, s16;
	(pc) =	sbr.rel @p0 .LBB2_14-.Ltmp6, $2  }
0x67: {  	_ =	sdelay $0x2  }
0x68: {  	s17 =	sadd.s32 $0x400, s17;
	s18 =	sadd.s32 s18, s22  }
0x69: {  	[hbm4b:s18+s2] =	stream.linear.scatter [tilespmem:s15], [sflag:$0x1], $0x80, $0x38;
	[tilespmem:$0x18100] =	vst v63  }
0x6a: {  	s15 =	simm.s32 $0x480;
	s22 =	rddreg [dreg:$0xc]  }
0x6b: {  	s16 =	simm.s32 $0x10;
	s17 =	simm.s32 $0x880;
	s18 =	sadd.s32 $0x0, s22  }
.LBB2_16:
0x6c: {  	[hbm4b:s18+s2] =	stream.linear.scatter [tilespmem:s15], [sflag:$0x1], $0x80, $0x38;
	[tilespmem:$0x18100] =	vst v63  }
0x6d: {  	s18 =	smov.u32 s16;
	s15 =	smov.u32 s17;
	p0 =	sne.s32 s16, $0x1F0  }
.Ltmp7:
0x6e: {  	s16 =	sadd.s32 $0x10, s16;
	(pc) =	sbr.rel @p0 .LBB2_16-.Ltmp7, $2  }
0x6f: {  	_ =	sdelay $0x2  }
0x70: {  	s17 =	sadd.s32 $0x400, s17;
	s18 =	sadd.s32 s18, s22  }
0x71: {  	[hbm4b:s18+s2] =	stream.linear.scatter [tilespmem:s15], [sflag:$0x1], $0x80, $0x38;
	[tilespmem:$0x18100] =	vst v63  }
0x72: {  	s28 =	simm.s32 $0x1  }
0x73: {  	_ =	swait.ge [sflag:s28], $0x1000  }
0x74: {  	[sflag:s28] =	ssyncset.done $0x0  }
0x75: {  	[sflag:s28] =	ssyncadd.s32 $0xFFFFF000  }
0x76: {  	_ =	swait.ge [sflag:s28], $0x1000  }
0x77: {  	[sflag:s28] =	ssyncset.done $0x0  }
0x78: {  	[sflag:s28] =	ssyncadd.s32 $0xFFFFF000  }
0x79: {  	_ =	swait.ge [sflag:s28], $0x1000  }
0x7a: {  	[sflag:s28] =	ssyncset.done $0x0  }
0x7b: {  	[sflag:s28] =	ssyncadd.s32 $0xFFFFF000  }
0x7c: {  	_ =	swait.ge [sflag:s28], $0x1000  }
0x7d: {  	[sflag:s28] =	ssyncset.done $0x0  }
0x7e: {  	[sflag:s28] =	ssyncadd.s32 $0xFFFFF000  }
0x7f: {  	_ =	swait.ge [sflag:s28], $0x1000  }
0x80: {  	[sflag:s28] =	ssyncset.done $0x0  }
0x81: {  	[sflag:s28] =	ssyncadd.s32 $0xFFFFF000  }
0x82: {  	_ =	swait.ge [sflag:s28], $0x1000  }
0x83: {  	[sflag:s28] =	ssyncset.done $0x0  }
0x84: {  	[sflag:s28] =	ssyncadd.s32 $0xFFFFF000  }
0x85: {  	_ =	swait.ge [sflag:s28], $0x1000  }
0x86: {  	[sflag:s28] =	ssyncset.done $0x0  }
0x87: {  	[sflag:s28] =	ssyncadd.s32 $0xFFFFF000  }
0x88: {  	s16 =	simm.s32 $0x20;
	_ =	swait.ge [sflag:s28], $0x1000  }
0x89: {  	s17 =	simm.s32 $0x60;
	s30 =	simm.s32 $0x100;
	[sflag:s28] =	ssyncset.done $0x0  }
0x8a: {  	s31 =	simm.s32 $0x2;
	s29 =	rddreg [dreg:$0x3];
	[sflag:s28] =	ssyncadd.s32 $0xFFFFF000  }
0x8b: {  	[tilespmem:s30], [sflag:$0x1] =	stream.indirect.gather [hbm4b:s29+s16], $0x400, s17, s16, $0xb8;
	[tilespmem:$0x18100] =	vst v63  }
0x8c: {  	s15 =	simm.s32 $0x8100;
	_ =	swait.ge [sflag:s31], $0x8000  }
0x8d: {  	s16 =	simm.s32 $0x10;
	[sflag:s31] =	ssyncset.done $0x0;
	s23 =	rddreg [dreg:$0xd]  }
0x8e: {  	s17 =	simm.s32 $0x8500;
	[sflag:s31] =	ssyncadd.s32 $0xFFFF8000;
	s18 =	sadd.s32 $0x0, s23  }
.LBB2_18:
0x8f: {  	[hbm4b:s18+s2] =	stream.linear.scatter [tilespmem:s15], [sflag:$0x2], $0x80, $0x38;
	[tilespmem:$0x18100] =	vst v63  }
0x90: {  	s18 =	smov.u32 s16;
	s15 =	smov.u32 s17;
	p0 =	sne.s32 s16, $0x1F0  }
.Ltmp8:
0x91: {  	s16 =	sadd.s32 $0x10, s16;
	(pc) =	sbr.rel @p0 .LBB2_18-.Ltmp8, $2  }
0x92: {  	_ =	sdelay $0x2  }
0x93: {  	s17 =	sadd.s32 $0x400, s17;
	s18 =	sadd.s32 s18, s23  }
0x94: {  	[hbm4b:s18+s2] =	stream.linear.scatter [tilespmem:s15], [sflag:$0x2], $0x80, $0x38;
	[tilespmem:$0x18100] =	vst v63  }
0x95: {  	s15 =	simm.s32 $0x8180;
	s23 =	rddreg [dreg:$0xe]  }
0x96: {  	s16 =	simm.s32 $0x10;
	s17 =	simm.s32 $0x8580;
	s18 =	sadd.s32 $0x0, s23  }
.LBB2_20:
0x97: {  	[hbm4b:s18+s2] =	stream.linear.scatter [tilespmem:s15], [sflag:$0x2], $0x80, $0x38;
	[tilespmem:$0x18100] =	vst v63  }
0x98: {  	s18 =	smov.u32 s16;
	s15 =	smov.u32 s17;
	p0 =	sne.s32 s16, $0x1F0  }
.Ltmp9:
0x99: {  	s16 =	sadd.s32 $0x10, s16;
	(pc) =	sbr.rel @p0 .LBB2_20-.Ltmp9, $2  }
0x9a: {  	_ =	sdelay $0x2  }
0x9b: {  	s17 =	sadd.s32 $0x400, s17;
	s18 =	sadd.s32 s18, s23  }
0x9c: {  	[hbm4b:s18+s2] =	stream.linear.scatter [tilespmem:s15], [sflag:$0x2], $0x80, $0x38;
	[tilespmem:$0x18100] =	vst v63  }
0x9d: {  	s15 =	simm.s32 $0x8200;
	s24 =	rddreg [dreg:$0xf]  }
0x9e: {  	s16 =	simm.s32 $0x10;
	s17 =	simm.s32 $0x8600;
	s18 =	sadd.s32 $0x0, s24  }
.LBB2_22:
0x9f: {  	[hbm4b:s18+s2] =	stream.linear.scatter [tilespmem:s15], [sflag:$0x2], $0x80, $0x38;
	[tilespmem:$0x18100] =	vst v63  }
0xa0: {  	s18 =	smov.u32 s16;
	s15 =	smov.u32 s17;
	p0 =	sne.s32 s16, $0x1F0  }
.Ltmp10:
0xa1: {  	s16 =	sadd.s32 $0x10, s16;
	(pc) =	sbr.rel @p0 .LBB2_22-.Ltmp10, $2  }
0xa2: {  	_ =	sdelay $0x2  }
0xa3: {  	s17 =	sadd.s32 $0x400, s17;
	s18 =	sadd.s32 s18, s24  }
0xa4: {  	[hbm4b:s18+s2] =	stream.linear.scatter [tilespmem:s15], [sflag:$0x2], $0x80, $0x38;
	[tilespmem:$0x18100] =	vst v63  }
0xa5: {  	s15 =	simm.s32 $0x8280;
	s24 =	rddreg [dreg:$0x10]  }
0xa6: {  	s16 =	simm.s32 $0x10;
	s17 =	simm.s32 $0x8680;
	s18 =	sadd.s32 $0x0, s24  }
.LBB2_24:
0xa7: {  	[hbm4b:s18+s2] =	stream.linear.scatter [tilespmem:s15], [sflag:$0x2], $0x80, $0x38;
	[tilespmem:$0x18100] =	vst v63  }
0xa8: {  	s18 =	smov.u32 s16;
	s15 =	smov.u32 s17;
	p0 =	sne.s32 s16, $0x1F0  }
.Ltmp11:
0xa9: {  	s16 =	sadd.s32 $0x10, s16;
	(pc) =	sbr.rel @p0 .LBB2_24-.Ltmp11, $2  }
0xaa: {  	_ =	sdelay $0x2  }
0xab: {  	s17 =	sadd.s32 $0x400, s17;
	s18 =	sadd.s32 s18, s24  }
0xac: {  	[hbm4b:s18+s2] =	stream.linear.scatter [tilespmem:s15], [sflag:$0x2], $0x80, $0x38;
	[tilespmem:$0x18100] =	vst v63  }
0xad: {  	s15 =	simm.s32 $0x8300;
	s25 =	rddreg [dreg:$0x11]  }
0xae: {  	s16 =	simm.s32 $0x10;
	s17 =	simm.s32 $0x8700;
	s18 =	sadd.s32 $0x0, s25  }
.LBB2_26:
0xaf: {  	[hbm4b:s18+s2] =	stream.linear.scatter [tilespmem:s15], [sflag:$0x2], $0x80, $0x38;
	[tilespmem:$0x18100] =	vst v63  }
0xb0: {  	s18 =	smov.u32 s16;
	s15 =	smov.u32 s17;
	p0 =	sne.s32 s16, $0x1F0  }
.Ltmp12:
0xb1: {  	s16 =	sadd.s32 $0x10, s16;
	(pc) =	sbr.rel @p0 .LBB2_26-.Ltmp12, $2  }
0xb2: {  	_ =	sdelay $0x2  }
0xb3: {  	s17 =	sadd.s32 $0x400, s17;
	s18 =	sadd.s32 s18, s25  }
0xb4: {  	[hbm4b:s18+s2] =	stream.linear.scatter [tilespmem:s15], [sflag:$0x2], $0x80, $0x38;
	[tilespmem:$0x18100] =	vst v63  }
0xb5: {  	s15 =	simm.s32 $0x8380;
	s25 =	rddreg [dreg:$0x12]  }
0xb6: {  	s16 =	simm.s32 $0x10;
	s17 =	simm.s32 $0x8780;
	s18 =	sadd.s32 $0x0, s25  }
.LBB2_28:
0xb7: {  	[hbm4b:s18+s2] =	stream.linear.scatter [tilespmem:s15], [sflag:$0x2], $0x80, $0x38;
	[tilespmem:$0x18100] =	vst v63  }
0xb8: {  	s18 =	smov.u32 s16;
	s15 =	smov.u32 s17;
	p0 =	sne.s32 s16, $0x1F0  }
.Ltmp13:
0xb9: {  	s16 =	sadd.s32 $0x10, s16;
	(pc) =	sbr.rel @p0 .LBB2_28-.Ltmp13, $2  }
0xba: {  	_ =	sdelay $0x2  }
0xbb: {  	s17 =	sadd.s32 $0x400, s17;
	s18 =	sadd.s32 s18, s25  }
0xbc: {  	[hbm4b:s18+s2] =	stream.linear.scatter [tilespmem:s15], [sflag:$0x2], $0x80, $0x38;
	[tilespmem:$0x18100] =	vst v63  }
0xbd: {  	s15 =	simm.s32 $0x8400;
	s26 =	rddreg [dreg:$0x13]  }
0xbe: {  	s16 =	simm.s32 $0x10;
	s17 =	simm.s32 $0x8800;
	s18 =	sadd.s32 $0x0, s26  }
.LBB2_30:
0xbf: {  	[hbm4b:s18+s2] =	stream.linear.scatter [tilespmem:s15], [sflag:$0x2], $0x80, $0x38;
	[tilespmem:$0x18100] =	vst v63  }
0xc0: {  	s18 =	smov.u32 s16;
	s15 =	smov.u32 s17;
	p0 =	sne.s32 s16, $0x1F0  }
.Ltmp14:
0xc1: {  	s16 =	sadd.s32 $0x10, s16;
	(pc) =	sbr.rel @p0 .LBB2_30-.Ltmp14, $2  }
0xc2: {  	_ =	sdelay $0x2  }
0xc3: {  	s17 =	sadd.s32 $0x400, s17;
	s18 =	sadd.s32 s18, s26  }
0xc4: {  	[hbm4b:s18+s2] =	stream.linear.scatter [tilespmem:s15], [sflag:$0x2], $0x80, $0x38;
	[tilespmem:$0x18100] =	vst v63  }
0xc5: {  	s15 =	simm.s32 $0x8480;
	s26 =	rddreg [dreg:$0x14]  }
0xc6: {  	s16 =	simm.s32 $0x10;
	s17 =	simm.s32 $0x8880;
	s18 =	sadd.s32 $0x0, s26  }
.LBB2_32:
0xc7: {  	[hbm4b:s18+s2] =	stream.linear.scatter [tilespmem:s15], [sflag:$0x2], $0x80, $0x38;
	[tilespmem:$0x18100] =	vst v63  }
0xc8: {  	s18 =	smov.u32 s16;
	s15 =	smov.u32 s17;
	p0 =	sne.s32 s16, $0x1F0  }
.Ltmp15:
0xc9: {  	s16 =	sadd.s32 $0x10, s16;
	(pc) =	sbr.rel @p0 .LBB2_32-.Ltmp15, $2  }
0xca: {  	_ =	sdelay $0x2  }
0xcb: {  	s17 =	sadd.s32 $0x400, s17;
	s18 =	sadd.s32 s18, s26  }
0xcc: {  	[hbm4b:s18+s2] =	stream.linear.scatter [tilespmem:s15], [sflag:$0x2], $0x80, $0x38;
	[tilespmem:$0x18100] =	vst v63  }
0xcd: {  	s26 =	simm.s32 $0x2  }
0xce: {  	_ =	swait.ge [sflag:s26], $0x1000  }
0xcf: {  	[sflag:s26] =	ssyncset.done $0x0  }
0xd0: {  	[sflag:s26] =	ssyncadd.s32 $0xFFFFF000  }
0xd1: {  	_ =	swait.ge [sflag:s26], $0x1000  }
0xd2: {  	[sflag:s26] =	ssyncset.done $0x0  }
0xd3: {  	[sflag:s26] =	ssyncadd.s32 $0xFFFFF000  }
0xd4: {  	_ =	swait.ge [sflag:s26], $0x1000  }
0xd5: {  	[sflag:s26] =	ssyncset.done $0x0  }
0xd6: {  	[sflag:s26] =	ssyncadd.s32 $0xFFFFF000  }
0xd7: {  	_ =	swait.ge [sflag:s26], $0x1000  }
0xd8: {  	[sflag:s26] =	ssyncset.done $0x0  }
0xd9: {  	[sflag:s26] =	ssyncadd.s32 $0xFFFFF000  }
0xda: {  	_ =	swait.ge [sflag:s26], $0x1000  }
0xdb: {  	[sflag:s26] =	ssyncset.done $0x0  }
0xdc: {  	[sflag:s26] =	ssyncadd.s32 $0xFFFFF000  }
0xdd: {  	_ =	swait.ge [sflag:s26], $0x1000  }
0xde: {  	[sflag:s26] =	ssyncset.done $0x0  }
0xdf: {  	[sflag:s26] =	ssyncadd.s32 $0xFFFFF000  }
0xe0: {  	_ =	swait.ge [sflag:s26], $0x1000  }
0xe1: {  	[sflag:s26] =	ssyncset.done $0x0  }
0xe2: {  	[sflag:s26] =	ssyncadd.s32 $0xFFFFF000  }
0xe3: {  	s16 =	simm.s32 $0x20;
	_ =	swait.ge [sflag:s26], $0x1000  }
0xe4: {  	s17 =	simm.s32 $0x8100;
	s30 =	simm.s32 $0x80;
	[sflag:s26] =	ssyncset.done $0x0  }
0xe5: {  	s31 =	simm.s32 $0x3;
	s29 =	rddreg [dreg:$0x3];
	[sflag:s26] =	ssyncadd.s32 $0xFFFFF000  }
0xe6: {  	[tilespmem:s17], [sflag:$0x2] =	stream.indirect.gather [hbm4b:s29+s16], $0x400, s30, s16, $0xb8;
	[tilespmem:$0x18100] =	vst v63  }
0xe7: {  	s15 =	simm.s32 $0x10100;
	_ =	swait.ge [sflag:s31], $0x8000  }
0xe8: {  	s16 =	simm.s32 $0x10;
	[sflag:s31] =	ssyncset.done $0x0;
	s28 =	rddreg [dreg:$0x15]  }
0xe9: {  	s17 =	simm.s32 $0x10500;
	[sflag:s31] =	ssyncadd.s32 $0xFFFF8000;
	s18 =	sadd.s32 $0x0, s28  }
.LBB2_34:
0xea: {  	[hbm4b:s18+s2] =	stream.linear.scatter [tilespmem:s15], [sflag:$0x3], $0x80, $0x38;
	[tilespmem:$0x18100] =	vst v63  }
0xeb: {  	s18 =	smov.u32 s16;
	s15 =	smov.u32 s17;
	p0 =	sne.s32 s16, $0x1F0  }
.Ltmp16:
0xec: {  	s16 =	sadd.s32 $0x10, s16;
	(pc) =	sbr.rel @p0 .LBB2_34-.Ltmp16, $2  }
0xed: {  	_ =	sdelay $0x2  }
0xee: {  	s17 =	sadd.s32 $0x400, s17;
	s18 =	sadd.s32 s18, s28  }
0xef: {  	[hbm4b:s18+s2] =	stream.linear.scatter [tilespmem:s15], [sflag:$0x3], $0x80, $0x38;
	[tilespmem:$0x18100] =	vst v63  }
0xf0: {  	s15 =	simm.s32 $0x10180;
	s28 =	rddreg [dreg:$0x16]  }
0xf1: {  	s16 =	simm.s32 $0x10;
	s17 =	simm.s32 $0x10580;
	s18 =	sadd.s32 $0x0, s28  }
.LBB2_36:
0xf2: {  	[hbm4b:s18+s2] =	stream.linear.scatter [tilespmem:s15], [sflag:$0x3], $0x80, $0x38;
	[tilespmem:$0x18100] =	vst v63  }
0xf3: {  	s18 =	smov.u32 s16;
	s15 =	smov.u32 s17;
	p0 =	sne.s32 s16, $0x1F0  }
.Ltmp17:
0xf4: {  	s16 =	sadd.s32 $0x10, s16;
	(pc) =	sbr.rel @p0 .LBB2_36-.Ltmp17, $2  }
0xf5: {  	_ =	sdelay $0x2  }
0xf6: {  	s17 =	sadd.s32 $0x400, s17;
	s18 =	sadd.s32 s18, s28  }
0xf7: {  	[hbm4b:s18+s2] =	stream.linear.scatter [tilespmem:s15], [sflag:$0x3], $0x80, $0x38;
	[tilespmem:$0x18100] =	vst v63  }
0xf8: {  	s15 =	simm.s32 $0x10200;
	s29 =	rddreg [dreg:$0x17]  }
0xf9: {  	s16 =	simm.s32 $0x10;
	s17 =	simm.s32 $0x10600;
	s18 =	sadd.s32 $0x0, s29  }
.LBB2_38:
0xfa: {  	[hbm4b:s18+s2] =	stream.linear.scatter [tilespmem:s15], [sflag:$0x3], $0x80, $0x38;
	[tilespmem:$0x18100] =	vst v63  }
0xfb: {  	s18 =	smov.u32 s16;
	s15 =	smov.u32 s17;
	p0 =	sne.s32 s16, $0x1F0  }
.Ltmp18:
0xfc: {  	s16 =	sadd.s32 $0x10, s16;
	(pc) =	sbr.rel @p0 .LBB2_38-.Ltmp18, $2  }
0xfd: {  	_ =	sdelay $0x2  }
0xfe: {  	s17 =	sadd.s32 $0x400, s17;
	s18 =	sadd.s32 s18, s29  }
0xff: {  	[hbm4b:s18+s2] =	stream.linear.scatter [tilespmem:s15], [sflag:$0x3], $0x80, $0x38;
	[tilespmem:$0x18100] =	vst v63  }
0x100: {  	s15 =	simm.s32 $0x10280;
	s29 =	rddreg [dreg:$0x18]  }
0x101: {  	s16 =	simm.s32 $0x10;
	s17 =	simm.s32 $0x10680;
	s18 =	sadd.s32 $0x0, s29  }
.LBB2_40:
0x102: {  	[hbm4b:s18+s2] =	stream.linear.scatter [tilespmem:s15], [sflag:$0x3], $0x80, $0x38;
	[tilespmem:$0x18100] =	vst v63  }
0x103: {  	s18 =	smov.u32 s16;
	s15 =	smov.u32 s17;
	p0 =	sne.s32 s16, $0x1F0  }
.Ltmp19:
0x104: {  	s16 =	sadd.s32 $0x10, s16;
	(pc) =	sbr.rel @p0 .LBB2_40-.Ltmp19, $2  }
0x105: {  	_ =	sdelay $0x2  }
0x106: {  	s17 =	sadd.s32 $0x400, s17;
	s18 =	sadd.s32 s18, s29  }
0x107: {  	[hbm4b:s18+s2] =	stream.linear.scatter [tilespmem:s15], [sflag:$0x3], $0x80, $0x38;
	[tilespmem:$0x18100] =	vst v63  }
0x108: {  	s15 =	simm.s32 $0x10300;
	s30 =	rddreg [dreg:$0x19]  }
0x109: {  	s16 =	simm.s32 $0x10;
	s17 =	simm.s32 $0x10700;
	s18 =	sadd.s32 $0x0, s30  }
.LBB2_42:
0x10a: {  	[hbm4b:s18+s2] =	stream.linear.scatter [tilespmem:s15], [sflag:$0x3], $0x80, $0x38;
	[tilespmem:$0x18100] =	vst v63  }
0x10b: {  	s18 =	smov.u32 s16;
	s15 =	smov.u32 s17;
	p0 =	sne.s32 s16, $0x1F0  }
.Ltmp20:
0x10c: {  	s16 =	sadd.s32 $0x10, s16;
	(pc) =	sbr.rel @p0 .LBB2_42-.Ltmp20, $2  }
0x10d: {  	_ =	sdelay $0x2  }
0x10e: {  	s17 =	sadd.s32 $0x400, s17;
	s18 =	sadd.s32 s18, s30  }
0x10f: {  	[hbm4b:s18+s2] =	stream.linear.scatter [tilespmem:s15], [sflag:$0x3], $0x80, $0x38;
	[tilespmem:$0x18100] =	vst v63  }
0x110: {  	s15 =	simm.s32 $0x10380;
	s30 =	rddreg [dreg:$0x1a]  }
0x111: {  	s16 =	simm.s32 $0x10;
	s17 =	simm.s32 $0x10780;
	s18 =	sadd.s32 $0x0, s30  }
.LBB2_44:
0x112: {  	[hbm4b:s18+s2] =	stream.linear.scatter [tilespmem:s15], [sflag:$0x3], $0x80, $0x38;
	[tilespmem:$0x18100] =	vst v63  }
0x113: {  	s18 =	smov.u32 s16;
	s15 =	smov.u32 s17;
	p0 =	sne.s32 s16, $0x1F0  }
.Ltmp21:
0x114: {  	s16 =	sadd.s32 $0x10, s16;
	(pc) =	sbr.rel @p0 .LBB2_44-.Ltmp21, $2  }
0x115: {  	_ =	sdelay $0x2  }
0x116: {  	s17 =	sadd.s32 $0x400, s17;
	s18 =	sadd.s32 s18, s30  }
0x117: {  	[hbm4b:s18+s2] =	stream.linear.scatter [tilespmem:s15], [sflag:$0x3], $0x80, $0x38;
	[tilespmem:$0x18100] =	vst v63  }
0x118: {  	s15 =	simm.s32 $0x10400;
	s31 =	rddreg [dreg:$0x1b]  }
0x119: {  	s16 =	simm.s32 $0x10;
	s17 =	simm.s32 $0x10800;
	s18 =	sadd.s32 $0x0, s31  }
.LBB2_46:
0x11a: {  	[hbm4b:s18+s2] =	stream.linear.scatter [tilespmem:s15], [sflag:$0x3], $0x80, $0x38;
	[tilespmem:$0x18100] =	vst v63  }
0x11b: {  	s18 =	smov.u32 s16;
	s15 =	smov.u32 s17;
	p0 =	sne.s32 s16, $0x1F0  }
.Ltmp22:
0x11c: {  	s16 =	sadd.s32 $0x10, s16;
	(pc) =	sbr.rel @p0 .LBB2_46-.Ltmp22, $2  }
0x11d: {  	_ =	sdelay $0x2  }
0x11e: {  	s17 =	sadd.s32 $0x400, s17;
	s18 =	sadd.s32 s18, s31  }
0x11f: {  	[hbm4b:s18+s2] =	stream.linear.scatter [tilespmem:s15], [sflag:$0x3], $0x80, $0x38;
	[tilespmem:$0x18100] =	vst v63  }
0x120: {  	s15 =	simm.s32 $0x10480;
	s31 =	rddreg [dreg:$0x1c]  }
0x121: {  	s16 =	simm.s32 $0x10;
	s17 =	simm.s32 $0x10880;
	s18 =	sadd.s32 $0x0, s31  }
.LBB2_48:
0x122: {  	[hbm4b:s18+s2] =	stream.linear.scatter [tilespmem:s15], [sflag:$0x3], $0x80, $0x38;
	[tilespmem:$0x18100] =	vst v63  }
0x123: {  	s18 =	smov.u32 s16;
	s15 =	smov.u32 s17;
	p0 =	sne.s32 s16, $0x1F0  }
.Ltmp23:
0x124: {  	s16 =	sadd.s32 $0x10, s16;
	(pc) =	sbr.rel @p0 .LBB2_48-.Ltmp23, $2  }
0x125: {  	_ =	sdelay $0x2  }
0x126: {  	s17 =	sadd.s32 $0x400, s17;
	s18 =	sadd.s32 s18, s31  }
0x127: {  	[hbm4b:s18+s2] =	stream.linear.scatter [tilespmem:s15], [sflag:$0x3], $0x80, $0x38;
	[tilespmem:$0x18100] =	vst v63  }
0x128: {  	s1 =	simm.s32 $0x1  }
0x129: {  	_ =	swait.ge [sflag:s1], $0x8000  }
0x12a: {  	[sflag:s1] =	ssyncset.done $0x0  }
0x12b: {  	s15 =	simm.s32 $0x100;
	[sflag:s1] =	ssyncadd.s32 $0xFFFF8000;
	s1 =	rddreg [dreg:$0x1d]  }
0x12c: {  	s16 =	simm.s32 $0x10;
	s17 =	simm.s32 $0x500;
	s18 =	sadd.s32 $0x0, s1  }
.LBB2_50:
0x12d: {  	[hbm4b:s18+s2] =	stream.linear.scatter [tilespmem:s15], [sflag:$0x1], $0x80, $0x38;
	[tilespmem:$0x18100] =	vst v63  }
0x12e: {  	s18 =	smov.u32 s16;
	s15 =	smov.u32 s17;
	p0 =	sne.s32 s16, $0x1F0  }
.Ltmp24:
0x12f: {  	s16 =	sadd.s32 $0x10, s16;
	(pc) =	sbr.rel @p0 .LBB2_50-.Ltmp24, $2  }
0x130: {  	_ =	sdelay $0x2  }
0x131: {  	s17 =	sadd.s32 $0x400, s17;
	s18 =	sadd.s32 s18, s1  }
0x132: {  	[hbm4b:s18+s2] =	stream.linear.scatter [tilespmem:s15], [sflag:$0x1], $0x80, $0x38;
	[tilespmem:$0x18100] =	vst v63  }
0x133: {  	s15 =	simm.s32 $0x180;
	s1 =	rddreg [dreg:$0x1e]  }
0x134: {  	s16 =	simm.s32 $0x10;
	s17 =	simm.s32 $0x580;
	s18 =	sadd.s32 $0x0, s1  }
.LBB2_52:
0x135: {  	[hbm4b:s18+s2] =	stream.linear.scatter [tilespmem:s15], [sflag:$0x1], $0x80, $0x38;
	[tilespmem:$0x18100] =	vst v63  }
0x136: {  	s18 =	smov.u32 s16;
	s15 =	smov.u32 s17;
	p0 =	sne.s32 s16, $0x1F0  }
.Ltmp25:
0x137: {  	s16 =	sadd.s32 $0x10, s16;
	(pc) =	sbr.rel @p0 .LBB2_52-.Ltmp25, $2  }
0x138: {  	_ =	sdelay $0x2  }
0x139: {  	s17 =	sadd.s32 $0x400, s17;
	s18 =	sadd.s32 s18, s1  }
0x13a: {  	[hbm4b:s18+s2] =	stream.linear.scatter [tilespmem:s15], [sflag:$0x1], $0x80, $0x38;
	[tilespmem:$0x18100] =	vst v63  }
0x13b: {  	s15 =	simm.s32 $0x200;
	s0 =	rddreg [dreg:$0x1f]  }
0x13c: {  	s16 =	simm.s32 $0x10;
	s17 =	simm.s32 $0x600;
	s18 =	sadd.s32 $0x0, s0  }
.LBB2_54:
0x13d: {  	[hbm4b:s18+s2] =	stream.linear.scatter [tilespmem:s15], [sflag:$0x1], $0x80, $0x38;
	[tilespmem:$0x18100] =	vst v63  }
0x13e: {  	s18 =	smov.u32 s16;
	s15 =	smov.u32 s17;
	p0 =	sne.s32 s16, $0x1F0  }
.Ltmp26:
0x13f: {  	s16 =	sadd.s32 $0x10, s16;
	(pc) =	sbr.rel @p0 .LBB2_54-.Ltmp26, $2  }
0x140: {  	_ =	sdelay $0x2  }
0x141: {  	s17 =	sadd.s32 $0x400, s17;
	s18 =	sadd.s32 s18, s0  }
0x142: {  	s0 =	sld [smem:$0x7FD]  }
0x143: {  	[hbm4b:s18+s2] =	stream.linear.scatter [tilespmem:s15], [sflag:$0x1], $0x80, $0x38;
	[tilespmem:$0x18100] =	vst v63  }
0x144: {  	s15 =	simm.s32 $0x280  }
0x145: {  	s16 =	simm.s32 $0x10;
	s17 =	simm.s32 $0x680;
	s18 =	sadd.s32 $0x0, s0  }
.LBB2_56:
0x146: {  	[hbm4b:s18+s2] =	stream.linear.scatter [tilespmem:s15], [sflag:$0x1], $0x80, $0x38;
	[tilespmem:$0x18100] =	vst v63  }
0x147: {  	s18 =	smov.u32 s16;
	s15 =	smov.u32 s17;
	p0 =	sne.s32 s16, $0x1F0  }
.Ltmp27:
0x148: {  	s16 =	sadd.s32 $0x10, s16;
	(pc) =	sbr.rel @p0 .LBB2_56-.Ltmp27, $2  }
0x149: {  	_ =	sdelay $0x2  }
0x14a: {  	s17 =	sadd.s32 $0x400, s17;
	s18 =	sadd.s32 s18, s0  }
0x14b: {  	[hbm4b:s18+s2] =	stream.linear.scatter [tilespmem:s15], [sflag:$0x1], $0x80, $0x38;
	[tilespmem:$0x18100] =	vst v63  }
0x14c: {  	s15 =	simm.s32 $0x300  }
0x14d: {  	s16 =	simm.s32 $0x10;
	s18 =	sadd.s32 $0x0, s4;
	s17 =	simm.s32 $0x700  }
.LBB2_58:
0x14e: {  	[hbm4b:s18+s2] =	stream.linear.scatter [tilespmem:s15], [sflag:$0x1], $0x80, $0x38;
	[tilespmem:$0x18100] =	vst v63  }
0x14f: {  	s18 =	smov.u32 s16;
	s15 =	smov.u32 s17;
	p0 =	sne.s32 s16, $0x1F0  }
.Ltmp28:
0x150: {  	s16 =	sadd.s32 $0x10, s16;
	(pc) =	sbr.rel @p0 .LBB2_58-.Ltmp28, $2  }
0x151: {  	_ =	sdelay $0x2  }
0x152: {  	s17 =	sadd.s32 $0x400, s17;
	s18 =	sadd.s32 s18, s4  }
0x153: {  	[hbm4b:s18+s2] =	stream.linear.scatter [tilespmem:s15], [sflag:$0x1], $0x80, $0x38;
	[tilespmem:$0x18100] =	vst v63  }
0x154: {  	s15 =	simm.s32 $0x380  }
0x155: {  	s16 =	simm.s32 $0x10;
	s18 =	sadd.s32 $0x0, s3;
	s17 =	simm.s32 $0x780  }
.LBB2_60:
0x156: {  	[hbm4b:s18+s2] =	stream.linear.scatter [tilespmem:s15], [sflag:$0x1], $0x80, $0x38;
	[tilespmem:$0x18100] =	vst v63  }
0x157: {  	s18 =	smov.u32 s16;
	s15 =	smov.u32 s17;
	p0 =	sne.s32 s16, $0x1F0  }
.Ltmp29:
0x158: {  	s16 =	sadd.s32 $0x10, s16;
	(pc) =	sbr.rel @p0 .LBB2_60-.Ltmp29, $2  }
0x159: {  	_ =	sdelay $0x2  }
0x15a: {  	s17 =	sadd.s32 $0x400, s17;
	s18 =	sadd.s32 s18, s3  }
0x15b: {  	[hbm4b:s18+s2] =	stream.linear.scatter [tilespmem:s15], [sflag:$0x1], $0x80, $0x38;
	[tilespmem:$0x18100] =	vst v63  }
0x15c: {  	s15 =	simm.s32 $0x400  }
0x15d: {  	s16 =	simm.s32 $0x10;
	s18 =	sadd.s32 $0x0, s5;
	s17 =	simm.s32 $0x800  }
.LBB2_62:
0x15e: {  	[hbm4b:s18+s2] =	stream.linear.scatter [tilespmem:s15], [sflag:$0x1], $0x80, $0x38;
	[tilespmem:$0x18100] =	vst v63  }
0x15f: {  	s18 =	smov.u32 s16;
	s15 =	smov.u32 s17;
	p0 =	sne.s32 s16, $0x1F0  }
.Ltmp30:
0x160: {  	s16 =	sadd.s32 $0x10, s16;
	(pc) =	sbr.rel @p0 .LBB2_62-.Ltmp30, $2  }
0x161: {  	_ =	sdelay $0x2  }
0x162: {  	s17 =	sadd.s32 $0x400, s17;
	s18 =	sadd.s32 s18, s5  }
0x163: {  	[hbm4b:s18+s2] =	stream.linear.scatter [tilespmem:s15], [sflag:$0x1], $0x80, $0x38;
	[tilespmem:$0x18100] =	vst v63  }
0x164: {  	s15 =	simm.s32 $0x480  }
0x165: {  	s16 =	simm.s32 $0x10;
	s18 =	sadd.s32 $0x0, s6;
	s17 =	simm.s32 $0x880  }
.LBB2_64:
0x166: {  	[hbm4b:s18+s2] =	stream.linear.scatter [tilespmem:s15], [sflag:$0x1], $0x80, $0x38;
	[tilespmem:$0x18100] =	vst v63  }
0x167: {  	s18 =	smov.u32 s16;
	s15 =	smov.u32 s17;
	p0 =	sne.s32 s16, $0x1F0  }
.Ltmp31:
0x168: {  	s16 =	sadd.s32 $0x10, s16;
	(pc) =	sbr.rel @p0 .LBB2_64-.Ltmp31, $2  }
0x169: {  	_ =	sdelay $0x2  }
0x16a: {  	s17 =	sadd.s32 $0x400, s17;
	s18 =	sadd.s32 s18, s6  }
0x16b: {  	[hbm4b:s18+s2] =	stream.linear.scatter [tilespmem:s15], [sflag:$0x1], $0x80, $0x38;
	[tilespmem:$0x18100] =	vst v63  }
0x16c: {  	s31 =	simm.s32 $0x2  }
0x16d: {  	_ =	swait.ge [sflag:s31], $0x8000  }
0x16e: {  	s15 =	simm.s32 $0x8100;
	s16 =	simm.s32 $0x10;
	[sflag:s31] =	ssyncset.done $0x0  }
0x16f: {  	s18 =	sadd.s32 $0x0, s7;
	s17 =	simm.s32 $0x8500;
	[sflag:s31] =	ssyncadd.s32 $0xFFFF8000  }
.LBB2_66:
0x170: {  	[hbm4b:s18+s2] =	stream.linear.scatter [tilespmem:s15], [sflag:$0x2], $0x80, $0x38;
	[tilespmem:$0x18100] =	vst v63  }
0x171: {  	s18 =	smov.u32 s16;
	s15 =	smov.u32 s17;
	p0 =	sne.s32 s16, $0x1F0  }
.Ltmp32:
0x172: {  	s16 =	sadd.s32 $0x10, s16;
	(pc) =	sbr.rel @p0 .LBB2_66-.Ltmp32, $2  }
0x173: {  	_ =	sdelay $0x2  }
0x174: {  	s17 =	sadd.s32 $0x400, s17;
	s18 =	sadd.s32 s18, s7  }
0x175: {  	[hbm4b:s18+s2] =	stream.linear.scatter [tilespmem:s15], [sflag:$0x2], $0x80, $0x38;
	[tilespmem:$0x18100] =	vst v63  }
0x176: {  	s15 =	simm.s32 $0x8180  }
0x177: {  	s16 =	simm.s32 $0x10;
	s18 =	sadd.s32 $0x0, s8;
	s17 =	simm.s32 $0x8580  }
.LBB2_68:
0x178: {  	[hbm4b:s18+s2] =	stream.linear.scatter [tilespmem:s15], [sflag:$0x2], $0x80, $0x38;
	[tilespmem:$0x18100] =	vst v63  }
0x179: {  	s18 =	smov.u32 s16;
	s15 =	smov.u32 s17;
	p0 =	sne.s32 s16, $0x1F0  }
.Ltmp33:
0x17a: {  	s16 =	sadd.s32 $0x10, s16;
	(pc) =	sbr.rel @p0 .LBB2_68-.Ltmp33, $2  }
0x17b: {  	_ =	sdelay $0x2  }
0x17c: {  	s17 =	sadd.s32 $0x400, s17;
	s18 =	sadd.s32 s18, s8  }
0x17d: {  	[hbm4b:s18+s2] =	stream.linear.scatter [tilespmem:s15], [sflag:$0x2], $0x80, $0x38;
	[tilespmem:$0x18100] =	vst v63  }
0x17e: {  	s15 =	simm.s32 $0x8200  }
0x17f: {  	s16 =	simm.s32 $0x10;
	s18 =	sadd.s32 $0x0, s9;
	s17 =	simm.s32 $0x8600  }
.LBB2_70:
0x180: {  	[hbm4b:s18+s2] =	stream.linear.scatter [tilespmem:s15], [sflag:$0x2], $0x80, $0x38;
	[tilespmem:$0x18100] =	vst v63  }
0x181: {  	s18 =	smov.u32 s16;
	s15 =	smov.u32 s17;
	p0 =	sne.s32 s16, $0x1F0  }
.Ltmp34:
0x182: {  	s16 =	sadd.s32 $0x10, s16;
	(pc) =	sbr.rel @p0 .LBB2_70-.Ltmp34, $2  }
0x183: {  	_ =	sdelay $0x2  }
0x184: {  	s17 =	sadd.s32 $0x400, s17;
	s18 =	sadd.s32 s18, s9  }
0x185: {  	[hbm4b:s18+s2] =	stream.linear.scatter [tilespmem:s15], [sflag:$0x2], $0x80, $0x38;
	[tilespmem:$0x18100] =	vst v63  }
0x186: {  	s15 =	simm.s32 $0x8280  }
0x187: {  	s16 =	simm.s32 $0x10;
	s18 =	sadd.s32 $0x0, s10;
	s17 =	simm.s32 $0x8680  }
.LBB2_72:
0x188: {  	[hbm4b:s18+s2] =	stream.linear.scatter [tilespmem:s15], [sflag:$0x2], $0x80, $0x38;
	[tilespmem:$0x18100] =	vst v63  }
0x189: {  	s18 =	smov.u32 s16;
	s15 =	smov.u32 s17;
	p0 =	sne.s32 s16, $0x1F0  }
.Ltmp35:
0x18a: {  	s16 =	sadd.s32 $0x10, s16;
	(pc) =	sbr.rel @p0 .LBB2_72-.Ltmp35, $2  }
0x18b: {  	_ =	sdelay $0x2  }
0x18c: {  	s17 =	sadd.s32 $0x400, s17;
	s18 =	sadd.s32 s18, s10  }
0x18d: {  	[hbm4b:s18+s2] =	stream.linear.scatter [tilespmem:s15], [sflag:$0x2], $0x80, $0x38;
	[tilespmem:$0x18100] =	vst v63  }
0x18e: {  	s15 =	simm.s32 $0x8300  }
0x18f: {  	s16 =	simm.s32 $0x10;
	s18 =	sadd.s32 $0x0, s11;
	s17 =	simm.s32 $0x8700  }
.LBB2_74:
0x190: {  	[hbm4b:s18+s2] =	stream.linear.scatter [tilespmem:s15], [sflag:$0x2], $0x80, $0x38;
	[tilespmem:$0x18100] =	vst v63  }
0x191: {  	s18 =	smov.u32 s16;
	s15 =	smov.u32 s17;
	p0 =	sne.s32 s16, $0x1F0  }
.Ltmp36:
0x192: {  	s16 =	sadd.s32 $0x10, s16;
	(pc) =	sbr.rel @p0 .LBB2_74-.Ltmp36, $2  }
0x193: {  	_ =	sdelay $0x2  }
0x194: {  	s17 =	sadd.s32 $0x400, s17;
	s18 =	sadd.s32 s18, s11  }
0x195: {  	[hbm4b:s18+s2] =	stream.linear.scatter [tilespmem:s15], [sflag:$0x2], $0x80, $0x38;
	[tilespmem:$0x18100] =	vst v63  }
0x196: {  	s15 =	simm.s32 $0x8380  }
0x197: {  	s16 =	simm.s32 $0x10;
	s18 =	sadd.s32 $0x0, s12;
	s17 =	simm.s32 $0x8780  }
.LBB2_76:
0x198: {  	[hbm4b:s18+s2] =	stream.linear.scatter [tilespmem:s15], [sflag:$0x2], $0x80, $0x38;
	[tilespmem:$0x18100] =	vst v63  }
0x199: {  	s18 =	smov.u32 s16;
	s15 =	smov.u32 s17;
	p0 =	sne.s32 s16, $0x1F0  }
.Ltmp37:
0x19a: {  	s16 =	sadd.s32 $0x10, s16;
	(pc) =	sbr.rel @p0 .LBB2_76-.Ltmp37, $2  }
0x19b: {  	_ =	sdelay $0x2  }
0x19c: {  	s17 =	sadd.s32 $0x400, s17;
	s18 =	sadd.s32 s18, s12  }
0x19d: {  	[hbm4b:s18+s2] =	stream.linear.scatter [tilespmem:s15], [sflag:$0x2], $0x80, $0x38;
	[tilespmem:$0x18100] =	vst v63  }
0x19e: {  	s15 =	simm.s32 $0x8400  }
0x19f: {  	s16 =	simm.s32 $0x10;
	s18 =	sadd.s32 $0x0, s13;
	s17 =	simm.s32 $0x8800  }
.LBB2_78:
0x1a0: {  	[hbm4b:s18+s2] =	stream.linear.scatter [tilespmem:s15], [sflag:$0x2], $0x80, $0x38;
	[tilespmem:$0x18100] =	vst v63  }
0x1a1: {  	s18 =	smov.u32 s16;
	s15 =	smov.u32 s17;
	p0 =	sne.s32 s16, $0x1F0  }
.Ltmp38:
0x1a2: {  	s16 =	sadd.s32 $0x10, s16;
	(pc) =	sbr.rel @p0 .LBB2_78-.Ltmp38, $2  }
0x1a3: {  	_ =	sdelay $0x2  }
0x1a4: {  	s17 =	sadd.s32 $0x400, s17;
	s18 =	sadd.s32 s18, s13  }
0x1a5: {  	[hbm4b:s18+s2] =	stream.linear.scatter [tilespmem:s15], [sflag:$0x2], $0x80, $0x38;
	[tilespmem:$0x18100] =	vst v63  }
0x1a6: {  	s15 =	simm.s32 $0x8480  }
0x1a7: {  	s16 =	simm.s32 $0x10;
	s18 =	sadd.s32 $0x0, s14;
	s17 =	simm.s32 $0x8880  }
.LBB2_80:
0x1a8: {  	[hbm4b:s18+s2] =	stream.linear.scatter [tilespmem:s15], [sflag:$0x2], $0x80, $0x38;
	[tilespmem:$0x18100] =	vst v63  }
0x1a9: {  	s18 =	smov.u32 s16;
	s15 =	smov.u32 s17;
	p0 =	sne.s32 s16, $0x1F0  }
.Ltmp39:
0x1aa: {  	s16 =	sadd.s32 $0x10, s16;
	(pc) =	sbr.rel @p0 .LBB2_80-.Ltmp39, $2  }
0x1ab: {  	_ =	sdelay $0x2  }
0x1ac: {  	s17 =	sadd.s32 $0x400, s17;
	s18 =	sadd.s32 s18, s14  }
0x1ad: {  	[hbm4b:s18+s2] =	stream.linear.scatter [tilespmem:s15], [sflag:$0x2], $0x80, $0x38;
	[tilespmem:$0x18100] =	vst v63  }
0x1ae: {  	s29 =	simm.s32 $0x3  }
0x1af: {  	_ =	swait.ge [sflag:s29], $0x1000  }
0x1b0: {  	[sflag:s29] =	ssyncset.done $0x0  }
0x1b1: {  	[sflag:s29] =	ssyncadd.s32 $0xFFFFF000  }
0x1b2: {  	_ =	swait.ge [sflag:s29], $0x1000  }
0x1b3: {  	[sflag:s29] =	ssyncset.done $0x0  }
0x1b4: {  	[sflag:s29] =	ssyncadd.s32 $0xFFFFF000  }
0x1b5: {  	_ =	swait.ge [sflag:s29], $0x1000  }
0x1b6: {  	[sflag:s29] =	ssyncset.done $0x0  }
0x1b7: {  	[sflag:s29] =	ssyncadd.s32 $0xFFFFF000  }
0x1b8: {  	_ =	swait.ge [sflag:s29], $0x1000  }
0x1b9: {  	[sflag:s29] =	ssyncset.done $0x0  }
0x1ba: {  	[sflag:s29] =	ssyncadd.s32 $0xFFFFF000  }
0x1bb: {  	_ =	swait.ge [sflag:s29], $0x1000  }
0x1bc: {  	[sflag:s29] =	ssyncset.done $0x0  }
0x1bd: {  	[sflag:s29] =	ssyncadd.s32 $0xFFFFF000  }
0x1be: {  	_ =	swait.ge [sflag:s29], $0x1000  }
0x1bf: {  	[sflag:s29] =	ssyncset.done $0x0  }
0x1c0: {  	[sflag:s29] =	ssyncadd.s32 $0xFFFFF000  }
0x1c1: {  	_ =	swait.ge [sflag:s29], $0x1000  }
0x1c2: {  	[sflag:s29] =	ssyncset.done $0x0  }
0x1c3: {  	[sflag:s29] =	ssyncadd.s32 $0xFFFFF000  }
0x1c4: {  	_ =	swait.ge [sflag:s29], $0x1000  }
0x1c5: {  	[sflag:s29] =	ssyncset.done $0x0  }
0x1c6: {  	s30 =	simm.s32 $0x1;
	[sflag:s29] =	ssyncadd.s32 $0xFFFFF000  }
0x1c7: {  	_ =	swait.ge [sflag:s30], $0x1000  }
0x1c8: {  	[sflag:s30] =	ssyncset.done $0x0  }
0x1c9: {  	[sflag:s30] =	ssyncadd.s32 $0xFFFFF000  }
0x1ca: {  	_ =	swait.ge [sflag:s30], $0x1000  }
0x1cb: {  	[sflag:s30] =	ssyncset.done $0x0  }
0x1cc: {  	[sflag:s30] =	ssyncadd.s32 $0xFFFFF000  }
0x1cd: {  	_ =	swait.ge [sflag:s30], $0x1000  }
0x1ce: {  	[sflag:s30] =	ssyncset.done $0x0  }
0x1cf: {  	[sflag:s30] =	ssyncadd.s32 $0xFFFFF000  }
0x1d0: {  	_ =	swait.ge [sflag:s30], $0x1000  }
0x1d1: {  	[sflag:s30] =	ssyncset.done $0x0  }
0x1d2: {  	[sflag:s30] =	ssyncadd.s32 $0xFFFFF000  }
0x1d3: {  	_ =	swait.ge [sflag:s30], $0x1000  }
0x1d4: {  	[sflag:s30] =	ssyncset.done $0x0  }
0x1d5: {  	[sflag:s30] =	ssyncadd.s32 $0xFFFFF000  }
0x1d6: {  	_ =	swait.ge [sflag:s30], $0x1000  }
0x1d7: {  	[sflag:s30] =	ssyncset.done $0x0  }
0x1d8: {  	[sflag:s30] =	ssyncadd.s32 $0xFFFFF000  }
0x1d9: {  	_ =	swait.ge [sflag:s30], $0x1000  }
0x1da: {  	[sflag:s30] =	ssyncset.done $0x0  }
0x1db: {  	[sflag:s30] =	ssyncadd.s32 $0xFFFFF000  }
0x1dc: {  	_ =	swait.ge [sflag:s30], $0x1000  }
0x1dd: {  	[sflag:s30] =	ssyncset.done $0x0  }
0x1de: {  	s16 =	simm.s32 $0x2;
	[sflag:s30] =	ssyncadd.s32 $0xFFFFF000  }
0x1df: {  	_ =	swait.ge [sflag:s16], $0x1000  }
0x1e0: {  	[sflag:s16] =	ssyncset.done $0x0  }
0x1e1: {  	[sflag:s16] =	ssyncadd.s32 $0xFFFFF000  }
0x1e2: {  	_ =	swait.ge [sflag:s16], $0x1000  }
0x1e3: {  	[sflag:s16] =	ssyncset.done $0x0  }
0x1e4: {  	[sflag:s16] =	ssyncadd.s32 $0xFFFFF000  }
0x1e5: {  	_ =	swait.ge [sflag:s16], $0x1000  }
0x1e6: {  	[sflag:s16] =	ssyncset.done $0x0  }
0x1e7: {  	[sflag:s16] =	ssyncadd.s32 $0xFFFFF000  }
0x1e8: {  	_ =	swait.ge [sflag:s16], $0x1000  }
0x1e9: {  	[sflag:s16] =	ssyncset.done $0x0  }
0x1ea: {  	[sflag:s16] =	ssyncadd.s32 $0xFFFFF000  }
0x1eb: {  	_ =	swait.ge [sflag:s16], $0x1000  }
0x1ec: {  	[sflag:s16] =	ssyncset.done $0x0  }
0x1ed: {  	[sflag:s16] =	ssyncadd.s32 $0xFFFFF000  }
0x1ee: {  	_ =	swait.ge [sflag:s16], $0x1000  }
0x1ef: {  	[sflag:s16] =	ssyncset.done $0x0  }
0x1f0: {  	[sflag:s16] =	ssyncadd.s32 $0xFFFFF000  }
0x1f1: {  	_ =	swait.ge [sflag:s16], $0x1000  }
0x1f2: {  	[sflag:s16] =	ssyncset.done $0x0  }
0x1f3: {  	[sflag:s16] =	ssyncadd.s32 $0xFFFFF000  }
0x1f4: {  	_ =	swait.ge [sflag:s16], $0x1000  }
0x1f5: {  	s17 =	sld [smem:$0x7FB]  }
0x1f6: {  	s31 =	sld [smem:$0x7FC];
	_ =	sdelay $0x1  }
0x1f7: {  	s17 =	sadd.s32 $0x1, s17  }
0x1f8: {  	p0 =	sne.s32 s17, s31  }
.Ltmp40:
0x1f9: {  	_ = 	snop;
	(pc) =	sbr.rel @p0 .LBB2_1-.Ltmp40, $3  }
0x1fa: {  	_ =	sdelay $0x1  }
0x1fb: {  	[sflag:s16] =	ssyncset.done $0x0  }
0x1fc: {  	[sflag:s16] =	ssyncadd.s32 $0xFFFFF000;
	s16 =	rddreg [dreg:$0x5]  }
0x1fd: {  	_ =	sfence.sel $0x180000  }
0x1fe: {  	[bflag:$0x0] =	sbarrier.arrive $0xFFFF  }
0x1ff: {  	_ =	strace $0x9000004A  }
0x200: {  	s0 =	stileid.u32;
	[bflag:$0x2] =	sbarrier.arrive $0xFFFF  }
0x201: {  	p0 =	sne.s32 s0, $0x0;
	s0 =	rddreg [dreg:$0x2]  }
0x202: {  	s0 =	sadd.s32 @!p0 $0x100000, s0  }
0x203: {  	[sflag:s0] =	ssyncadd.tile.s32 @!p0 $0x1;
	_ =	shalt  }
.Lfunc_end2:
_tile_overlayer_lowered:
.L_overlay_start_2:
0x204: {  	(tag) =	ssettag $0x2  }
0x205: {  	s0 =	rddreg [dreg:$0x0];
	s2 =	stileid.u32  }
0x206: {  	s1 =	rddreg [dreg:$0x1];
	p0 =	sne.s32 s2, $0x0  }
0x207: {  	s3 =	rddreg [dreg:$0x2];
	[bflag:$0x3] =	sbarrier.arrive $0xFFFF;
	s2 =	simm.s32 @!p0 $0x1C04  }
0x208: {  	[timem:s3], [sflag:s2] =	dma.local @!p0 [hbm:s0], s1  }
0x209: {  	s0 =	simm.s32 @!p0 $0x4  }
0x20a: {  	_ =	swait.ge @!p0 [sflag:s0], s1  }
0x20b: {  	s1 =	ssub.s32 @!p0 $0x0, s1;
	[sflag:s0] =	ssyncset.done @!p0 $0x0  }
0x20c: {  	[sflag:s0] =	ssyncadd.s32 @!p0 s1  }
0x20d: {  	[bflag:$0x3] =	sbarrier.arrive $0xFFFF  }
0x20e: {  	_ =	shalt  }

// kernel: kernel.9.cloned.1.call-start
scs
__scs_entry_jumppad:
0x0: {  	(pc) =	sbr.rel $0x88, $3  }
0x1: {  	(tag) =	ssettag $0x0;
	lr =	simm.s32 $0x1  }
0x2: {  	[smem:$0x3F9B] =	sst lr;
	_ =	strace $0xD0000000  }
0x3: {  	_ = 	snop  }
0x4: {  	_ = 	snop  }
0x5: {  	_ = 	snop  }
0x6: {  	_ = 	snop  }
0x7: {  	_ = 	snop  }
__scs_overlays_trampoline_lowered:
0x8: {  	[smem:$0x3FAA] =	sst s0  }
0x9: {  	[smem:$0x3FAB] =	sst s1  }
0xa: {  	[smem:$0x3FAC] =	sst s2  }
0xb: {  	[smem:$0x3FAD] =	sst s3  }
0xc: {  	[smem:$0x3FAE] =	sst s4  }
0xd: {  	[smem:$0x3FAF] =	sst s5  }
0xe: {  	[smem:$0x3FB0] =	sst s6  }
0xf: {  	[smem:$0x3FB1] =	sst s7  }
0x10: {  	[smem:$0x3FB2] =	sst s8  }
0x11: {  	[smem:$0x3FB3] =	sst s9;
	s0 =	simm.s32 @!p0 $0x0  }
0x12: {  	s1 =	sld [smem:$0x3F99];
	s0 =	simm.s32 @p0 $0x1  }
0x13: {  	[smem:$0x3FB4] =	sst s0;
	s0 =	simm.s32 @!p1 $0x0  }
0x14: {  	s2 =	sld [smem:$0x3F98];
	s0 =	simm.s32 @p1 $0x1  }
0x15: {  	[smem:$0x3FB5] =	sst s0;
	s0 =	simm.s32 @!p2 $0x0  }
0x16: {  	s3 =	sld [smem:$0x3FDB];
	s0 =	simm.s32 @p2 $0x1  }
0x17: {  	s4 =	simm.s32 $0x1BF5;
	[smem:$0x3FB7] =	sst s0  }
0x18: {  	s0 =	sld [smem:$0x3F9A];
	_ =	swait.ge [sflag:s4], $0x0  }
0x19: {  	s7 =	sld [smem:$0x3F9B]  }
0x1a: {  	s8 =	sadd.s32 $0xFFFFE003, lr  }
0x1b: {  	s9 =	sadd.s32 $0xFFFFFEF7, lr;
	s5 =	simm.s32 $0xFFFFFFFF;
	p2 =	slt.u32 s8, $0xFFFFF086  }
0x1c: {  	p1 =	slt.u32 s9, $0xF7A;
	s5 =	simm.s32 @!p2 $0x0  }
0x1d: {  	s5 =	simm.s32 @p1 $0x1;
	p0 =	seq.s32 s7, s2  }
0x1e: {  	s7 =	smul.u32 @!p0 $0xF7A, s2;
	p2 =	seq.s32 @!p0 s5, $0x0  }
0x1f: {  	s9 =	smul.u32 $0xF7A, s1;
	s8 =	simm.s32 @!p0 $0x1BF5;
	p2 =	por !p2, p0  }
0x20: {  	[sflag:s8] =	ssyncset.s32 @!p0 $0xFFFFF086;
	s6 =	sadd.s32 @!p0 s3, s7;
	s7 =	simm.s32 @!p0 $0x108  }
0x21: {  	s3 =	sadd.s32 s3, s9;
	s6 =	sadd.s32 @!p0 $0x88, s6;
	s7 =	simm.s32 @p2 $0x1082  }
0x22: {  	[simem:s7], [sflag:s8] =	dma.local @!p0 [hbm:s6], $0xF7A  }
0x23: {  	s9 =	sor.u32 $0xD0000000, s2;
	s6 =	simm.s32 $0x108;
	_ =	swait.ge @!p0 [sflag:s8], $0x0  }
0x24: {  	s3 =	sadd.s32 $0x88, s3;
	s6 =	simm.s32 @!p1 $0x1082;
	[sflag:s4] =	ssyncset.s32 $0xFFFFF086  }
0x25: {  	[simem:s6], [sflag:s4] =	dma.local [hbm:s3], $0xF7A  }
0x26: {  	[smem:$0x3F9B] =	sst s1;
	(tag) =	ssettag s2;
	_ =	strace s9  }
0x27: {  	s1 =	sld [smem:$0x3FAB]  }
0x28: {  	s2 =	sld [smem:$0x3FAC]  }
0x29: {  	s4 =	sld [smem:$0x3FAE]  }
0x2a: {  	p0 =	seq.s32 s5, $0x0;
	s5 =	sld [smem:$0x3FAF]  }
0x2b: {  	s6 =	sld [smem:$0x3FB0]  }
0x2c: {  	s7 =	sld [smem:$0x3FB1]  }
0x2d: {  	s3 =	simm.s32 $0x108;
	s8 =	sld [smem:$0x3FB2]  }
0x2e: {  	s3 =	simm.s32 @!p0 $0x1082;
	s9 =	sld [smem:$0x3FB3]  }
0x2f: {  	lr =	sadd.s32 s0, s3;
	s0 =	sld [smem:$0x3FAA]  }
0x30: {  	s3 =	sld [smem:$0x3FAD]  }
0x31: {  	[smem:$0x3FB6] =	sst s10  }
0x32: {  	s10 =	sld [smem:$0x3FB4];
	_ =	sdelay $0x3  }
0x33: {  	p0 =	seq.s32 s10, $0x1;
	s10 =	sld [smem:$0x3FB6];
	_ =	sdelay $0x3  }
0x34: {  	[smem:$0x3FB6] =	sst s10  }
0x35: {  	s10 =	sld [smem:$0x3FB5];
	_ =	sdelay $0x3  }
0x36: {  	p1 =	seq.s32 s10, $0x1;
	s10 =	sld [smem:$0x3FB6];
	_ =	sdelay $0x3  }
0x37: {  	[smem:$0x3FB6] =	sst s10  }
0x38: {  	s10 =	sld [smem:$0x3FB7]  }
0x39: {  	_ = 	snop;
	(pc) =	sbr.ind lr, $3  }
0x3a: {  	_ = 	snop  }
0x3b: {  	_ = 	snop  }
0x3c: {  	p2 =	seq.s32 s10, $0x1;
	s10 =	sld [smem:$0x3FB6]  }
0x3d: {  	_ =	shalt  }
0x3e: {  	_ =	shalt  }
0x3f: {  	_ =	shalt  }
0x40: {  	_ =	shalt  }
0x41: {  	_ =	shalt  }
0x42: {  	_ =	shalt  }
0x43: {  	_ =	shalt  }
0x44: {  	_ =	shalt  }
0x45: {  	_ =	shalt  }
0x46: {  	_ =	shalt  }
0x47: {  	_ =	shalt  }
0x48: {  	_ =	shalt  }
0x49: {  	_ =	shalt  }
0x4a: {  	_ =	shalt  }
0x4b: {  	_ =	shalt  }
0x4c: {  	_ =	shalt  }
0x4d: {  	_ =	shalt  }
0x4e: {  	_ =	shalt  }
0x4f: {  	_ =	shalt  }
0x50: {  	_ =	shalt  }
0x51: {  	_ =	shalt  }
0x52: {  	_ =	shalt  }
0x53: {  	_ =	shalt  }
0x54: {  	_ =	shalt  }
0x55: {  	_ =	shalt  }
0x56: {  	_ =	shalt  }
0x57: {  	_ =	shalt  }
0x58: {  	_ =	shalt  }
0x59: {  	_ =	shalt  }
0x5a: {  	_ =	shalt  }
0x5b: {  	_ =	shalt  }
0x5c: {  	_ =	shalt  }
0x5d: {  	_ =	shalt  }
0x5e: {  	_ =	shalt  }
0x5f: {  	_ =	shalt  }
0x60: {  	_ =	shalt  }
0x61: {  	_ =	shalt  }
0x62: {  	_ =	shalt  }
0x63: {  	_ =	shalt  }
0x64: {  	_ =	shalt  }
0x65: {  	_ =	shalt  }
0x66: {  	_ =	shalt  }
0x67: {  	_ =	shalt  }
0x68: {  	_ =	shalt  }
0x69: {  	_ =	shalt  }
0x6a: {  	_ =	shalt  }
0x6b: {  	_ =	shalt  }
0x6c: {  	_ =	shalt  }
0x6d: {  	_ =	shalt  }
0x6e: {  	_ =	shalt  }
0x6f: {  	_ =	shalt  }
0x70: {  	_ =	shalt  }
0x71: {  	_ =	shalt  }
0x72: {  	_ =	shalt  }
0x73: {  	_ =	shalt  }
0x74: {  	_ =	shalt  }
0x75: {  	_ =	shalt  }
0x76: {  	_ =	shalt  }
0x77: {  	_ =	shalt  }
0x78: {  	_ =	shalt  }
0x79: {  	_ =	shalt  }
0x7a: {  	_ =	shalt  }
0x7b: {  	_ =	shalt  }
0x7c: {  	_ =	shalt  }
0x7d: {  	_ =	shalt  }
0x7e: {  	_ =	shalt  }
0x7f: {  	_ =	shalt  }
0x80: {  	_ =	shalt  }
0x81: {  	_ =	shalt  }
0x82: {  	_ =	shalt  }
0x83: {  	_ =	shalt  }
0x84: {  	_ =	shalt  }
0x85: {  	_ =	shalt  }
0x86: {  	_ =	shalt  }
0x87: {  	_ =	shalt  }
.Lfunc_end0:
.L_simem_size_0:
called_computation.2_lowered:
.L_overlay_start_0:
0x88: {  	s2 =	sld [smem:$0x3FD9]  }
0x89: {  	s3 =	sld [smem:$0x3FFE];
	_ =	sdelay $0x1  }
0x8a: {  	s1 =	srdreg.scid  }
0x8b: {  	s0 =	sand.u32 $0x1, s1  }
0x8c: {  	s14 =	sshll.u32 s0, $0xA;
	s2 =	sadd.s32 s3, s2  }
0x8d: {  	s2 =	sadd.s32 s2, s14  }
0x8e: {  	[smem:$0x3FC2] =	sst s2  }
0x8f: {  	_ = 	snop  }
0x90: {  	s2 =	sld [smem:$0x3FD0];
	_ =	sdelay $0x2  }
0x91: {  	s15 =	simm.s32 $0xA;
	s4 =	simm.s32 $0x10  }
0x92: {  	[smem:s4], [sflag:s15] =	dma.local [hbm:s2], $0x1  }
0x93: {  	_ =	swait.eq [sflag:s15], $0x1  }
0x94: {  	[sflag:s15] =	ssyncset.done $0x0  }
0x95: {  	[sflag:s15] =	ssyncadd.s32 $0xFFFFFFFF  }
0x96: {  	s16 =	sld [smem:$0x11];
	(tm) =	ssettm $0x1  }
0x97: {  	s17 =	sld [smem:$0x3FFB];
	_ =	sdelay $0x3  }
0x98: {  	_ =	strace s17  }
0x99: {  	s3 =	sld [smem:$0x3FFC];
	_ =	sdelay $0x3  }
0x9a: {  	_ =	strace s3  }
0x9b: {  	s3 =	sld [smem:$0x3FFD];
	_ =	sdelay $0x3  }
0x9c: {  	_ =	strace s3  }
0x9d: {  	_ =	strace $0x8FFFFFFF  }
0x9e: {  	s18 =	sld [smem:$0x3FDB];
	_ =	sdelay $0x1  }
0x9f: {  	s19 =	simm.s32 $_scs_section_size  }
0xa0: {  	s5 =	simm.s32 $_size__tile_overlayer_lowered;
	s6 =	simm.s32 $_tile_overlayer_lowered  }
0xa1: {  	s22 =	simm.s32 $0x1BFF;
	s21 =	sshll.u32 s6, $0x1;
	s3 =	sadd.s32 s19, s18  }
0xa2: {  	s7 =	simm.s32 $0x0;
	s20 =	sshll.u32 s5, $0x1;
	s5 =	sadd.s32 s21, s3  }
0xa3: {  	[timem:s7], [sflag:s22] =	dma.local [hbm:s5], s20  }
0xa4: {  	_ =	swait.ge [sflag:s22], s20  }
0xa5: {  	s4 =	ssub.s32 $0x0, s20;
	[sflag:s22] =	ssyncset.done $0x0  }
0xa6: {  	[sflag:s22] =	ssyncadd.s32 s4;
	_ =	sdelay $0x1  }
0xa7: {  	s23 =	simm.s32 $0x1B8B  }
0xa8: {  	_ =	swait.ge [sflag:s23], $0x1  }
0xa9: {  	[sflag:s23] =	ssyncset.done $0x0  }
0xaa: {  	s25 =	simm.s32 $0x1B8E;
	s24 =	sld [smem:$0x3FFE];
	[sflag:s23] =	ssyncadd.s32 $0xFFFFFFFF  }
0xab: {  	s26 =	simm.s32 $execute0_lowered;
	[smem:$0x3FD2] =	sst s25  }
0xac: {  	s5 =	sshll.u32 s26, $0x1;
	_ =	strace $0x8000004C;
	[dreg:$0x1] =	wrdreg $0xFFFFFFFF  }
0xad: {  	s28 =	simm.s32 $_size_execute0_lowered;
	s3 =	sadd.s32 s3, s5;
	[dreg:$0x0] =	wrdreg $0x0  }
0xae: {  	s5 =	sshll.u32 s28, $0x1;
	[dreg:$0x2] =	wrdreg s3  }
0xaf: {  	[dreg:$0x3] =	wrdreg s5  }
0xb0: {  	[dreg:$0x4] =	wrdreg $0xC0  }
0xb1: {  	_ =	task [dreg:s7], $0x5FFFF  }
0xb2: {  	[dreg:$0x1] =	wrdreg $0xFFFFFFFF  }
0xb3: {  	[dreg:$0x0] =	wrdreg $0x60  }
0xb4: {  	[dreg:$0x2] =	wrdreg s24  }
0xb5: {  	[dreg:$0x3] =	wrdreg s16  }
0xb6: {  	[dreg:$0x4] =	wrdreg $0x9  }
0xb7: {  	_ =	task.clear_ibuf [dreg:s7], $0x5FFFF;
	_ =	strace $0x9000004C  }
0xb8: {  	s29 =	simm.s32 $0x9;
	_ =	strace $0x8000004E  }
0xb9: {  	_ =	swait.ge [sflag:s29], $0x1  }
0xba: {  	[sflag:s29] =	ssyncadd.s32 $0xFFFFFFFF  }
0xbb: {  	_ =	strace $0x9000004E  }
0xbc: {  	_ =	sfence  }
0xbd: {  	s30 =	sld [smem:$0x0];
	_ =	sdelay $0x2  }
0xbe: {  	s31 =	sshll.u32 s1, $0xD;
	s1 =	sshrl.u32 s1, $0x2  }
0xbf: {  	s3 =	sand.u32 $0x4000, s31;
	s1 =	sadd.s32 s1, s30  }
0xc0: {  	s0 =	sor.u32 s3, s0;
	s1 =	sshll.u32 s1, $0x11  }
0xc1: {  	s0 =	sor.u32 s1, s0  }
0xc2: {  	s0 =	sadd.s32 $0x8F2B, s0  }
0xc3: {  	[sflag:s0] =	ssyncadd.remote.s32 $0x1  }
0xc4: {  	_ =	sfence.sel $0xFFFF  }
0xc5: {  	[dreg:$0x0] =	wrdreg $0xFFFFFFFF;
	(pc) =	sbr.abs _section_cstart, $3  }
0xc6: {  	[dreg:$0x1] =	wrdreg $0xFFFFFFFF  }
0xc7: {  	_ =	task.clear_ibuf [dreg:s7], $0x2FFFF;
	_ =	strace $0x9FFFFFFF  }
0xc8: {  	(tm) =	ssettm $0x7FFFFFFF  }
0xc9: {  	_ =	shalt  }
tec
execute0_lowered:
.L_overlay_start_1:
0x0: {  	(tag) =	ssettag $0x1  }
0x1: {  	s1 =	srdreg.scid;
	s2 =	rddreg [dreg:$0x0]  }
0x2: {  	s0 =	stileid.u32;
	s4 =	rddreg [dreg:$0x1];
	s6 =	sand.u32 $0x1, s1  }
0x3: {  	s3 =	simm.s32 $0x0;
	s5 =	sshll.u32 s0, $0x8;
	s7 =	sshll.u32 s6, $0x7  }
0x4: {  	[smem:$0x7FF] =	sst s3;
	s8 =	sor.u32 s7, s5  }
0x5: {  	s1 =	rddreg [dreg:$0x2];
	_ =	strace $0x8000004D;
	s5 =	sshrl.u32 s8, $0x3  }
0x6: {  	s9 =	ssub.s32 $0x2, s6;
	s5 =	sadd.s32 s4, s5;
	s4 =	simm.s32 $0x2  }
0x7: {  	[tilespmem:s3], [sflag:$0x2] =	stream.linear.gather [hbm4b:s5+s3], $0x80, $0x38;
	[tilespmem:$0x4080] =	vst v63  }
0x8: {  	s10 =	sshrl.u32 s9, $0x1;
	_ =	swait.ge [sflag:s4], $0x80  }
0x9: {  	s6 =	simm.s32 $0x80;
	s9 =	ssub.s32 s9, s10;
	[sflag:s4] =	ssyncset.done $0x0  }
0xa: {  	s7 =	simm.s32 $0x1;
	s9 =	smax.u32 s9, $0x1;
	[sflag:s4] =	ssyncadd.s32 $0xFFFFFF80  }
0xb: {  	[tilespmem:s6], [sflag:$0x1] =	stream.indirect.gather [hbm4b:s2+s6], $0x80, s3, s6, $0xb8;
	[tilespmem:$0x4080] =	vst v63  }
0xc: {  	s8 =	sshll.u32 s8, $0x4;
	p0 =	sne.s32 s9, $0x1;
	_ =	swait.ge [sflag:s7], $0x4000  }
.Ltmp0:
0xd: {  	s8 =	sadd.s32 s8, s2;
	[sflag:s7] =	ssyncset.done $0x0;
	(pc) =	sbr.rel @!p0 .LBB2_2-.Ltmp0, $4  }
0xe: {  	s8 =	sadd.s32 $0x14000, s8;
	[sflag:s7] =	ssyncadd.s32 $0xFFFFC000  }
0xf: {  	[hbm4b:s8+s3] =	stream.linear.scatter [tilespmem:s6], [sflag:$0x2], $0x4000, $0x38;
	[tilespmem:$0x4080] =	vst v63  }
0x10: {  	_ =	swait.ge [sflag:s4], $0x4000  }
0x11: {  	s9 =	sadd.s32 $0xFFFFFFFF, s9;
	[sflag:s4] =	ssyncset.done $0x0  }
.LBB2_1:
0x12: {  	p0 =	sne.s32 s9, $0x1;
	s9 =	sadd.s32 $0xFFFFFFFF, s9;
	[sflag:s4] =	ssyncadd.s32 $0xFFFFC000  }
0x13: {  	[tilespmem:s3], [sflag:$0x2] =	stream.linear.gather [hbm4b:s5+s3], $0x80, $0x38;
	[tilespmem:$0x4080] =	vst v63  }
0x14: {  	_ =	swait.ge [sflag:s4], $0x80  }
0x15: {  	[sflag:s4] =	ssyncset.done $0x0  }
0x16: {  	[sflag:s4] =	ssyncadd.s32 $0xFFFFFF80  }
0x17: {  	[tilespmem:s6], [sflag:$0x1] =	stream.indirect.gather [hbm4b:s2+s6], $0x80, s3, s6, $0xb8;
	[tilespmem:$0x4080] =	vst v63  }
0x18: {  	_ =	swait.ge [sflag:s7], $0x4000  }
.Ltmp1:
0x19: {  	[sflag:s7] =	ssyncset.done $0x0;
	(pc) =	sbr.rel @p0 .LBB2_1-.Ltmp1, $4  }
0x1a: {  	[sflag:s7] =	ssyncadd.s32 $0xFFFFC000  }
0x1b: {  	[hbm4b:s8+s3] =	stream.linear.scatter [tilespmem:s6], [sflag:$0x2], $0x4000, $0x38;
	[tilespmem:$0x4080] =	vst v63  }
0x1c: {  	_ =	swait.ge [sflag:s4], $0x4000  }
0x1d: {  	[sflag:s4] =	ssyncset.done $0x0  }
.LBB2_2:
0x1e: {  	[sflag:s4] =	ssyncadd.s32 $0xFFFFC000  }
0x1f: {  	_ =	sfence.sel $0x180000  }
0x20: {  	[bflag:$0x0] =	sbarrier.arrive $0xFFFF  }
0x21: {  	p0 =	sne.s32 s0, $0x0;
	_ =	strace $0x9000004D  }
0x22: {  	s0 =	sadd.s32 @!p0 $0x100000, s1;
	[bflag:$0x2] =	sbarrier.arrive $0xFFFF  }
0x23: {  	[sflag:s0] =	ssyncadd.tile.s32 @!p0 $0x1;
	_ =	shalt  }
.Lfunc_end2:
_tile_overlayer_lowered:
.L_overlay_start_2:
0x24: {  	(tag) =	ssettag $0x2  }
0x25: {  	s0 =	rddreg [dreg:$0x0];
	s2 =	stileid.u32  }
0x26: {  	s1 =	rddreg [dreg:$0x1];
	p0 =	sne.s32 s2, $0x0  }
0x27: {  	s3 =	rddreg [dreg:$0x2];
	[bflag:$0x3] =	sbarrier.arrive $0xFFFF;
	s2 =	simm.s32 @!p0 $0x1C02  }
0x28: {  	[timem:s3], [sflag:s2] =	dma.local @!p0 [hbm:s0], s1  }
0x29: {  	s0 =	simm.s32 @!p0 $0x2  }
0x2a: {  	_ =	swait.ge @!p0 [sflag:s0], s1  }
0x2b: {  	s1 =	ssub.s32 @!p0 $0x0, s1;
	[sflag:s0] =	ssyncset.done @!p0 $0x0  }
0x2c: {  	[sflag:s0] =	ssyncadd.s32 @!p0 s1  }
0x2d: {  	[bflag:$0x3] =	sbarrier.arrive $0xFFFF  }
0x2e: {  	_ =	shalt  }

</sc_bundles>
